<compile_context>
chip_gen: v7x
topology: tpu7x:2x2x1
jax: 0.10.2.dev20260603
libtpu: 0.0.44.dev20260713+nightly
codegen_flags: <defaults>
</compile_context>

<pallas_src>
import functools

import jax
import jax.numpy as jnp
from jax import lax
from jax.experimental import pallas as pl
from jax.experimental.pallas import tpu as pltpu
from jax.experimental.pallas import tpu_sc as plsc

NUM_FACTORS = 32
BATCH = 16384
NC, NS = 2, 16
NW = NC * NS
BPW = BATCH // NW
L = 16
TW = 128


def _gmf_sc(users, items, ut_t, it_t, w_flat, b_vec):
    mesh = plsc.VectorSubcoreMesh(core_axis_name="c", subcore_axis_name="s")

    @functools.partial(
        pl.kernel,
        mesh=mesh,
        compiler_params=pltpu.CompilerParams(needs_layout_passes=False),
        out_type=jax.ShapeDtypeStruct((BATCH,), jnp.float32),
        scratch_types=[
            pltpu.VMEM((BPW,), jnp.int32),
            pltpu.VMEM((BPW,), jnp.int32),
            pltpu.VMEM((NUM_FACTORS,), jnp.float32),
            pltpu.VMEM((L,), jnp.float32),
            pltpu.VMEM((L, NUM_FACTORS, TW), jnp.float32),
            pltpu.VMEM((NUM_FACTORS, L), jnp.float32),
            pltpu.VMEM((NUM_FACTORS, L), jnp.float32),
            pltpu.VMEM((BPW,), jnp.float32),
            pltpu.SemaphoreType.DMA,
        ],
    )
    def k(u_hbm, i_hbm, ut_hbm, it_hbm, w_hbm, b_hbm, o_hbm,
          uidx_v, iidx_v, wv, bv, blk, uext, iext, acc, sem):
        wid = lax.axis_index("s") * NC + lax.axis_index("c")
        base = wid * BPW
        pltpu.sync_copy(u_hbm.at[pl.ds(base, BPW)], uidx_v)
        pltpu.sync_copy(i_hbm.at[pl.ds(base, BPW)], iidx_v)
        pltpu.sync_copy(w_hbm, wv)
        pltpu.sync_copy(b_hbm, bv)

        bias = bv[pl.ds(0, L)]
        w0 = wv[pl.ds(0, L)]
        w1 = wv[pl.ds(L, L)]
        rows = lax.iota(jnp.int32, L)

        def fetch_and_extract(tab_hbm, idx_v, ext, c0):
            idx_vec = idx_v[pl.ds(c0, L)]
            for jc in range(L):
                uo = pl.multiple_of(idx_vec[jc] & ~(TW - 1), TW)
                pltpu.async_copy(tab_hbm.at[:, pl.ds(uo, TW)], blk.at[jc], sem)

            @pl.loop(0, L)
            def _(jc):
                pltpu.make_async_copy(
                    tab_hbm.at[:, pl.ds(0, TW)], blk.at[jc], sem).wait()

            lanes = idx_vec & (TW - 1)
            for f in range(NUM_FACTORS):
                col = jnp.full((L,), f, jnp.int32)
                ext[f, :] = plsc.load_gather(blk, [rows, col, lanes])

        @pl.loop(0, BPW, step=L)
        def _(c0):
            fetch_and_extract(ut_hbm, uidx_v, uext, c0)
            fetch_and_extract(it_hbm, iidx_v, iext, c0)

            accv = jnp.zeros((L,), jnp.float32)
            for f in range(NUM_FACTORS):
                wf = w0[f] if f < L else w1[f - L]
                accv = accv + uext[f, :] * iext[f, :] * wf
            acc[pl.ds(c0, L)] = 1.0 / (1.0 + jnp.exp(-(accv + bias)))

        pltpu.sync_copy(acc, o_hbm.at[pl.ds(base, BPW)])

    return k(users, items, ut_t, it_t, w_flat, b_vec)


def kernel(users, items, user_table, item_table, W, b):
    users = users.astype(jnp.int32)
    items = items.astype(jnp.int32)
    b_vec = jnp.broadcast_to(b.astype(jnp.float32), (L,))
    return _gmf_sc(users, items, user_table.T, item_table.T,
                   W.reshape(-1), b_vec)

# --- scband reference (transcript-rebuilt; emitter-appended) ---
"""Pipeline reference for scband-gmf-60816736911512 (READ-ONLY COPY).

The authoritative reference and input builder live on the scoring server;
editing this copy changes nothing except your own understanding.
"""

import jax, jax.numpy as jnp
import numpy as np

NUM_USERS = 1000000
NUM_ITEMS = 1000000
NUM_FACTORS = 32
BATCH = 16384


def setup_inputs(seed: int = 0) -> dict:
    key = jax.random.key(seed)
    k_u, k_i, k_ut, k_it, k_w, k_b = jax.random.split(key, 6)
    users = jax.random.randint(k_u, (BATCH,), 0, NUM_USERS, dtype=jnp.int64 if jax.config.jax_enable_x64 else jnp.int32)
    items = jax.random.randint(k_i, (BATCH,), 0, NUM_ITEMS, dtype=jnp.int64 if jax.config.jax_enable_x64 else jnp.int32)
    user_table = jax.random.normal(k_ut, (NUM_USERS, NUM_FACTORS), dtype=jnp.float32) * 0.01
    item_table = jax.random.normal(k_it, (NUM_ITEMS, NUM_FACTORS), dtype=jnp.float32) * 0.01
    # predict layer: Linear(num_factors, 1)
    bound = 1.0 / np.sqrt(NUM_FACTORS)
    W = jax.random.uniform(k_w, (NUM_FACTORS, 1), minval=-bound, maxval=bound, dtype=jnp.float32)
    b = jax.random.uniform(k_b, (1,), minval=-bound, maxval=bound, dtype=jnp.float32)
    return {"users": users, "items": items, "user_table": user_table, "item_table": item_table, "W": W, "b": b}


def reference(users, items, user_table, item_table, W, b):
    # embedding lookups (gather)
    user_embedded = jnp.take(user_table, users, axis=0)
    item_embedded = jnp.take(item_table, items, axis=0)
    output_GMF = user_embedded * item_embedded
    # predict layer (neumf == False path)
    prediction = output_GMF @ W + b
    sigmoid = jax.nn.sigmoid(prediction)
    return sigmoid.reshape(-1)

if __name__ == "__main__":
    import jax
    _d = setup_inputs()
    print(jax.jit(kernel)(*tuple(_d.values())))

</pallas_src>

<mosaic_0001>
#map = affine_map<(d0, d1) -> (0)>
#map1 = affine_map<(d0, d1) -> (0, 0)>
module attributes {stable_mosaic.version = 14 : i64} {
  func.func @k(%arg0: i32, %arg1: i32, %arg2: memref<16384xi32, #tpu.memory_space<hbm>>, %arg3: memref<16384xi32, #tpu.memory_space<hbm>>, %arg4: memref<32x1000000xf32, #tpu.memory_space<hbm>>, %arg5: memref<32x1000000xf32, #tpu.memory_space<hbm>>, %arg6: memref<32xf32, #tpu.memory_space<hbm>>, %arg7: memref<16xf32, #tpu.memory_space<hbm>>, %arg8: memref<16384xf32, #tpu.memory_space<hbm>>, %arg9: memref<512xi32, #tpu.memory_space<vmem>>, %arg10: memref<512xi32, #tpu.memory_space<vmem>>, %arg11: memref<32xf32, #tpu.memory_space<vmem>>, %arg12: memref<16xf32, #tpu.memory_space<vmem>>, %arg13: memref<16x32x128xf32, #tpu.memory_space<vmem>>, %arg14: memref<32x16xf32, #tpu.memory_space<vmem>>, %arg15: memref<32x16xf32, #tpu.memory_space<vmem>>, %arg16: memref<512xf32, #tpu.memory_space<vmem>>, %arg17: memref<!tpu.dma_semaphore, #tpu.memory_space<semaphore_mem>>) attributes {dimension_semantics = [#tpu.dimension_semantics<core_parallel>, #tpu.dimension_semantics<subcore_parallel>], iteration_bounds = array<i64: 2, 16>, scalar_prefetch = 0 : i64, scratch_operands = 9 : i64, tpu.core_type = #tpu.core_type<sc_vector_subcore>, window_params = [{transform_indices = #map}, {transform_indices = #map}, {transform_indices = #map1}, {transform_indices = #map1}, {transform_indices = #map}, {transform_indices = #map}, {transform_indices = #map}]} {
    %mul3A = arith.constant 2 : i32
    %mul3A_0 = arith.muli %arg1, %mul3A : i32
    %add3A = arith.addi %mul3A_0, %arg0 : i32
    %mul3A_1 = arith.constant 512 : i32
    %mul3A_2 = arith.muli %add3A, %mul3A_1 : i32
    "tpu.region"() ({
      %run_scoped3A = tpu.sem_alloc : memref<!tpu.dma_semaphore, #tpu.memory_space<semaphore_mem>>
      %dma_start3A = tpu.memref_slice %arg2[%mul3A_2] : memref<16384xi32, #tpu.memory_space<hbm>> -> memref<512xi32, #tpu.memory_space<hbm>>
      %dma_start3A_12 = tpu.memref_slice %arg2[%mul3A_2] : memref<16384xi32, #tpu.memory_space<hbm>> -> memref<512xi32, #tpu.memory_space<hbm>>
      tpu.enqueue_dma source(%dma_start3A_12 : memref<512xi32, #tpu.memory_space<hbm>>) target(%arg9 : memref<512xi32, #tpu.memory_space<vmem>>) target_semaphore(%run_scoped3A : memref<!tpu.dma_semaphore, #tpu.memory_space<semaphore_mem>>)
      %dma_wait3A = tpu.memref_slice %arg2[%mul3A_2] : memref<16384xi32, #tpu.memory_space<hbm>> -> memref<512xi32, #tpu.memory_space<hbm>>
      %dma_wait3A_13 = tpu.memref_slice %arg2[%mul3A_2] : memref<16384xi32, #tpu.memory_space<hbm>> -> memref<512xi32, #tpu.memory_space<hbm>>
      tpu.wait_dma2 semaphore(%run_scoped3A : memref<!tpu.dma_semaphore, #tpu.memory_space<semaphore_mem>>) src(%dma_wait3A_13 : memref<512xi32, #tpu.memory_space<hbm>>) dst(%arg9 : memref<512xi32, #tpu.memory_space<vmem>>)
      tpu.yield
    }) : () -> ()
    "tpu.region"() ({
      %run_scoped3A = tpu.sem_alloc : memref<!tpu.dma_semaphore, #tpu.memory_space<semaphore_mem>>
      %dma_start3A = tpu.memref_slice %arg3[%mul3A_2] : memref<16384xi32, #tpu.memory_space<hbm>> -> memref<512xi32, #tpu.memory_space<hbm>>
      %dma_start3A_12 = tpu.memref_slice %arg3[%mul3A_2] : memref<16384xi32, #tpu.memory_space<hbm>> -> memref<512xi32, #tpu.memory_space<hbm>>
      tpu.enqueue_dma source(%dma_start3A_12 : memref<512xi32, #tpu.memory_space<hbm>>) target(%arg10 : memref<512xi32, #tpu.memory_space<vmem>>) target_semaphore(%run_scoped3A : memref<!tpu.dma_semaphore, #tpu.memory_space<semaphore_mem>>)
      %dma_wait3A = tpu.memref_slice %arg3[%mul3A_2] : memref<16384xi32, #tpu.memory_space<hbm>> -> memref<512xi32, #tpu.memory_space<hbm>>
      %dma_wait3A_13 = tpu.memref_slice %arg3[%mul3A_2] : memref<16384xi32, #tpu.memory_space<hbm>> -> memref<512xi32, #tpu.memory_space<hbm>>
      tpu.wait_dma2 semaphore(%run_scoped3A : memref<!tpu.dma_semaphore, #tpu.memory_space<semaphore_mem>>) src(%dma_wait3A_13 : memref<512xi32, #tpu.memory_space<hbm>>) dst(%arg10 : memref<512xi32, #tpu.memory_space<vmem>>)
      tpu.yield
    }) : () -> ()
    "tpu.region"() ({
      %run_scoped3A = tpu.sem_alloc : memref<!tpu.dma_semaphore, #tpu.memory_space<semaphore_mem>>
      tpu.enqueue_dma source(%arg6 : memref<32xf32, #tpu.memory_space<hbm>>) target(%arg11 : memref<32xf32, #tpu.memory_space<vmem>>) target_semaphore(%run_scoped3A : memref<!tpu.dma_semaphore, #tpu.memory_space<semaphore_mem>>)
      tpu.wait_dma2 semaphore(%run_scoped3A : memref<!tpu.dma_semaphore, #tpu.memory_space<semaphore_mem>>) src(%arg6 : memref<32xf32, #tpu.memory_space<hbm>>) dst(%arg11 : memref<32xf32, #tpu.memory_space<vmem>>)
      tpu.yield
    }) : () -> ()
    "tpu.region"() ({
      %run_scoped3A = tpu.sem_alloc : memref<!tpu.dma_semaphore, #tpu.memory_space<semaphore_mem>>
      tpu.enqueue_dma source(%arg7 : memref<16xf32, #tpu.memory_space<hbm>>) target(%arg12 : memref<16xf32, #tpu.memory_space<vmem>>) target_semaphore(%run_scoped3A : memref<!tpu.dma_semaphore, #tpu.memory_space<semaphore_mem>>)
      tpu.wait_dma2 semaphore(%run_scoped3A : memref<!tpu.dma_semaphore, #tpu.memory_space<semaphore_mem>>) src(%arg7 : memref<16xf32, #tpu.memory_space<hbm>>) dst(%arg12 : memref<16xf32, #tpu.memory_space<vmem>>)
      tpu.yield
    }) : () -> ()
    %get3A = arith.constant 0 : index
    %get3A_3 = tpu.vector_load %arg12[%get3A] {strides = array<i32>} : memref<16xf32, #tpu.memory_space<vmem>>, vector<16xf32>,
    %get3A_4 = arith.constant 0 : index
    %get3A_5 = tpu.vector_load %arg11[%get3A_4] {strides = array<i32>} : memref<32xf32, #tpu.memory_space<vmem>>, vector<16xf32>,
    %get3A_6 = arith.constant 16 : index
    %get3A_7 = tpu.vector_load %arg11[%get3A_6] {strides = array<i32>} : memref<32xf32, #tpu.memory_space<vmem>>, vector<16xf32>,
    %iota3A = tpu.iota {dimensions = array<i32: 0>} : vector<16xi32>
    %scan3A = arith.constant 0 : i32
    %scan3A_8 = arith.constant 32 : i32
    %scan3A_9 = arith.addi %scan3A, %scan3A_8 : i32
    %scan3A_10 = arith.constant 1 : i32
    scf.for %scan3A_12 = %scan3A to %scan3A_9 step %scan3A_10  : i32 {
      %mul3A_13 = arith.constant 16 : i32
      %mul3A_14 = arith.muli %scan3A_12, %mul3A_13 : i32
      %add3A_15 = arith.constant 0 : i32
      %add3A_16 = arith.addi %add3A_15, %mul3A_14 : i32
      %get3A_17 = arith.index_cast %add3A_16 : i32 to index
      %get3A_18 = tpu.vector_load %arg9[%get3A_17] {strides = array<i32>} : memref<512xi32, #tpu.memory_space<vmem>>, vector<16xi32>,
      %slice3A = vector.extract_strided_slice %get3A_18 {offsets = [0], sizes = [1], strides = [1]} : vector<16xi32> to vector<1xi32>
      %squeeze3A = vector.extract %slice3A[0] : i32 from vector<1xi32>
      %and3A = arith.constant -128 : i32
      %and3A_19 = arith.andi %squeeze3A, %and3A : i32
      %multiple_of3A = tpu.assume_multiple %and3A_19, 128 : i32
      %dma_start3A = arith.constant 0 : i32
      %dma_start3A_20 = arith.constant 0 : i32
      %dma_start3A_21 = arith.constant 0 : i32
      %dma_start3A_22 = tpu.memref_slice %arg13[%dma_start3A, %dma_start3A_20, %dma_start3A_21] : memref<16x32x128xf32, #tpu.memory_space<vmem>> -> memref<1x32x128xf32, #tpu.memory_space<vmem>>
      %dma_start3A_23 = tpu.memref_squeeze %dma_start3A_22 : memref<1x32x128xf32, #tpu.memory_space<vmem>> -> memref<32x128xf32, #tpu.memory_space<vmem>>
      %dma_start3A_24 = arith.constant 0 : i32
      %dma_start3A_25 = tpu.memref_slice %arg4[%dma_start3A_24, %multiple_of3A] : memref<32x1000000xf32, #tpu.memory_space<hbm>> -> memref<32x128xf32, #tpu.memory_space<hbm>>
      %dma_start3A_26 = arith.constant 0 : i32
      %dma_start3A_27 = arith.constant 0 : i32
      %dma_start3A_28 = tpu.memref_slice %arg13[%dma_start3A, %dma_start3A_26, %dma_start3A_27] : memref<16x32x128xf32, #tpu.memory_space<vmem>> -> memref<1x32x128xf32, #tpu.memory_space<vmem>>
      %dma_start3A_29 = tpu.memref_squeeze %dma_start3A_28 : memref<1x32x128xf32, #tpu.memory_space<vmem>> -> memref<32x128xf32, #tpu.memory_space<vmem>>
      %dma_start3A_30 = arith.constant 0 : i32
      %dma_start3A_31 = tpu.memref_slice %arg4[%dma_start3A_30, %multiple_of3A] : memref<32x1000000xf32, #tpu.memory_space<hbm>> -> memref<32x128xf32, #tpu.memory_space<hbm>>
      tpu.enqueue_dma source(%dma_start3A_31 : memref<32x128xf32, #tpu.memory_space<hbm>>) target(%dma_start3A_29 : memref<32x128xf32, #tpu.memory_space<vmem>>) target_semaphore(%arg17 : memref<!tpu.dma_semaphore, #tpu.memory_space<semaphore_mem>>)
      %slice3A_32 = vector.extract_strided_slice %get3A_18 {offsets = [1], sizes = [1], strides = [1]} : vector<16xi32> to vector<1xi32>
      %squeeze3A_33 = vector.extract %slice3A_32[0] : i32 from vector<1xi32>
      %and3A_34 = arith.constant -128 : i32
      %and3A_35 = arith.andi %squeeze3A_33, %and3A_34 : i32
      %multiple_of3A_36 = tpu.assume_multiple %and3A_35, 128 : i32
      %dma_start3A_37 = arith.constant 1 : i32
      %dma_start3A_38 = arith.constant 0 : i32
      %dma_start3A_39 = arith.constant 0 : i32
      %dma_start3A_40 = tpu.memref_slice %arg13[%dma_start3A_37, %dma_start3A_38, %dma_start3A_39] : memref<16x32x128xf32, #tpu.memory_space<vmem>> -> memref<1x32x128xf32, #tpu.memory_space<vmem>>
      %dma_start3A_41 = tpu.memref_squeeze %dma_start3A_40 : memref<1x32x128xf32, #tpu.memory_space<vmem>> -> memref<32x128xf32, #tpu.memory_space<vmem>>
      %dma_start3A_42 = arith.constant 0 : i32
      %dma_start3A_43 = tpu.memref_slice %arg4[%dma_start3A_42, %multiple_of3A_36] : memref<32x1000000xf32, #tpu.memory_space<hbm>> -> memref<32x128xf32, #tpu.memory_space<hbm>>
      %dma_start3A_44 = arith.constant 0 : i32
      %dma_start3A_45 = arith.constant 0 : i32
      %dma_start3A_46 = tpu.memref_slice %arg13[%dma_start3A_37, %dma_start3A_44, %dma_start3A_45] : memref<16x32x128xf32, #tpu.memory_space<vmem>> -> memref<1x32x128xf32, #tpu.memory_space<vmem>>
      %dma_start3A_47 = tpu.memref_squeeze %dma_start3A_46 : memref<1x32x128xf32, #tpu.memory_space<vmem>> -> memref<32x128xf32, #tpu.memory_space<vmem>>
      %dma_start3A_48 = arith.constant 0 : i32
      %dma_start3A_49 = tpu.memref_slice %arg4[%dma_start3A_48, %multiple_of3A_36] : memref<32x1000000xf32, #tpu.memory_space<hbm>> -> memref<32x128xf32, #tpu.memory_space<hbm>>
      tpu.enqueue_dma source(%dma_start3A_49 : memref<32x128xf32, #tpu.memory_space<hbm>>) target(%dma_start3A_47 : memref<32x128xf32, #tpu.memory_space<vmem>>) target_semaphore(%arg17 : memref<!tpu.dma_semaphore, #tpu.memory_space<semaphore_mem>>)
      %slice3A_50 = vector.extract_strided_slice %get3A_18 {offsets = [2], sizes = [1], strides = [1]} : vector<16xi32> to vector<1xi32>
      %squeeze3A_51 = vector.extract %slice3A_50[0] : i32 from vector<1xi32>
      %and3A_52 = arith.constant -128 : i32
      %and3A_53 = arith.andi %squeeze3A_51, %and3A_52 : i32
      %multiple_of3A_54 = tpu.assume_multiple %and3A_53, 128 : i32
      %dma_start3A_55 = arith.constant 2 : i32
      %dma_start3A_56 = arith.constant 0 : i32
      %dma_start3A_57 = arith.constant 0 : i32
      %dma_start3A_58 = tpu.memref_slice %arg13[%dma_start3A_55, %dma_start3A_56, %dma_start3A_57] : memref<16x32x128xf32, #tpu.memory_space<vmem>> -> memref<1x32x128xf32, #tpu.memory_space<vmem>>
      %dma_start3A_59 = tpu.memref_squeeze %dma_start3A_58 : memref<1x32x128xf32, #tpu.memory_space<vmem>> -> memref<32x128xf32, #tpu.memory_space<vmem>>
      %dma_start3A_60 = arith.constant 0 : i32
      %dma_start3A_61 = tpu.memref_slice %arg4[%dma_start3A_60, %multiple_of3A_54] : memref<32x1000000xf32, #tpu.memory_space<hbm>> -> memref<32x128xf32, #tpu.memory_space<hbm>>
      %dma_start3A_62 = arith.constant 0 : i32
      %dma_start3A_63 = arith.constant 0 : i32
      %dma_start3A_64 = tpu.memref_slice %arg13[%dma_start3A_55, %dma_start3A_62, %dma_start3A_63] : memref<16x32x128xf32, #tpu.memory_space<vmem>> -> memref<1x32x128xf32, #tpu.memory_space<vmem>>
      %dma_start3A_65 = tpu.memref_squeeze %dma_start3A_64 : memref<1x32x128xf32, #tpu.memory_space<vmem>> -> memref<32x128xf32, #tpu.memory_space<vmem>>
      %dma_start3A_66 = arith.constant 0 : i32
      %dma_start3A_67 = tpu.memref_slice %arg4[%dma_start3A_66, %multiple_of3A_54] : memref<32x1000000xf32, #tpu.memory_space<hbm>> -> memref<32x128xf32, #tpu.memory_space<hbm>>
      tpu.enqueue_dma source(%dma_start3A_67 : memref<32x128xf32, #tpu.memory_space<hbm>>) target(%dma_start3A_65 : memref<32x128xf32, #tpu.memory_space<vmem>>) target_semaphore(%arg17 : memref<!tpu.dma_semaphore, #tpu.memory_space<semaphore_mem>>)
      %slice3A_68 = vector.extract_strided_slice %get3A_18 {offsets = [3], sizes = [1], strides = [1]} : vector<16xi32> to vector<1xi32>
      %squeeze3A_69 = vector.extract %slice3A_68[0] : i32 from vector<1xi32>
      %and3A_70 = arith.constant -128 : i32
      %and3A_71 = arith.andi %squeeze3A_69, %and3A_70 : i32
      %multiple_of3A_72 = tpu.assume_multiple %and3A_71, 128 : i32
      %dma_start3A_73 = arith.constant 3 : i32
      %dma_start3A_74 = arith.constant 0 : i32
      %dma_start3A_75 = arith.constant 0 : i32
      %dma_start3A_76 = tpu.memref_slice %arg13[%dma_start3A_73, %dma_start3A_74, %dma_start3A_75] : memref<16x32x128xf32, #tpu.memory_space<vmem>> -> memref<1x32x128xf32, #tpu.memory_space<vmem>>
      %dma_start3A_77 = tpu.memref_squeeze %dma_start3A_76 : memref<1x32x128xf32, #tpu.memory_space<vmem>> -> memref<32x128xf32, #tpu.memory_space<vmem>>
      %dma_start3A_78 = arith.constant 0 : i32
      %dma_start3A_79 = tpu.memref_slice %arg4[%dma_start3A_78, %multiple_of3A_72] : memref<32x1000000xf32, #tpu.memory_space<hbm>> -> memref<32x128xf32, #tpu.memory_space<hbm>>
      %dma_start3A_80 = arith.constant 0 : i32
      %dma_start3A_81 = arith.constant 0 : i32
      %dma_start3A_82 = tpu.memref_slice %arg13[%dma_start3A_73, %dma_start3A_80, %dma_start3A_81] : memref<16x32x128xf32, #tpu.memory_space<vmem>> -> memref<1x32x128xf32, #tpu.memory_space<vmem>>
      %dma_start3A_83 = tpu.memref_squeeze %dma_start3A_82 : memref<1x32x128xf32, #tpu.memory_space<vmem>> -> memref<32x128xf32, #tpu.memory_space<vmem>>
      %dma_start3A_84 = arith.constant 0 : i32
      %dma_start3A_85 = tpu.memref_slice %arg4[%dma_start3A_84, %multiple_of3A_72] : memref<32x1000000xf32, #tpu.memory_space<hbm>> -> memref<32x128xf32, #tpu.memory_space<hbm>>
      tpu.enqueue_dma source(%dma_start3A_85 : memref<32x128xf32, #tpu.memory_space<hbm>>) target(%dma_start3A_83 : memref<32x128xf32, #tpu.memory_space<vmem>>) target_semaphore(%arg17 : memref<!tpu.dma_semaphore, #tpu.memory_space<semaphore_mem>>)
      %slice3A_86 = vector.extract_strided_slice %get3A_18 {offsets = [4], sizes = [1], strides = [1]} : vector<16xi32> to vector<1xi32>
      %squeeze3A_87 = vector.extract %slice3A_86[0] : i32 from vector<1xi32>
      %and3A_88 = arith.constant -128 : i32
      %and3A_89 = arith.andi %squeeze3A_87, %and3A_88 : i32
      %multiple_of3A_90 = tpu.assume_multiple %and3A_89, 128 : i32
      %dma_start3A_91 = arith.constant 4 : i32
      %dma_start3A_92 = arith.constant 0 : i32
      %dma_start3A_93 = arith.constant 0 : i32
      %dma_start3A_94 = tpu.memref_slice %arg13[%dma_start3A_91, %dma_start3A_92, %dma_start3A_93] : memref<16x32x128xf32, #tpu.memory_space<vmem>> -> memref<1x32x128xf32, #tpu.memory_space<vmem>>
      %dma_start3A_95 = tpu.memref_squeeze %dma_start3A_94 : memref<1x32x128xf32, #tpu.memory_space<vmem>> -> memref<32x128xf32, #tpu.memory_space<vmem>>
      %dma_start3A_96 = arith.constant 0 : i32
      %dma_start3A_97 = tpu.memref_slice %arg4[%dma_start3A_96, %multiple_of3A_90] : memref<32x1000000xf32, #tpu.memory_space<hbm>> -> memref<32x128xf32, #tpu.memory_space<hbm>>
      %dma_start3A_98 = arith.constant 0 : i32
      %dma_start3A_99 = arith.constant 0 : i32
      %dma_start3A_100 = tpu.memref_slice %arg13[%dma_start3A_91, %dma_start3A_98, %dma_start3A_99] : memref<16x32x128xf32, #tpu.memory_space<vmem>> -> memref<1x32x128xf32, #tpu.memory_space<vmem>>
      %dma_start3A_101 = tpu.memref_squeeze %dma_start3A_100 : memref<1x32x128xf32, #tpu.memory_space<vmem>> -> memref<32x128xf32, #tpu.memory_space<vmem>>
      %dma_start3A_102 = arith.constant 0 : i32
      %dma_start3A_103 = tpu.memref_slice %arg4[%dma_start3A_102, %multiple_of3A_90] : memref<32x1000000xf32, #tpu.memory_space<hbm>> -> memref<32x128xf32, #tpu.memory_space<hbm>>
      tpu.enqueue_dma source(%dma_start3A_103 : memref<32x128xf32, #tpu.memory_space<hbm>>) target(%dma_start3A_101 : memref<32x128xf32, #tpu.memory_space<vmem>>) target_semaphore(%arg17 : memref<!tpu.dma_semaphore, #tpu.memory_space<semaphore_mem>>)
      %slice3A_104 = vector.extract_strided_slice %get3A_18 {offsets = [5], sizes = [1], strides = [1]} : vector<16xi32> to vector<1xi32>
      %squeeze3A_105 = vector.extract %slice3A_104[0] : i32 from vector<1xi32>
      %and3A_106 = arith.constant -128 : i32
      %and3A_107 = arith.andi %squeeze3A_105, %and3A_106 : i32
      %multiple_of3A_108 = tpu.assume_multiple %and3A_107, 128 : i32
      %dma_start3A_109 = arith.constant 5 : i32
      %dma_start3A_110 = arith.constant 0 : i32
      %dma_start3A_111 = arith.constant 0 : i32
      %dma_start3A_112 = tpu.memref_slice %arg13[%dma_start3A_109, %dma_start3A_110, %dma_start3A_111] : memref<16x32x128xf32, #tpu.memory_space<vmem>> -> memref<1x32x128xf32, #tpu.memory_space<vmem>>
      %dma_start3A_113 = tpu.memref_squeeze %dma_start3A_112 : memref<1x32x128xf32, #tpu.memory_space<vmem>> -> memref<32x128xf32, #tpu.memory_space<vmem>>
      %dma_start3A_114 = arith.constant 0 : i32
      %dma_start3A_115 = tpu.memref_slice %arg4[%dma_start3A_114, %multiple_of3A_108] : memref<32x1000000xf32, #tpu.memory_space<hbm>> -> memref<32x128xf32, #tpu.memory_space<hbm>>
      %dma_start3A_116 = arith.constant 0 : i32
      %dma_start3A_117 = arith.constant 0 : i32
      %dma_start3A_118 = tpu.memref_slice %arg13[%dma_start3A_109, %dma_start3A_116, %dma_start3A_117] : memref<16x32x128xf32, #tpu.memory_space<vmem>> -> memref<1x32x128xf32, #tpu.memory_space<vmem>>
      %dma_start3A_119 = tpu.memref_squeeze %dma_start3A_118 : memref<1x32x128xf32, #tpu.memory_space<vmem>> -> memref<32x128xf32, #tpu.memory_space<vmem>>
      %dma_start3A_120 = arith.constant 0 : i32
      %dma_start3A_121 = tpu.memref_slice %arg4[%dma_start3A_120, %multiple_of3A_108] : memref<32x1000000xf32, #tpu.memory_space<hbm>> -> memref<32x128xf32, #tpu.memory_space<hbm>>
      tpu.enqueue_dma source(%dma_start3A_121 : memref<32x128xf32, #tpu.memory_space<hbm>>) target(%dma_start3A_119 : memref<32x128xf32, #tpu.memory_space<vmem>>) target_semaphore(%arg17 : memref<!tpu.dma_semaphore, #tpu.memory_space<semaphore_mem>>)
      %slice3A_122 = vector.extract_strided_slice %get3A_18 {offsets = [6], sizes = [1], strides = [1]} : vector<16xi32> to vector<1xi32>
      %squeeze3A_123 = vector.extract %slice3A_122[0] : i32 from vector<1xi32>
      %and3A_124 = arith.constant -128 : i32
      %and3A_125 = arith.andi %squeeze3A_123, %and3A_124 : i32
      %multiple_of3A_126 = tpu.assume_multiple %and3A_125, 128 : i32
      %dma_start3A_127 = arith.constant 6 : i32
      %dma_start3A_128 = arith.constant 0 : i32
      %dma_start3A_129 = arith.constant 0 : i32
      %dma_start3A_130 = tpu.memref_slice %arg13[%dma_start3A_127, %dma_start3A_128, %dma_start3A_129] : memref<16x32x128xf32, #tpu.memory_space<vmem>> -> memref<1x32x128xf32, #tpu.memory_space<vmem>>
      %dma_start3A_131 = tpu.memref_squeeze %dma_start3A_130 : memref<1x32x128xf32, #tpu.memory_space<vmem>> -> memref<32x128xf32, #tpu.memory_space<vmem>>
      %dma_start3A_132 = arith.constant 0 : i32
      %dma_start3A_133 = tpu.memref_slice %arg4[%dma_start3A_132, %multiple_of3A_126] : memref<32x1000000xf32, #tpu.memory_space<hbm>> -> memref<32x128xf32, #tpu.memory_space<hbm>>
      %dma_start3A_134 = arith.constant 0 : i32
      %dma_start3A_135 = arith.constant 0 : i32
      %dma_start3A_136 = tpu.memref_slice %arg13[%dma_start3A_127, %dma_start3A_134, %dma_start3A_135] : memref<16x32x128xf32, #tpu.memory_space<vmem>> -> memref<1x32x128xf32, #tpu.memory_space<vmem>>
      %dma_start3A_137 = tpu.memref_squeeze %dma_start3A_136 : memref<1x32x128xf32, #tpu.memory_space<vmem>> -> memref<32x128xf32, #tpu.memory_space<vmem>>
      %dma_start3A_138 = arith.constant 0 : i32
      %dma_start3A_139 = tpu.memref_slice %arg4[%dma_start3A_138, %multiple_of3A_126] : memref<32x1000000xf32, #tpu.memory_space<hbm>> -> memref<32x128xf32, #tpu.memory_space<hbm>>
      tpu.enqueue_dma source(%dma_start3A_139 : memref<32x128xf32, #tpu.memory_space<hbm>>) target(%dma_start3A_137 : memref<32x128xf32, #tpu.memory_space<vmem>>) target_semaphore(%arg17 : memref<!tpu.dma_semaphore, #tpu.memory_space<semaphore_mem>>)
      %slice3A_140 = vector.extract_strided_slice %get3A_18 {offsets = [7], sizes = [1], strides = [1]} : vector<16xi32> to vector<1xi32>
      %squeeze3A_141 = vector.extract %slice3A_140[0] : i32 from vector<1xi32>
      %and3A_142 = arith.constant -128 : i32
      %and3A_143 = arith.andi %squeeze3A_141, %and3A_142 : i32
      %multiple_of3A_144 = tpu.assume_multiple %and3A_143, 128 : i32
      %dma_start3A_145 = arith.constant 7 : i32
      %dma_start3A_146 = arith.constant 0 : i32
      %dma_start3A_147 = arith.constant 0 : i32
      %dma_start3A_148 = tpu.memref_slice %arg13[%dma_start3A_145, %dma_start3A_146, %dma_start3A_147] : memref<16x32x128xf32, #tpu.memory_space<vmem>> -> memref<1x32x128xf32, #tpu.memory_space<vmem>>
      %dma_start3A_149 = tpu.memref_squeeze %dma_start3A_148 : memref<1x32x128xf32, #tpu.memory_space<vmem>> -> memref<32x128xf32, #tpu.memory_space<vmem>>
      %dma_start3A_150 = arith.constant 0 : i32
      %dma_start3A_151 = tpu.memref_slice %arg4[%dma_start3A_150, %multiple_of3A_144] : memref<32x1000000xf32, #tpu.memory_space<hbm>> -> memref<32x128xf32, #tpu.memory_space<hbm>>
      %dma_start3A_152 = arith.constant 0 : i32
      %dma_start3A_153 = arith.constant 0 : i32
      %dma_start3A_154 = tpu.memref_slice %arg13[%dma_start3A_145, %dma_start3A_152, %dma_start3A_153] : memref<16x32x128xf32, #tpu.memory_space<vmem>> -> memref<1x32x128xf32, #tpu.memory_space<vmem>>
      %dma_start3A_155 = tpu.memref_squeeze %dma_start3A_154 : memref<1x32x128xf32, #tpu.memory_space<vmem>> -> memref<32x128xf32, #tpu.memory_space<vmem>>
      %dma_start3A_156 = arith.constant 0 : i32
      %dma_start3A_157 = tpu.memref_slice %arg4[%dma_start3A_156, %multiple_of3A_144] : memref<32x1000000xf32, #tpu.memory_space<hbm>> -> memref<32x128xf32, #tpu.memory_space<hbm>>
      tpu.enqueue_dma source(%dma_start3A_157 : memref<32x128xf32, #tpu.memory_space<hbm>>) target(%dma_start3A_155 : memref<32x128xf32, #tpu.memory_space<vmem>>) target_semaphore(%arg17 : memref<!tpu.dma_semaphore, #tpu.memory_space<semaphore_mem>>)
      %slice3A_158 = vector.extract_strided_slice %get3A_18 {offsets = [8], sizes = [1], strides = [1]} : vector<16xi32> to vector<1xi32>
      %squeeze3A_159 = vector.extract %slice3A_158[0] : i32 from vector<1xi32>
      %and3A_160 = arith.constant -128 : i32
      %and3A_161 = arith.andi %squeeze3A_159, %and3A_160 : i32
      %multiple_of3A_162 = tpu.assume_multiple %and3A_161, 128 : i32
      %dma_start3A_163 = arith.constant 8 : i32
      %dma_start3A_164 = arith.constant 0 : i32
      %dma_start3A_165 = arith.constant 0 : i32
      %dma_start3A_166 = tpu.memref_slice %arg13[%dma_start3A_163, %dma_start3A_164, %dma_start3A_165] : memref<16x32x128xf32, #tpu.memory_space<vmem>> -> memref<1x32x128xf32, #tpu.memory_space<vmem>>
      %dma_start3A_167 = tpu.memref_squeeze %dma_start3A_166 : memref<1x32x128xf32, #tpu.memory_space<vmem>> -> memref<32x128xf32, #tpu.memory_space<vmem>>
      %dma_start3A_168 = arith.constant 0 : i32
      %dma_start3A_169 = tpu.memref_slice %arg4[%dma_start3A_168, %multiple_of3A_162] : memref<32x1000000xf32, #tpu.memory_space<hbm>> -> memref<32x128xf32, #tpu.memory_space<hbm>>
      %dma_start3A_170 = arith.constant 0 : i32
      %dma_start3A_171 = arith.constant 0 : i32
      %dma_start3A_172 = tpu.memref_slice %arg13[%dma_start3A_163, %dma_start3A_170, %dma_start3A_171] : memref<16x32x128xf32, #tpu.memory_space<vmem>> -> memref<1x32x128xf32, #tpu.memory_space<vmem>>
      %dma_start3A_173 = tpu.memref_squeeze %dma_start3A_172 : memref<1x32x128xf32, #tpu.memory_space<vmem>> -> memref<32x128xf32, #tpu.memory_space<vmem>>
      %dma_start3A_174 = arith.constant 0 : i32
      %dma_start3A_175 = tpu.memref_slice %arg4[%dma_start3A_174, %multiple_of3A_162] : memref<32x1000000xf32, #tpu.memory_space<hbm>> -> memref<32x128xf32, #tpu.memory_space<hbm>>
      tpu.enqueue_dma source(%dma_start3A_175 : memref<32x128xf32, #tpu.memory_space<hbm>>) target(%dma_start3A_173 : memref<32x128xf32, #tpu.memory_space<vmem>>) target_semaphore(%arg17 : memref<!tpu.dma_semaphore, #tpu.memory_space<semaphore_mem>>)
      %slice3A_176 = vector.extract_strided_slice %get3A_18 {offsets = [9], sizes = [1], strides = [1]} : vector<16xi32> to vector<1xi32>
      %squeeze3A_177 = vector.extract %slice3A_176[0] : i32 from vector<1xi32>
      %and3A_178 = arith.constant -128 : i32
      %and3A_179 = arith.andi %squeeze3A_177, %and3A_178 : i32
      %multiple_of3A_180 = tpu.assume_multiple %and3A_179, 128 : i32
      %dma_start3A_181 = arith.constant 9 : i32
      %dma_start3A_182 = arith.constant 0 : i32
      %dma_start3A_183 = arith.constant 0 : i32
      %dma_start3A_184 = tpu.memref_slice %arg13[%dma_start3A_181, %dma_start3A_182, %dma_start3A_183] : memref<16x32x128xf32, #tpu.memory_space<vmem>> -> memref<1x32x128xf32, #tpu.memory_space<vmem>>
      %dma_start3A_185 = tpu.memref_squeeze %dma_start3A_184 : memref<1x32x128xf32, #tpu.memory_space<vmem>> -> memref<32x128xf32, #tpu.memory_space<vmem>>
      %dma_start3A_186 = arith.constant 0 : i32
      %dma_start3A_187 = tpu.memref_slice %arg4[%dma_start3A_186, %multiple_of3A_180] : memref<32x1000000xf32, #tpu.memory_space<hbm>> -> memref<32x128xf32, #tpu.memory_space<hbm>>
      %dma_start3A_188 = arith.constant 0 : i32
      %dma_start3A_189 = arith.constant 0 : i32
      %dma_start3A_190 = tpu.memref_slice %arg13[%dma_start3A_181, %dma_start3A_188, %dma_start3A_189] : memref<16x32x128xf32, #tpu.memory_space<vmem>> -> memref<1x32x128xf32, #tpu.memory_space<vmem>>
      %dma_start3A_191 = tpu.memref_squeeze %dma_start3A_190 : memref<1x32x128xf32, #tpu.memory_space<vmem>> -> memref<32x128xf32, #tpu.memory_space<vmem>>
      %dma_start3A_192 = arith.constant 0 : i32
      %dma_start3A_193 = tpu.memref_slice %arg4[%dma_start3A_192, %multiple_of3A_180] : memref<32x1000000xf32, #tpu.memory_space<hbm>> -> memref<32x128xf32, #tpu.memory_space<hbm>>
      tpu.enqueue_dma source(%dma_start3A_193 : memref<32x128xf32, #tpu.memory_space<hbm>>) target(%dma_start3A_191 : memref<32x128xf32, #tpu.memory_space<vmem>>) target_semaphore(%arg17 : memref<!tpu.dma_semaphore, #tpu.memory_space<semaphore_mem>>)
      %slice3A_194 = vector.extract_strided_slice %get3A_18 {offsets = [10], sizes = [1], strides = [1]} : vector<16xi32> to vector<1xi32>
      %squeeze3A_195 = vector.extract %slice3A_194[0] : i32 from vector<1xi32>
      %and3A_196 = arith.constant -128 : i32
      %and3A_197 = arith.andi %squeeze3A_195, %and3A_196 : i32
      %multiple_of3A_198 = tpu.assume_multiple %and3A_197, 128 : i32
      %dma_start3A_199 = arith.constant 10 : i32
      %dma_start3A_200 = arith.constant 0 : i32
      %dma_start3A_201 = arith.constant 0 : i32
      %dma_start3A_202 = tpu.memref_slice %arg13[%dma_start3A_199, %dma_start3A_200, %dma_start3A_201] : memref<16x32x128xf32, #tpu.memory_space<vmem>> -> memref<1x32x128xf32, #tpu.memory_space<vmem>>
      %dma_start3A_203 = tpu.memref_squeeze %dma_start3A_202 : memref<1x32x128xf32, #tpu.memory_space<vmem>> -> memref<32x128xf32, #tpu.memory_space<vmem>>
      %dma_start3A_204 = arith.constant 0 : i32
      %dma_start3A_205 = tpu.memref_slice %arg4[%dma_start3A_204, %multiple_of3A_198] : memref<32x1000000xf32, #tpu.memory_space<hbm>> -> memref<32x128xf32, #tpu.memory_space<hbm>>
      %dma_start3A_206 = arith.constant 0 : i32
      %dma_start3A_207 = arith.constant 0 : i32
      %dma_start3A_208 = tpu.memref_slice %arg13[%dma_start3A_199, %dma_start3A_206, %dma_start3A_207] : memref<16x32x128xf32, #tpu.memory_space<vmem>> -> memref<1x32x128xf32, #tpu.memory_space<vmem>>
      %dma_start3A_209 = tpu.memref_squeeze %dma_start3A_208 : memref<1x32x128xf32, #tpu.memory_space<vmem>> -> memref<32x128xf32, #tpu.memory_space<vmem>>
      %dma_start3A_210 = arith.constant 0 : i32
      %dma_start3A_211 = tpu.memref_slice %arg4[%dma_start3A_210, %multiple_of3A_198] : memref<32x1000000xf32, #tpu.memory_space<hbm>> -> memref<32x128xf32, #tpu.memory_space<hbm>>
      tpu.enqueue_dma source(%dma_start3A_211 : memref<32x128xf32, #tpu.memory_space<hbm>>) target(%dma_start3A_209 : memref<32x128xf32, #tpu.memory_space<vmem>>) target_semaphore(%arg17 : memref<!tpu.dma_semaphore, #tpu.memory_space<semaphore_mem>>)
      %slice3A_212 = vector.extract_strided_slice %get3A_18 {offsets = [11], sizes = [1], strides = [1]} : vector<16xi32> to vector<1xi32>
      %squeeze3A_213 = vector.extract %slice3A_212[0] : i32 from vector<1xi32>
      %and3A_214 = arith.constant -128 : i32
      %and3A_215 = arith.andi %squeeze3A_213, %and3A_214 : i32
      %multiple_of3A_216 = tpu.assume_multiple %and3A_215, 128 : i32
      %dma_start3A_217 = arith.constant 11 : i32
      %dma_start3A_218 = arith.constant 0 : i32
      %dma_start3A_219 = arith.constant 0 : i32
      %dma_start3A_220 = tpu.memref_slice %arg13[%dma_start3A_217, %dma_start3A_218, %dma_start3A_219] : memref<16x32x128xf32, #tpu.memory_space<vmem>> -> memref<1x32x128xf32, #tpu.memory_space<vmem>>
      %dma_start3A_221 = tpu.memref_squeeze %dma_start3A_220 : memref<1x32x128xf32, #tpu.memory_space<vmem>> -> memref<32x128xf32, #tpu.memory_space<vmem>>
      %dma_start3A_222 = arith.constant 0 : i32
      %dma_start3A_223 = tpu.memref_slice %arg4[%dma_start3A_222, %multiple_of3A_216] : memref<32x1000000xf32, #tpu.memory_space<hbm>> -> memref<32x128xf32, #tpu.memory_space<hbm>>
      %dma_start3A_224 = arith.constant 0 : i32
      %dma_start3A_225 = arith.constant 0 : i32
      %dma_start3A_226 = tpu.memref_slice %arg13[%dma_start3A_217, %dma_start3A_224, %dma_start3A_225] : memref<16x32x128xf32, #tpu.memory_space<vmem>> -> memref<1x32x128xf32, #tpu.memory_space<vmem>>
      %dma_start3A_227 = tpu.memref_squeeze %dma_start3A_226 : memref<1x32x128xf32, #tpu.memory_space<vmem>> -> memref<32x128xf32, #tpu.memory_space<vmem>>
      %dma_start3A_228 = arith.constant 0 : i32
      %dma_start3A_229 = tpu.memref_slice %arg4[%dma_start3A_228, %multiple_of3A_216] : memref<32x1000000xf32, #tpu.memory_space<hbm>> -> memref<32x128xf32, #tpu.memory_space<hbm>>
      tpu.enqueue_dma source(%dma_start3A_229 : memref<32x128xf32, #tpu.memory_space<hbm>>) target(%dma_start3A_227 : memref<32x128xf32, #tpu.memory_space<vmem>>) target_semaphore(%arg17 : memref<!tpu.dma_semaphore, #tpu.memory_space<semaphore_mem>>)
      %slice3A_230 = vector.extract_strided_slice %get3A_18 {offsets = [12], sizes = [1], strides = [1]} : vector<16xi32> to vector<1xi32>
      %squeeze3A_231 = vector.extract %slice3A_230[0] : i32 from vector<1xi32>
      %and3A_232 = arith.constant -128 : i32
      %and3A_233 = arith.andi %squeeze3A_231, %and3A_232 : i32
      %multiple_of3A_234 = tpu.assume_multiple %and3A_233, 128 : i32
      %dma_start3A_235 = arith.constant 12 : i32
      %dma_start3A_236 = arith.constant 0 : i32
      %dma_start3A_237 = arith.constant 0 : i32
      %dma_start3A_238 = tpu.memref_slice %arg13[%dma_start3A_235, %dma_start3A_236, %dma_start3A_237] : memref<16x32x128xf32, #tpu.memory_space<vmem>> -> memref<1x32x128xf32, #tpu.memory_space<vmem>>
      %dma_start3A_239 = tpu.memref_squeeze %dma_start3A_238 : memref<1x32x128xf32, #tpu.memory_space<vmem>> -> memref<32x128xf32, #tpu.memory_space<vmem>>
      %dma_start3A_240 = arith.constant 0 : i32
      %dma_start3A_241 = tpu.memref_slice %arg4[%dma_start3A_240, %multiple_of3A_234] : memref<32x1000000xf32, #tpu.memory_space<hbm>> -> memref<32x128xf32, #tpu.memory_space<hbm>>
      %dma_start3A_242 = arith.constant 0 : i32
      %dma_start3A_243 = arith.constant 0 : i32
      %dma_start3A_244 = tpu.memref_slice %arg13[%dma_start3A_235, %dma_start3A_242, %dma_start3A_243] : memref<16x32x128xf32, #tpu.memory_space<vmem>> -> memref<1x32x128xf32, #tpu.memory_space<vmem>>
      %dma_start3A_245 = tpu.memref_squeeze %dma_start3A_244 : memref<1x32x128xf32, #tpu.memory_space<vmem>> -> memref<32x128xf32, #tpu.memory_space<vmem>>
      %dma_start3A_246 = arith.constant 0 : i32
      %dma_start3A_247 = tpu.memref_slice %arg4[%dma_start3A_246, %multiple_of3A_234] : memref<32x1000000xf32, #tpu.memory_space<hbm>> -> memref<32x128xf32, #tpu.memory_space<hbm>>
      tpu.enqueue_dma source(%dma_start3A_247 : memref<32x128xf32, #tpu.memory_space<hbm>>) target(%dma_start3A_245 : memref<32x128xf32, #tpu.memory_space<vmem>>) target_semaphore(%arg17 : memref<!tpu.dma_semaphore, #tpu.memory_space<semaphore_mem>>)
      %slice3A_248 = vector.extract_strided_slice %get3A_18 {offsets = [13], sizes = [1], strides = [1]} : vector<16xi32> to vector<1xi32>
      %squeeze3A_249 = vector.extract %slice3A_248[0] : i32 from vector<1xi32>
      %and3A_250 = arith.constant -128 : i32
      %and3A_251 = arith.andi %squeeze3A_249, %and3A_250 : i32
      %multiple_of3A_252 = tpu.assume_multiple %and3A_251, 128 : i32
      %dma_start3A_253 = arith.constant 13 : i32
      %dma_start3A_254 = arith.constant 0 : i32
      %dma_start3A_255 = arith.constant 0 : i32
      %dma_start3A_256 = tpu.memref_slice %arg13[%dma_start3A_253, %dma_start3A_254, %dma_start3A_255] : memref<16x32x128xf32, #tpu.memory_space<vmem>> -> memref<1x32x128xf32, #tpu.memory_space<vmem>>
      %dma_start3A_257 = tpu.memref_squeeze %dma_start3A_256 : memref<1x32x128xf32, #tpu.memory_space<vmem>> -> memref<32x128xf32, #tpu.memory_space<vmem>>
      %dma_start3A_258 = arith.constant 0 : i32
      %dma_start3A_259 = tpu.memref_slice %arg4[%dma_start3A_258, %multiple_of3A_252] : memref<32x1000000xf32, #tpu.memory_space<hbm>> -> memref<32x128xf32, #tpu.memory_space<hbm>>
      %dma_start3A_260 = arith.constant 0 : i32
      %dma_start3A_261 = arith.constant 0 : i32
      %dma_start3A_262 = tpu.memref_slice %arg13[%dma_start3A_253, %dma_start3A_260, %dma_start3A_261] : memref<16x32x128xf32, #tpu.memory_space<vmem>> -> memref<1x32x128xf32, #tpu.memory_space<vmem>>
      %dma_start3A_263 = tpu.memref_squeeze %dma_start3A_262 : memref<1x32x128xf32, #tpu.memory_space<vmem>> -> memref<32x128xf32, #tpu.memory_space<vmem>>
      %dma_start3A_264 = arith.constant 0 : i32
      %dma_start3A_265 = tpu.memref_slice %arg4[%dma_start3A_264, %multiple_of3A_252] : memref<32x1000000xf32, #tpu.memory_space<hbm>> -> memref<32x128xf32, #tpu.memory_space<hbm>>
      tpu.enqueue_dma source(%dma_start3A_265 : memref<32x128xf32, #tpu.memory_space<hbm>>) target(%dma_start3A_263 : memref<32x128xf32, #tpu.memory_space<vmem>>) target_semaphore(%arg17 : memref<!tpu.dma_semaphore, #tpu.memory_space<semaphore_mem>>)
      %slice3A_266 = vector.extract_strided_slice %get3A_18 {offsets = [14], sizes = [1], strides = [1]} : vector<16xi32> to vector<1xi32>
      %squeeze3A_267 = vector.extract %slice3A_266[0] : i32 from vector<1xi32>
      %and3A_268 = arith.constant -128 : i32
      %and3A_269 = arith.andi %squeeze3A_267, %and3A_268 : i32
      %multiple_of3A_270 = tpu.assume_multiple %and3A_269, 128 : i32
      %dma_start3A_271 = arith.constant 14 : i32
      %dma_start3A_272 = arith.constant 0 : i32
      %dma_start3A_273 = arith.constant 0 : i32
      %dma_start3A_274 = tpu.memref_slice %arg13[%dma_start3A_271, %dma_start3A_272, %dma_start3A_273] : memref<16x32x128xf32, #tpu.memory_space<vmem>> -> memref<1x32x128xf32, #tpu.memory_space<vmem>>
      %dma_start3A_275 = tpu.memref_squeeze %dma_start3A_274 : memref<1x32x128xf32, #tpu.memory_space<vmem>> -> memref<32x128xf32, #tpu.memory_space<vmem>>
      %dma_start3A_276 = arith.constant 0 : i32
      %dma_start3A_277 = tpu.memref_slice %arg4[%dma_start3A_276, %multiple_of3A_270] : memref<32x1000000xf32, #tpu.memory_space<hbm>> -> memref<32x128xf32, #tpu.memory_space<hbm>>
      %dma_start3A_278 = arith.constant 0 : i32
      %dma_start3A_279 = arith.constant 0 : i32
      %dma_start3A_280 = tpu.memref_slice %arg13[%dma_start3A_271, %dma_start3A_278, %dma_start3A_279] : memref<16x32x128xf32, #tpu.memory_space<vmem>> -> memref<1x32x128xf32, #tpu.memory_space<vmem>>
      %dma_start3A_281 = tpu.memref_squeeze %dma_start3A_280 : memref<1x32x128xf32, #tpu.memory_space<vmem>> -> memref<32x128xf32, #tpu.memory_space<vmem>>
      %dma_start3A_282 = arith.constant 0 : i32
      %dma_start3A_283 = tpu.memref_slice %arg4[%dma_start3A_282, %multiple_of3A_270] : memref<32x1000000xf32, #tpu.memory_space<hbm>> -> memref<32x128xf32, #tpu.memory_space<hbm>>
      tpu.enqueue_dma source(%dma_start3A_283 : memref<32x128xf32, #tpu.memory_space<hbm>>) target(%dma_start3A_281 : memref<32x128xf32, #tpu.memory_space<vmem>>) target_semaphore(%arg17 : memref<!tpu.dma_semaphore, #tpu.memory_space<semaphore_mem>>)
      %slice3A_284 = vector.extract_strided_slice %get3A_18 {offsets = [15], sizes = [1], strides = [1]} : vector<16xi32> to vector<1xi32>
      %squeeze3A_285 = vector.extract %slice3A_284[0] : i32 from vector<1xi32>
      %and3A_286 = arith.constant -128 : i32
      %and3A_287 = arith.andi %squeeze3A_285, %and3A_286 : i32
      %multiple_of3A_288 = tpu.assume_multiple %and3A_287, 128 : i32
      %dma_start3A_289 = arith.constant 15 : i32
      %dma_start3A_290 = arith.constant 0 : i32
      %dma_start3A_291 = arith.constant 0 : i32
      %dma_start3A_292 = tpu.memref_slice %arg13[%dma_start3A_289, %dma_start3A_290, %dma_start3A_291] : memref<16x32x128xf32, #tpu.memory_space<vmem>> -> memref<1x32x128xf32, #tpu.memory_space<vmem>>
      %dma_start3A_293 = tpu.memref_squeeze %dma_start3A_292 : memref<1x32x128xf32, #tpu.memory_space<vmem>> -> memref<32x128xf32, #tpu.memory_space<vmem>>
      %dma_start3A_294 = arith.constant 0 : i32
      %dma_start3A_295 = tpu.memref_slice %arg4[%dma_start3A_294, %multiple_of3A_288] : memref<32x1000000xf32, #tpu.memory_space<hbm>> -> memref<32x128xf32, #tpu.memory_space<hbm>>
      %dma_start3A_296 = arith.constant 0 : i32
      %dma_start3A_297 = arith.constant 0 : i32
      %dma_start3A_298 = tpu.memref_slice %arg13[%dma_start3A_289, %dma_start3A_296, %dma_start3A_297] : memref<16x32x128xf32, #tpu.memory_space<vmem>> -> memref<1x32x128xf32, #tpu.memory_space<vmem>>
      %dma_start3A_299 = tpu.memref_squeeze %dma_start3A_298 : memref<1x32x128xf32, #tpu.memory_space<vmem>> -> memref<32x128xf32, #tpu.memory_space<vmem>>
      %dma_start3A_300 = arith.constant 0 : i32
      %dma_start3A_301 = tpu.memref_slice %arg4[%dma_start3A_300, %multiple_of3A_288] : memref<32x1000000xf32, #tpu.memory_space<hbm>> -> memref<32x128xf32, #tpu.memory_space<hbm>>
      tpu.enqueue_dma source(%dma_start3A_301 : memref<32x128xf32, #tpu.memory_space<hbm>>) target(%dma_start3A_299 : memref<32x128xf32, #tpu.memory_space<vmem>>) target_semaphore(%arg17 : memref<!tpu.dma_semaphore, #tpu.memory_space<semaphore_mem>>)
      %scan3A_302 = arith.constant 0 : i32
      %scan3A_303 = arith.constant 16 : i32
      %scan3A_304 = arith.addi %scan3A_302, %scan3A_303 : i32
      %scan3A_305 = arith.constant 1 : i32
      scf.for %scan3A_1513 = %scan3A_302 to %scan3A_304 step %scan3A_305  : i32 {
        %mul3A_1514 = arith.constant 1 : i32
        %mul3A_1515 = arith.muli %scan3A_1513, %mul3A_1514 : i32
        %add3A_1516 = arith.constant 0 : i32
        %add3A_1517 = arith.addi %add3A_1516, %mul3A_1515 : i32
        %dma_wait3A = arith.constant 0 : i32
        %dma_wait3A_1518 = arith.constant 0 : i32
        %dma_wait3A_1519 = tpu.memref_slice %arg13[%add3A_1517, %dma_wait3A, %dma_wait3A_1518] : memref<16x32x128xf32, #tpu.memory_space<vmem>> -> memref<1x32x128xf32, #tpu.memory_space<vmem>>
        %dma_wait3A_1520 = tpu.memref_squeeze %dma_wait3A_1519 : memref<1x32x128xf32, #tpu.memory_space<vmem>> -> memref<32x128xf32, #tpu.memory_space<vmem>>
        %dma_wait3A_1521 = arith.constant 0 : i32
        %dma_wait3A_1522 = arith.constant 0 : i32
        %dma_wait3A_1523 = tpu.memref_slice %arg4[%dma_wait3A_1521, %dma_wait3A_1522] : memref<32x1000000xf32, #tpu.memory_space<hbm>> -> memref<32x128xf32, #tpu.memory_space<hbm>>
        %dma_wait3A_1524 = arith.constant 0 : i32
        %dma_wait3A_1525 = arith.constant 0 : i32
        %dma_wait3A_1526 = tpu.memref_slice %arg13[%add3A_1517, %dma_wait3A_1524, %dma_wait3A_1525] : memref<16x32x128xf32, #tpu.memory_space<vmem>> -> memref<1x32x128xf32, #tpu.memory_space<vmem>>
        %dma_wait3A_1527 = tpu.memref_squeeze %dma_wait3A_1526 : memref<1x32x128xf32, #tpu.memory_space<vmem>> -> memref<32x128xf32, #tpu.memory_space<vmem>>
        %dma_wait3A_1528 = arith.constant 0 : i32
        %dma_wait3A_1529 = arith.constant 0 : i32
        %dma_wait3A_1530 = tpu.memref_slice %arg4[%dma_wait3A_1528, %dma_wait3A_1529] : memref<32x1000000xf32, #tpu.memory_space<hbm>> -> memref<32x128xf32, #tpu.memory_space<hbm>>
        tpu.wait_dma2 semaphore(%arg17 : memref<!tpu.dma_semaphore, #tpu.memory_space<semaphore_mem>>) src(%dma_wait3A_1530 : memref<32x128xf32, #tpu.memory_space<hbm>>) dst(%dma_wait3A_1527 : memref<32x128xf32, #tpu.memory_space<vmem>>)
      }
      %scan3A_306 = arith.constant 16 : i32
      %and3A_307 = arith.constant 127 : i32
      %and3A_308 = vector.broadcast %and3A_307 : i32 to vector<16xi32>
      %and3A_309 = arith.andi %get3A_18, %and3A_308 : vector<16xi32>
      %broadcast_in_dim3A = arith.constant 0 : i32
      %broadcast_in_dim3A_310 = vector.broadcast %broadcast_in_dim3A : i32 to vector<16xi32>
      %gather3A = tpu.vector_load_idx %arg13[%iota3A, %broadcast_in_dim3A_310, %and3A_309] : memref<16x32x128xf32, #tpu.memory_space<vmem>>[vector<16xi32>, vector<16xi32>, vector<16xi32>], vector<16xf32>,
      %swap3A = arith.constant 0 : i32
      %swap3A_311 = arith.index_cast %swap3A : i32 to index
      %swap3A_312 = arith.constant 0 : index
      %swap3A_313 = tpu.vector_load %arg14[%swap3A_311, %swap3A_312] {strides = array<i32>} : memref<32x16xf32, #tpu.memory_space<vmem>>, vector<16xf32>,
      tpu.vector_store %arg14[%swap3A_311, %swap3A_312], %gather3A {strides = array<i32>} : memref<32x16xf32, #tpu.memory_space<vmem>>, vector<16xf32>,
      %broadcast_in_dim3A_314 = arith.constant 1 : i32
      %broadcast_in_dim3A_315 = vector.broadcast %broadcast_in_dim3A_314 : i32 to vector<16xi32>
      %gather3A_316 = tpu.vector_load_idx %arg13[%iota3A, %broadcast_in_dim3A_315, %and3A_309] : memref<16x32x128xf32, #tpu.memory_space<vmem>>[vector<16xi32>, vector<16xi32>, vector<16xi32>], vector<16xf32>,
      %swap3A_317 = arith.constant 1 : i32
      %swap3A_318 = arith.index_cast %swap3A_317 : i32 to index
      %swap3A_319 = arith.constant 0 : index
      %swap3A_320 = tpu.vector_load %arg14[%swap3A_318, %swap3A_319] {strides = array<i32>} : memref<32x16xf32, #tpu.memory_space<vmem>>, vector<16xf32>,
      tpu.vector_store %arg14[%swap3A_318, %swap3A_319], %gather3A_316 {strides = array<i32>} : memref<32x16xf32, #tpu.memory_space<vmem>>, vector<16xf32>,
      %broadcast_in_dim3A_321 = arith.constant 2 : i32
      %broadcast_in_dim3A_322 = vector.broadcast %broadcast_in_dim3A_321 : i32 to vector<16xi32>
      %gather3A_323 = tpu.vector_load_idx %arg13[%iota3A, %broadcast_in_dim3A_322, %and3A_309] : memref<16x32x128xf32, #tpu.memory_space<vmem>>[vector<16xi32>, vector<16xi32>, vector<16xi32>], vector<16xf32>,
      %swap3A_324 = arith.constant 2 : i32
      %swap3A_325 = arith.index_cast %swap3A_324 : i32 to index
      %swap3A_326 = arith.constant 0 : index
      %swap3A_327 = tpu.vector_load %arg14[%swap3A_325, %swap3A_326] {strides = array<i32>} : memref<32x16xf32, #tpu.memory_space<vmem>>, vector<16xf32>,
      tpu.vector_store %arg14[%swap3A_325, %swap3A_326], %gather3A_323 {strides = array<i32>} : memref<32x16xf32, #tpu.memory_space<vmem>>, vector<16xf32>,
      %broadcast_in_dim3A_328 = arith.constant 3 : i32
      %broadcast_in_dim3A_329 = vector.broadcast %broadcast_in_dim3A_328 : i32 to vector<16xi32>
      %gather3A_330 = tpu.vector_load_idx %arg13[%iota3A, %broadcast_in_dim3A_329, %and3A_309] : memref<16x32x128xf32, #tpu.memory_space<vmem>>[vector<16xi32>, vector<16xi32>, vector<16xi32>], vector<16xf32>,
      %swap3A_331 = arith.constant 3 : i32
      %swap3A_332 = arith.index_cast %swap3A_331 : i32 to index
      %swap3A_333 = arith.constant 0 : index
      %swap3A_334 = tpu.vector_load %arg14[%swap3A_332, %swap3A_333] {strides = array<i32>} : memref<32x16xf32, #tpu.memory_space<vmem>>, vector<16xf32>,
      tpu.vector_store %arg14[%swap3A_332, %swap3A_333], %gather3A_330 {strides = array<i32>} : memref<32x16xf32, #tpu.memory_space<vmem>>, vector<16xf32>,
      %broadcast_in_dim3A_335 = arith.constant 4 : i32
      %broadcast_in_dim3A_336 = vector.broadcast %broadcast_in_dim3A_335 : i32 to vector<16xi32>
      %gather3A_337 = tpu.vector_load_idx %arg13[%iota3A, %broadcast_in_dim3A_336, %and3A_309] : memref<16x32x128xf32, #tpu.memory_space<vmem>>[vector<16xi32>, vector<16xi32>, vector<16xi32>], vector<16xf32>,
      %swap3A_338 = arith.constant 4 : i32
      %swap3A_339 = arith.index_cast %swap3A_338 : i32 to index
      %swap3A_340 = arith.constant 0 : index
      %swap3A_341 = tpu.vector_load %arg14[%swap3A_339, %swap3A_340] {strides = array<i32>} : memref<32x16xf32, #tpu.memory_space<vmem>>, vector<16xf32>,
      tpu.vector_store %arg14[%swap3A_339, %swap3A_340], %gather3A_337 {strides = array<i32>} : memref<32x16xf32, #tpu.memory_space<vmem>>, vector<16xf32>,
      %broadcast_in_dim3A_342 = arith.constant 5 : i32
      %broadcast_in_dim3A_343 = vector.broadcast %broadcast_in_dim3A_342 : i32 to vector<16xi32>
      %gather3A_344 = tpu.vector_load_idx %arg13[%iota3A, %broadcast_in_dim3A_343, %and3A_309] : memref<16x32x128xf32, #tpu.memory_space<vmem>>[vector<16xi32>, vector<16xi32>, vector<16xi32>], vector<16xf32>,
      %swap3A_345 = arith.constant 5 : i32
      %swap3A_346 = arith.index_cast %swap3A_345 : i32 to index
      %swap3A_347 = arith.constant 0 : index
      %swap3A_348 = tpu.vector_load %arg14[%swap3A_346, %swap3A_347] {strides = array<i32>} : memref<32x16xf32, #tpu.memory_space<vmem>>, vector<16xf32>,
      tpu.vector_store %arg14[%swap3A_346, %swap3A_347], %gather3A_344 {strides = array<i32>} : memref<32x16xf32, #tpu.memory_space<vmem>>, vector<16xf32>,
      %broadcast_in_dim3A_349 = arith.constant 6 : i32
      %broadcast_in_dim3A_350 = vector.broadcast %broadcast_in_dim3A_349 : i32 to vector<16xi32>
      %gather3A_351 = tpu.vector_load_idx %arg13[%iota3A, %broadcast_in_dim3A_350, %and3A_309] : memref<16x32x128xf32, #tpu.memory_space<vmem>>[vector<16xi32>, vector<16xi32>, vector<16xi32>], vector<16xf32>,
      %swap3A_352 = arith.constant 6 : i32
      %swap3A_353 = arith.index_cast %swap3A_352 : i32 to index
      %swap3A_354 = arith.constant 0 : index
      %swap3A_355 = tpu.vector_load %arg14[%swap3A_353, %swap3A_354] {strides = array<i32>} : memref<32x16xf32, #tpu.memory_space<vmem>>, vector<16xf32>,
      tpu.vector_store %arg14[%swap3A_353, %swap3A_354], %gather3A_351 {strides = array<i32>} : memref<32x16xf32, #tpu.memory_space<vmem>>, vector<16xf32>,
      %broadcast_in_dim3A_356 = arith.constant 7 : i32
      %broadcast_in_dim3A_357 = vector.broadcast %broadcast_in_dim3A_356 : i32 to vector<16xi32>
      %gather3A_358 = tpu.vector_load_idx %arg13[%iota3A, %broadcast_in_dim3A_357, %and3A_309] : memref<16x32x128xf32, #tpu.memory_space<vmem>>[vector<16xi32>, vector<16xi32>, vector<16xi32>], vector<16xf32>,
      %swap3A_359 = arith.constant 7 : i32
      %swap3A_360 = arith.index_cast %swap3A_359 : i32 to index
      %swap3A_361 = arith.constant 0 : index
      %swap3A_362 = tpu.vector_load %arg14[%swap3A_360, %swap3A_361] {strides = array<i32>} : memref<32x16xf32, #tpu.memory_space<vmem>>, vector<16xf32>,
      tpu.vector_store %arg14[%swap3A_360, %swap3A_361], %gather3A_358 {strides = array<i32>} : memref<32x16xf32, #tpu.memory_space<vmem>>, vector<16xf32>,
      %broadcast_in_dim3A_363 = arith.constant 8 : i32
      %broadcast_in_dim3A_364 = vector.broadcast %broadcast_in_dim3A_363 : i32 to vector<16xi32>
      %gather3A_365 = tpu.vector_load_idx %arg13[%iota3A, %broadcast_in_dim3A_364, %and3A_309] : memref<16x32x128xf32, #tpu.memory_space<vmem>>[vector<16xi32>, vector<16xi32>, vector<16xi32>], vector<16xf32>,
      %swap3A_366 = arith.constant 8 : i32
      %swap3A_367 = arith.index_cast %swap3A_366 : i32 to index
      %swap3A_368 = arith.constant 0 : index
      %swap3A_369 = tpu.vector_load %arg14[%swap3A_367, %swap3A_368] {strides = array<i32>} : memref<32x16xf32, #tpu.memory_space<vmem>>, vector<16xf32>,
      tpu.vector_store %arg14[%swap3A_367, %swap3A_368], %gather3A_365 {strides = array<i32>} : memref<32x16xf32, #tpu.memory_space<vmem>>, vector<16xf32>,
      %broadcast_in_dim3A_370 = arith.constant 9 : i32
      %broadcast_in_dim3A_371 = vector.broadcast %broadcast_in_dim3A_370 : i32 to vector<16xi32>
      %gather3A_372 = tpu.vector_load_idx %arg13[%iota3A, %broadcast_in_dim3A_371, %and3A_309] : memref<16x32x128xf32, #tpu.memory_space<vmem>>[vector<16xi32>, vector<16xi32>, vector<16xi32>], vector<16xf32>,
      %swap3A_373 = arith.constant 9 : i32
      %swap3A_374 = arith.index_cast %swap3A_373 : i32 to index
      %swap3A_375 = arith.constant 0 : index
      %swap3A_376 = tpu.vector_load %arg14[%swap3A_374, %swap3A_375] {strides = array<i32>} : memref<32x16xf32, #tpu.memory_space<vmem>>, vector<16xf32>,
      tpu.vector_store %arg14[%swap3A_374, %swap3A_375], %gather3A_372 {strides = array<i32>} : memref<32x16xf32, #tpu.memory_space<vmem>>, vector<16xf32>,
      %broadcast_in_dim3A_377 = arith.constant 10 : i32
      %broadcast_in_dim3A_378 = vector.broadcast %broadcast_in_dim3A_377 : i32 to vector<16xi32>
      %gather3A_379 = tpu.vector_load_idx %arg13[%iota3A, %broadcast_in_dim3A_378, %and3A_309] : memref<16x32x128xf32, #tpu.memory_space<vmem>>[vector<16xi32>, vector<16xi32>, vector<16xi32>], vector<16xf32>,
      %swap3A_380 = arith.constant 10 : i32
      %swap3A_381 = arith.index_cast %swap3A_380 : i32 to index
      %swap3A_382 = arith.constant 0 : index
      %swap3A_383 = tpu.vector_load %arg14[%swap3A_381, %swap3A_382] {strides = array<i32>} : memref<32x16xf32, #tpu.memory_space<vmem>>, vector<16xf32>,
      tpu.vector_store %arg14[%swap3A_381, %swap3A_382], %gather3A_379 {strides = array<i32>} : memref<32x16xf32, #tpu.memory_space<vmem>>, vector<16xf32>,
      %broadcast_in_dim3A_384 = arith.constant 11 : i32
      %broadcast_in_dim3A_385 = vector.broadcast %broadcast_in_dim3A_384 : i32 to vector<16xi32>
      %gather3A_386 = tpu.vector_load_idx %arg13[%iota3A, %broadcast_in_dim3A_385, %and3A_309] : memref<16x32x128xf32, #tpu.memory_space<vmem>>[vector<16xi32>, vector<16xi32>, vector<16xi32>], vector<16xf32>,
      %swap3A_387 = arith.constant 11 : i32
      %swap3A_388 = arith.index_cast %swap3A_387 : i32 to index
      %swap3A_389 = arith.constant 0 : index
      %swap3A_390 = tpu.vector_load %arg14[%swap3A_388, %swap3A_389] {strides = array<i32>} : memref<32x16xf32, #tpu.memory_space<vmem>>, vector<16xf32>,
      tpu.vector_store %arg14[%swap3A_388, %swap3A_389], %gather3A_386 {strides = array<i32>} : memref<32x16xf32, #tpu.memory_space<vmem>>, vector<16xf32>,
      %broadcast_in_dim3A_391 = arith.constant 12 : i32
      %broadcast_in_dim3A_392 = vector.broadcast %broadcast_in_dim3A_391 : i32 to vector<16xi32>
      %gather3A_393 = tpu.vector_load_idx %arg13[%iota3A, %broadcast_in_dim3A_392, %and3A_309] : memref<16x32x128xf32, #tpu.memory_space<vmem>>[vector<16xi32>, vector<16xi32>, vector<16xi32>], vector<16xf32>,
      %swap3A_394 = arith.constant 12 : i32
      %swap3A_395 = arith.index_cast %swap3A_394 : i32 to index
      %swap3A_396 = arith.constant 0 : index
      %swap3A_397 = tpu.vector_load %arg14[%swap3A_395, %swap3A_396] {strides = array<i32>} : memref<32x16xf32, #tpu.memory_space<vmem>>, vector<16xf32>,
      tpu.vector_store %arg14[%swap3A_395, %swap3A_396], %gather3A_393 {strides = array<i32>} : memref<32x16xf32, #tpu.memory_space<vmem>>, vector<16xf32>,
      %broadcast_in_dim3A_398 = arith.constant 13 : i32
      %broadcast_in_dim3A_399 = vector.broadcast %broadcast_in_dim3A_398 : i32 to vector<16xi32>
      %gather3A_400 = tpu.vector_load_idx %arg13[%iota3A, %broadcast_in_dim3A_399, %and3A_309] : memref<16x32x128xf32, #tpu.memory_space<vmem>>[vector<16xi32>, vector<16xi32>, vector<16xi32>], vector<16xf32>,
      %swap3A_401 = arith.constant 13 : i32
      %swap3A_402 = arith.index_cast %swap3A_401 : i32 to index
      %swap3A_403 = arith.constant 0 : index
      %swap3A_404 = tpu.vector_load %arg14[%swap3A_402, %swap3A_403] {strides = array<i32>} : memref<32x16xf32, #tpu.memory_space<vmem>>, vector<16xf32>,
      tpu.vector_store %arg14[%swap3A_402, %swap3A_403], %gather3A_400 {strides = array<i32>} : memref<32x16xf32, #tpu.memory_space<vmem>>, vector<16xf32>,
      %broadcast_in_dim3A_405 = arith.constant 14 : i32
      %broadcast_in_dim3A_406 = vector.broadcast %broadcast_in_dim3A_405 : i32 to vector<16xi32>
      %gather3A_407 = tpu.vector_load_idx %arg13[%iota3A, %broadcast_in_dim3A_406, %and3A_309] : memref<16x32x128xf32, #tpu.memory_space<vmem>>[vector<16xi32>, vector<16xi32>, vector<16xi32>], vector<16xf32>,
      %swap3A_408 = arith.constant 14 : i32
      %swap3A_409 = arith.index_cast %swap3A_408 : i32 to index
      %swap3A_410 = arith.constant 0 : index
      %swap3A_411 = tpu.vector_load %arg14[%swap3A_409, %swap3A_410] {strides = array<i32>} : memref<32x16xf32, #tpu.memory_space<vmem>>, vector<16xf32>,
      tpu.vector_store %arg14[%swap3A_409, %swap3A_410], %gather3A_407 {strides = array<i32>} : memref<32x16xf32, #tpu.memory_space<vmem>>, vector<16xf32>,
      %broadcast_in_dim3A_412 = arith.constant 15 : i32
      %broadcast_in_dim3A_413 = vector.broadcast %broadcast_in_dim3A_412 : i32 to vector<16xi32>
      %gather3A_414 = tpu.vector_load_idx %arg13[%iota3A, %broadcast_in_dim3A_413, %and3A_309] : memref<16x32x128xf32, #tpu.memory_space<vmem>>[vector<16xi32>, vector<16xi32>, vector<16xi32>], vector<16xf32>,
      %swap3A_415 = arith.constant 15 : i32
      %swap3A_416 = arith.index_cast %swap3A_415 : i32 to index
      %swap3A_417 = arith.constant 0 : index
      %swap3A_418 = tpu.vector_load %arg14[%swap3A_416, %swap3A_417] {strides = array<i32>} : memref<32x16xf32, #tpu.memory_space<vmem>>, vector<16xf32>,
      tpu.vector_store %arg14[%swap3A_416, %swap3A_417], %gather3A_414 {strides = array<i32>} : memref<32x16xf32, #tpu.memory_space<vmem>>, vector<16xf32>,
      %broadcast_in_dim3A_419 = arith.constant 16 : i32
      %broadcast_in_dim3A_420 = vector.broadcast %broadcast_in_dim3A_419 : i32 to vector<16xi32>
      %gather3A_421 = tpu.vector_load_idx %arg13[%iota3A, %broadcast_in_dim3A_420, %and3A_309] : memref<16x32x128xf32, #tpu.memory_space<vmem>>[vector<16xi32>, vector<16xi32>, vector<16xi32>], vector<16xf32>,
      %swap3A_422 = arith.constant 16 : i32
      %swap3A_423 = arith.index_cast %swap3A_422 : i32 to index
      %swap3A_424 = arith.constant 0 : index
      %swap3A_425 = tpu.vector_load %arg14[%swap3A_423, %swap3A_424] {strides = array<i32>} : memref<32x16xf32, #tpu.memory_space<vmem>>, vector<16xf32>,
      tpu.vector_store %arg14[%swap3A_423, %swap3A_424], %gather3A_421 {strides = array<i32>} : memref<32x16xf32, #tpu.memory_space<vmem>>, vector<16xf32>,
      %broadcast_in_dim3A_426 = arith.constant 17 : i32
      %broadcast_in_dim3A_427 = vector.broadcast %broadcast_in_dim3A_426 : i32 to vector<16xi32>
      %gather3A_428 = tpu.vector_load_idx %arg13[%iota3A, %broadcast_in_dim3A_427, %and3A_309] : memref<16x32x128xf32, #tpu.memory_space<vmem>>[vector<16xi32>, vector<16xi32>, vector<16xi32>], vector<16xf32>,
      %swap3A_429 = arith.constant 17 : i32
      %swap3A_430 = arith.index_cast %swap3A_429 : i32 to index
      %swap3A_431 = arith.constant 0 : index
      %swap3A_432 = tpu.vector_load %arg14[%swap3A_430, %swap3A_431] {strides = array<i32>} : memref<32x16xf32, #tpu.memory_space<vmem>>, vector<16xf32>,
      tpu.vector_store %arg14[%swap3A_430, %swap3A_431], %gather3A_428 {strides = array<i32>} : memref<32x16xf32, #tpu.memory_space<vmem>>, vector<16xf32>,
      %broadcast_in_dim3A_433 = arith.constant 18 : i32
      %broadcast_in_dim3A_434 = vector.broadcast %broadcast_in_dim3A_433 : i32 to vector<16xi32>
      %gather3A_435 = tpu.vector_load_idx %arg13[%iota3A, %broadcast_in_dim3A_434, %and3A_309] : memref<16x32x128xf32, #tpu.memory_space<vmem>>[vector<16xi32>, vector<16xi32>, vector<16xi32>], vector<16xf32>,
      %swap3A_436 = arith.constant 18 : i32
      %swap3A_437 = arith.index_cast %swap3A_436 : i32 to index
      %swap3A_438 = arith.constant 0 : index
      %swap3A_439 = tpu.vector_load %arg14[%swap3A_437, %swap3A_438] {strides = array<i32>} : memref<32x16xf32, #tpu.memory_space<vmem>>, vector<16xf32>,
      tpu.vector_store %arg14[%swap3A_437, %swap3A_438], %gather3A_435 {strides = array<i32>} : memref<32x16xf32, #tpu.memory_space<vmem>>, vector<16xf32>,
      %broadcast_in_dim3A_440 = arith.constant 19 : i32
      %broadcast_in_dim3A_441 = vector.broadcast %broadcast_in_dim3A_440 : i32 to vector<16xi32>
      %gather3A_442 = tpu.vector_load_idx %arg13[%iota3A, %broadcast_in_dim3A_441, %and3A_309] : memref<16x32x128xf32, #tpu.memory_space<vmem>>[vector<16xi32>, vector<16xi32>, vector<16xi32>], vector<16xf32>,
      %swap3A_443 = arith.constant 19 : i32
      %swap3A_444 = arith.index_cast %swap3A_443 : i32 to index
      %swap3A_445 = arith.constant 0 : index
      %swap3A_446 = tpu.vector_load %arg14[%swap3A_444, %swap3A_445] {strides = array<i32>} : memref<32x16xf32, #tpu.memory_space<vmem>>, vector<16xf32>,
      tpu.vector_store %arg14[%swap3A_444, %swap3A_445], %gather3A_442 {strides = array<i32>} : memref<32x16xf32, #tpu.memory_space<vmem>>, vector<16xf32>,
      %broadcast_in_dim3A_447 = arith.constant 20 : i32
      %broadcast_in_dim3A_448 = vector.broadcast %broadcast_in_dim3A_447 : i32 to vector<16xi32>
      %gather3A_449 = tpu.vector_load_idx %arg13[%iota3A, %broadcast_in_dim3A_448, %and3A_309] : memref<16x32x128xf32, #tpu.memory_space<vmem>>[vector<16xi32>, vector<16xi32>, vector<16xi32>], vector<16xf32>,
      %swap3A_450 = arith.constant 20 : i32
      %swap3A_451 = arith.index_cast %swap3A_450 : i32 to index
      %swap3A_452 = arith.constant 0 : index
      %swap3A_453 = tpu.vector_load %arg14[%swap3A_451, %swap3A_452] {strides = array<i32>} : memref<32x16xf32, #tpu.memory_space<vmem>>, vector<16xf32>,
      tpu.vector_store %arg14[%swap3A_451, %swap3A_452], %gather3A_449 {strides = array<i32>} : memref<32x16xf32, #tpu.memory_space<vmem>>, vector<16xf32>,
      %broadcast_in_dim3A_454 = arith.constant 21 : i32
      %broadcast_in_dim3A_455 = vector.broadcast %broadcast_in_dim3A_454 : i32 to vector<16xi32>
      %gather3A_456 = tpu.vector_load_idx %arg13[%iota3A, %broadcast_in_dim3A_455, %and3A_309] : memref<16x32x128xf32, #tpu.memory_space<vmem>>[vector<16xi32>, vector<16xi32>, vector<16xi32>], vector<16xf32>,
      %swap3A_457 = arith.constant 21 : i32
      %swap3A_458 = arith.index_cast %swap3A_457 : i32 to index
      %swap3A_459 = arith.constant 0 : index
      %swap3A_460 = tpu.vector_load %arg14[%swap3A_458, %swap3A_459] {strides = array<i32>} : memref<32x16xf32, #tpu.memory_space<vmem>>, vector<16xf32>,
      tpu.vector_store %arg14[%swap3A_458, %swap3A_459], %gather3A_456 {strides = array<i32>} : memref<32x16xf32, #tpu.memory_space<vmem>>, vector<16xf32>,
      %broadcast_in_dim3A_461 = arith.constant 22 : i32
      %broadcast_in_dim3A_462 = vector.broadcast %broadcast_in_dim3A_461 : i32 to vector<16xi32>
      %gather3A_463 = tpu.vector_load_idx %arg13[%iota3A, %broadcast_in_dim3A_462, %and3A_309] : memref<16x32x128xf32, #tpu.memory_space<vmem>>[vector<16xi32>, vector<16xi32>, vector<16xi32>], vector<16xf32>,
      %swap3A_464 = arith.constant 22 : i32
      %swap3A_465 = arith.index_cast %swap3A_464 : i32 to index
      %swap3A_466 = arith.constant 0 : index
      %swap3A_467 = tpu.vector_load %arg14[%swap3A_465, %swap3A_466] {strides = array<i32>} : memref<32x16xf32, #tpu.memory_space<vmem>>, vector<16xf32>,
      tpu.vector_store %arg14[%swap3A_465, %swap3A_466], %gather3A_463 {strides = array<i32>} : memref<32x16xf32, #tpu.memory_space<vmem>>, vector<16xf32>,
      %broadcast_in_dim3A_468 = arith.constant 23 : i32
      %broadcast_in_dim3A_469 = vector.broadcast %broadcast_in_dim3A_468 : i32 to vector<16xi32>
      %gather3A_470 = tpu.vector_load_idx %arg13[%iota3A, %broadcast_in_dim3A_469, %and3A_309] : memref<16x32x128xf32, #tpu.memory_space<vmem>>[vector<16xi32>, vector<16xi32>, vector<16xi32>], vector<16xf32>,
      %swap3A_471 = arith.constant 23 : i32
      %swap3A_472 = arith.index_cast %swap3A_471 : i32 to index
      %swap3A_473 = arith.constant 0 : index
      %swap3A_474 = tpu.vector_load %arg14[%swap3A_472, %swap3A_473] {strides = array<i32>} : memref<32x16xf32, #tpu.memory_space<vmem>>, vector<16xf32>,
      tpu.vector_store %arg14[%swap3A_472, %swap3A_473], %gather3A_470 {strides = array<i32>} : memref<32x16xf32, #tpu.memory_space<vmem>>, vector<16xf32>,
      %broadcast_in_dim3A_475 = arith.constant 24 : i32
      %broadcast_in_dim3A_476 = vector.broadcast %broadcast_in_dim3A_475 : i32 to vector<16xi32>
      %gather3A_477 = tpu.vector_load_idx %arg13[%iota3A, %broadcast_in_dim3A_476, %and3A_309] : memref<16x32x128xf32, #tpu.memory_space<vmem>>[vector<16xi32>, vector<16xi32>, vector<16xi32>], vector<16xf32>,
      %swap3A_478 = arith.constant 24 : i32
      %swap3A_479 = arith.index_cast %swap3A_478 : i32 to index
      %swap3A_480 = arith.constant 0 : index
      %swap3A_481 = tpu.vector_load %arg14[%swap3A_479, %swap3A_480] {strides = array<i32>} : memref<32x16xf32, #tpu.memory_space<vmem>>, vector<16xf32>,
      tpu.vector_store %arg14[%swap3A_479, %swap3A_480], %gather3A_477 {strides = array<i32>} : memref<32x16xf32, #tpu.memory_space<vmem>>, vector<16xf32>,
      %broadcast_in_dim3A_482 = arith.constant 25 : i32
      %broadcast_in_dim3A_483 = vector.broadcast %broadcast_in_dim3A_482 : i32 to vector<16xi32>
      %gather3A_484 = tpu.vector_load_idx %arg13[%iota3A, %broadcast_in_dim3A_483, %and3A_309] : memref<16x32x128xf32, #tpu.memory_space<vmem>>[vector<16xi32>, vector<16xi32>, vector<16xi32>], vector<16xf32>,
      %swap3A_485 = arith.constant 25 : i32
      %swap3A_486 = arith.index_cast %swap3A_485 : i32 to index
      %swap3A_487 = arith.constant 0 : index
      %swap3A_488 = tpu.vector_load %arg14[%swap3A_486, %swap3A_487] {strides = array<i32>} : memref<32x16xf32, #tpu.memory_space<vmem>>, vector<16xf32>,
      tpu.vector_store %arg14[%swap3A_486, %swap3A_487], %gather3A_484 {strides = array<i32>} : memref<32x16xf32, #tpu.memory_space<vmem>>, vector<16xf32>,
      %broadcast_in_dim3A_489 = arith.constant 26 : i32
      %broadcast_in_dim3A_490 = vector.broadcast %broadcast_in_dim3A_489 : i32 to vector<16xi32>
      %gather3A_491 = tpu.vector_load_idx %arg13[%iota3A, %broadcast_in_dim3A_490, %and3A_309] : memref<16x32x128xf32, #tpu.memory_space<vmem>>[vector<16xi32>, vector<16xi32>, vector<16xi32>], vector<16xf32>,
      %swap3A_492 = arith.constant 26 : i32
      %swap3A_493 = arith.index_cast %swap3A_492 : i32 to index
      %swap3A_494 = arith.constant 0 : index
      %swap3A_495 = tpu.vector_load %arg14[%swap3A_493, %swap3A_494] {strides = array<i32>} : memref<32x16xf32, #tpu.memory_space<vmem>>, vector<16xf32>,
      tpu.vector_store %arg14[%swap3A_493, %swap3A_494], %gather3A_491 {strides = array<i32>} : memref<32x16xf32, #tpu.memory_space<vmem>>, vector<16xf32>,
      %broadcast_in_dim3A_496 = arith.constant 27 : i32
      %broadcast_in_dim3A_497 = vector.broadcast %broadcast_in_dim3A_496 : i32 to vector<16xi32>
      %gather3A_498 = tpu.vector_load_idx %arg13[%iota3A, %broadcast_in_dim3A_497, %and3A_309] : memref<16x32x128xf32, #tpu.memory_space<vmem>>[vector<16xi32>, vector<16xi32>, vector<16xi32>], vector<16xf32>,
      %swap3A_499 = arith.constant 27 : i32
      %swap3A_500 = arith.index_cast %swap3A_499 : i32 to index
      %swap3A_501 = arith.constant 0 : index
      %swap3A_502 = tpu.vector_load %arg14[%swap3A_500, %swap3A_501] {strides = array<i32>} : memref<32x16xf32, #tpu.memory_space<vmem>>, vector<16xf32>,
      tpu.vector_store %arg14[%swap3A_500, %swap3A_501], %gather3A_498 {strides = array<i32>} : memref<32x16xf32, #tpu.memory_space<vmem>>, vector<16xf32>,
      %broadcast_in_dim3A_503 = arith.constant 28 : i32
      %broadcast_in_dim3A_504 = vector.broadcast %broadcast_in_dim3A_503 : i32 to vector<16xi32>
      %gather3A_505 = tpu.vector_load_idx %arg13[%iota3A, %broadcast_in_dim3A_504, %and3A_309] : memref<16x32x128xf32, #tpu.memory_space<vmem>>[vector<16xi32>, vector<16xi32>, vector<16xi32>], vector<16xf32>,
      %swap3A_506 = arith.constant 28 : i32
      %swap3A_507 = arith.index_cast %swap3A_506 : i32 to index
      %swap3A_508 = arith.constant 0 : index
      %swap3A_509 = tpu.vector_load %arg14[%swap3A_507, %swap3A_508] {strides = array<i32>} : memref<32x16xf32, #tpu.memory_space<vmem>>, vector<16xf32>,
      tpu.vector_store %arg14[%swap3A_507, %swap3A_508], %gather3A_505 {strides = array<i32>} : memref<32x16xf32, #tpu.memory_space<vmem>>, vector<16xf32>,
      %broadcast_in_dim3A_510 = arith.constant 29 : i32
      %broadcast_in_dim3A_511 = vector.broadcast %broadcast_in_dim3A_510 : i32 to vector<16xi32>
      %gather3A_512 = tpu.vector_load_idx %arg13[%iota3A, %broadcast_in_dim3A_511, %and3A_309] : memref<16x32x128xf32, #tpu.memory_space<vmem>>[vector<16xi32>, vector<16xi32>, vector<16xi32>], vector<16xf32>,
      %swap3A_513 = arith.constant 29 : i32
      %swap3A_514 = arith.index_cast %swap3A_513 : i32 to index
      %swap3A_515 = arith.constant 0 : index
      %swap3A_516 = tpu.vector_load %arg14[%swap3A_514, %swap3A_515] {strides = array<i32>} : memref<32x16xf32, #tpu.memory_space<vmem>>, vector<16xf32>,
      tpu.vector_store %arg14[%swap3A_514, %swap3A_515], %gather3A_512 {strides = array<i32>} : memref<32x16xf32, #tpu.memory_space<vmem>>, vector<16xf32>,
      %broadcast_in_dim3A_517 = arith.constant 30 : i32
      %broadcast_in_dim3A_518 = vector.broadcast %broadcast_in_dim3A_517 : i32 to vector<16xi32>
      %gather3A_519 = tpu.vector_load_idx %arg13[%iota3A, %broadcast_in_dim3A_518, %and3A_309] : memref<16x32x128xf32, #tpu.memory_space<vmem>>[vector<16xi32>, vector<16xi32>, vector<16xi32>], vector<16xf32>,
      %swap3A_520 = arith.constant 30 : i32
      %swap3A_521 = arith.index_cast %swap3A_520 : i32 to index
      %swap3A_522 = arith.constant 0 : index
      %swap3A_523 = tpu.vector_load %arg14[%swap3A_521, %swap3A_522] {strides = array<i32>} : memref<32x16xf32, #tpu.memory_space<vmem>>, vector<16xf32>,
      tpu.vector_store %arg14[%swap3A_521, %swap3A_522], %gather3A_519 {strides = array<i32>} : memref<32x16xf32, #tpu.memory_space<vmem>>, vector<16xf32>,
      %broadcast_in_dim3A_524 = arith.constant 31 : i32
      %broadcast_in_dim3A_525 = vector.broadcast %broadcast_in_dim3A_524 : i32 to vector<16xi32>
      %gather3A_526 = tpu.vector_load_idx %arg13[%iota3A, %broadcast_in_dim3A_525, %and3A_309] : memref<16x32x128xf32, #tpu.memory_space<vmem>>[vector<16xi32>, vector<16xi32>, vector<16xi32>], vector<16xf32>,
      %swap3A_527 = arith.constant 31 : i32
      %swap3A_528 = arith.index_cast %swap3A_527 : i32 to index
      %swap3A_529 = arith.constant 0 : index
      %swap3A_530 = tpu.vector_load %arg14[%swap3A_528, %swap3A_529] {strides = array<i32>} : memref<32x16xf32, #tpu.memory_space<vmem>>, vector<16xf32>,
      tpu.vector_store %arg14[%swap3A_528, %swap3A_529], %gather3A_526 {strides = array<i32>} : memref<32x16xf32, #tpu.memory_space<vmem>>, vector<16xf32>,
      %get3A_531 = arith.index_cast %add3A_16 : i32 to index
      %get3A_532 = tpu.vector_load %arg10[%get3A_531] {strides = array<i32>} : memref<512xi32, #tpu.memory_space<vmem>>, vector<16xi32>,
      %slice3A_533 = vector.extract_strided_slice %get3A_532 {offsets = [0], sizes = [1], strides = [1]} : vector<16xi32> to vector<1xi32>
      %squeeze3A_534 = vector.extract %slice3A_533[0] : i32 from vector<1xi32>
      %and3A_535 = arith.constant -128 : i32
      %and3A_536 = arith.andi %squeeze3A_534, %and3A_535 : i32
      %multiple_of3A_537 = tpu.assume_multiple %and3A_536, 128 : i32
      %dma_start3A_538 = arith.constant 0 : i32
      %dma_start3A_539 = arith.constant 0 : i32
      %dma_start3A_540 = arith.constant 0 : i32
      %dma_start3A_541 = tpu.memref_slice %arg13[%dma_start3A_538, %dma_start3A_539, %dma_start3A_540] : memref<16x32x128xf32, #tpu.memory_space<vmem>> -> memref<1x32x128xf32, #tpu.memory_space<vmem>>
      %dma_start3A_542 = tpu.memref_squeeze %dma_start3A_541 : memref<1x32x128xf32, #tpu.memory_space<vmem>> -> memref<32x128xf32, #tpu.memory_space<vmem>>
      %dma_start3A_543 = arith.constant 0 : i32
      %dma_start3A_544 = tpu.memref_slice %arg5[%dma_start3A_543, %multiple_of3A_537] : memref<32x1000000xf32, #tpu.memory_space<hbm>> -> memref<32x128xf32, #tpu.memory_space<hbm>>
      %dma_start3A_545 = arith.constant 0 : i32
      %dma_start3A_546 = arith.constant 0 : i32
      %dma_start3A_547 = tpu.memref_slice %arg13[%dma_start3A_538, %dma_start3A_545, %dma_start3A_546] : memref<16x32x128xf32, #tpu.memory_space<vmem>> -> memref<1x32x128xf32, #tpu.memory_space<vmem>>
      %dma_start3A_548 = tpu.memref_squeeze %dma_start3A_547 : memref<1x32x128xf32, #tpu.memory_space<vmem>> -> memref<32x128xf32, #tpu.memory_space<vmem>>
      %dma_start3A_549 = arith.constant 0 : i32
      %dma_start3A_550 = tpu.memref_slice %arg5[%dma_start3A_549, %multiple_of3A_537] : memref<32x1000000xf32, #tpu.memory_space<hbm>> -> memref<32x128xf32, #tpu.memory_space<hbm>>
      tpu.enqueue_dma source(%dma_start3A_550 : memref<32x128xf32, #tpu.memory_space<hbm>>) target(%dma_start3A_548 : memref<32x128xf32, #tpu.memory_space<vmem>>) target_semaphore(%arg17 : memref<!tpu.dma_semaphore, #tpu.memory_space<semaphore_mem>>)
      %slice3A_551 = vector.extract_strided_slice %get3A_532 {offsets = [1], sizes = [1], strides = [1]} : vector<16xi32> to vector<1xi32>
      %squeeze3A_552 = vector.extract %slice3A_551[0] : i32 from vector<1xi32>
      %and3A_553 = arith.constant -128 : i32
      %and3A_554 = arith.andi %squeeze3A_552, %and3A_553 : i32
      %multiple_of3A_555 = tpu.assume_multiple %and3A_554, 128 : i32
      %dma_start3A_556 = arith.constant 1 : i32
      %dma_start3A_557 = arith.constant 0 : i32
      %dma_start3A_558 = arith.constant 0 : i32
      %dma_start3A_559 = tpu.memref_slice %arg13[%dma_start3A_556, %dma_start3A_557, %dma_start3A_558] : memref<16x32x128xf32, #tpu.memory_space<vmem>> -> memref<1x32x128xf32, #tpu.memory_space<vmem>>
      %dma_start3A_560 = tpu.memref_squeeze %dma_start3A_559 : memref<1x32x128xf32, #tpu.memory_space<vmem>> -> memref<32x128xf32, #tpu.memory_space<vmem>>
      %dma_start3A_561 = arith.constant 0 : i32
      %dma_start3A_562 = tpu.memref_slice %arg5[%dma_start3A_561, %multiple_of3A_555] : memref<32x1000000xf32, #tpu.memory_space<hbm>> -> memref<32x128xf32, #tpu.memory_space<hbm>>
      %dma_start3A_563 = arith.constant 0 : i32
      %dma_start3A_564 = arith.constant 0 : i32
      %dma_start3A_565 = tpu.memref_slice %arg13[%dma_start3A_556, %dma_start3A_563, %dma_start3A_564] : memref<16x32x128xf32, #tpu.memory_space<vmem>> -> memref<1x32x128xf32, #tpu.memory_space<vmem>>
      %dma_start3A_566 = tpu.memref_squeeze %dma_start3A_565 : memref<1x32x128xf32, #tpu.memory_space<vmem>> -> memref<32x128xf32, #tpu.memory_space<vmem>>
      %dma_start3A_567 = arith.constant 0 : i32
      %dma_start3A_568 = tpu.memref_slice %arg5[%dma_start3A_567, %multiple_of3A_555] : memref<32x1000000xf32, #tpu.memory_space<hbm>> -> memref<32x128xf32, #tpu.memory_space<hbm>>
      tpu.enqueue_dma source(%dma_start3A_568 : memref<32x128xf32, #tpu.memory_space<hbm>>) target(%dma_start3A_566 : memref<32x128xf32, #tpu.memory_space<vmem>>) target_semaphore(%arg17 : memref<!tpu.dma_semaphore, #tpu.memory_space<semaphore_mem>>)
      %slice3A_569 = vector.extract_strided_slice %get3A_532 {offsets = [2], sizes = [1], strides = [1]} : vector<16xi32> to vector<1xi32>
      %squeeze3A_570 = vector.extract %slice3A_569[0] : i32 from vector<1xi32>
      %and3A_571 = arith.constant -128 : i32
      %and3A_572 = arith.andi %squeeze3A_570, %and3A_571 : i32
      %multiple_of3A_573 = tpu.assume_multiple %and3A_572, 128 : i32
      %dma_start3A_574 = arith.constant 2 : i32
      %dma_start3A_575 = arith.constant 0 : i32
      %dma_start3A_576 = arith.constant 0 : i32
      %dma_start3A_577 = tpu.memref_slice %arg13[%dma_start3A_574, %dma_start3A_575, %dma_start3A_576] : memref<16x32x128xf32, #tpu.memory_space<vmem>> -> memref<1x32x128xf32, #tpu.memory_space<vmem>>
      %dma_start3A_578 = tpu.memref_squeeze %dma_start3A_577 : memref<1x32x128xf32, #tpu.memory_space<vmem>> -> memref<32x128xf32, #tpu.memory_space<vmem>>
      %dma_start3A_579 = arith.constant 0 : i32
      %dma_start3A_580 = tpu.memref_slice %arg5[%dma_start3A_579, %multiple_of3A_573] : memref<32x1000000xf32, #tpu.memory_space<hbm>> -> memref<32x128xf32, #tpu.memory_space<hbm>>
      %dma_start3A_581 = arith.constant 0 : i32
      %dma_start3A_582 = arith.constant 0 : i32
      %dma_start3A_583 = tpu.memref_slice %arg13[%dma_start3A_574, %dma_start3A_581, %dma_start3A_582] : memref<16x32x128xf32, #tpu.memory_space<vmem>> -> memref<1x32x128xf32, #tpu.memory_space<vmem>>
      %dma_start3A_584 = tpu.memref_squeeze %dma_start3A_583 : memref<1x32x128xf32, #tpu.memory_space<vmem>> -> memref<32x128xf32, #tpu.memory_space<vmem>>
      %dma_start3A_585 = arith.constant 0 : i32
      %dma_start3A_586 = tpu.memref_slice %arg5[%dma_start3A_585, %multiple_of3A_573] : memref<32x1000000xf32, #tpu.memory_space<hbm>> -> memref<32x128xf32, #tpu.memory_space<hbm>>
      tpu.enqueue_dma source(%dma_start3A_586 : memref<32x128xf32, #tpu.memory_space<hbm>>) target(%dma_start3A_584 : memref<32x128xf32, #tpu.memory_space<vmem>>) target_semaphore(%arg17 : memref<!tpu.dma_semaphore, #tpu.memory_space<semaphore_mem>>)
      %slice3A_587 = vector.extract_strided_slice %get3A_532 {offsets = [3], sizes = [1], strides = [1]} : vector<16xi32> to vector<1xi32>
      %squeeze3A_588 = vector.extract %slice3A_587[0] : i32 from vector<1xi32>
      %and3A_589 = arith.constant -128 : i32
      %and3A_590 = arith.andi %squeeze3A_588, %and3A_589 : i32
      %multiple_of3A_591 = tpu.assume_multiple %and3A_590, 128 : i32
      %dma_start3A_592 = arith.constant 3 : i32
      %dma_start3A_593 = arith.constant 0 : i32
      %dma_start3A_594 = arith.constant 0 : i32
      %dma_start3A_595 = tpu.memref_slice %arg13[%dma_start3A_592, %dma_start3A_593, %dma_start3A_594] : memref<16x32x128xf32, #tpu.memory_space<vmem>> -> memref<1x32x128xf32, #tpu.memory_space<vmem>>
      %dma_start3A_596 = tpu.memref_squeeze %dma_start3A_595 : memref<1x32x128xf32, #tpu.memory_space<vmem>> -> memref<32x128xf32, #tpu.memory_space<vmem>>
      %dma_start3A_597 = arith.constant 0 : i32
      %dma_start3A_598 = tpu.memref_slice %arg5[%dma_start3A_597, %multiple_of3A_591] : memref<32x1000000xf32, #tpu.memory_space<hbm>> -> memref<32x128xf32, #tpu.memory_space<hbm>>
      %dma_start3A_599 = arith.constant 0 : i32
      %dma_start3A_600 = arith.constant 0 : i32
      %dma_start3A_601 = tpu.memref_slice %arg13[%dma_start3A_592, %dma_start3A_599, %dma_start3A_600] : memref<16x32x128xf32, #tpu.memory_space<vmem>> -> memref<1x32x128xf32, #tpu.memory_space<vmem>>
      %dma_start3A_602 = tpu.memref_squeeze %dma_start3A_601 : memref<1x32x128xf32, #tpu.memory_space<vmem>> -> memref<32x128xf32, #tpu.memory_space<vmem>>
      %dma_start3A_603 = arith.constant 0 : i32
      %dma_start3A_604 = tpu.memref_slice %arg5[%dma_start3A_603, %multiple_of3A_591] : memref<32x1000000xf32, #tpu.memory_space<hbm>> -> memref<32x128xf32, #tpu.memory_space<hbm>>
      tpu.enqueue_dma source(%dma_start3A_604 : memref<32x128xf32, #tpu.memory_space<hbm>>) target(%dma_start3A_602 : memref<32x128xf32, #tpu.memory_space<vmem>>) target_semaphore(%arg17 : memref<!tpu.dma_semaphore, #tpu.memory_space<semaphore_mem>>)
      %slice3A_605 = vector.extract_strided_slice %get3A_532 {offsets = [4], sizes = [1], strides = [1]} : vector<16xi32> to vector<1xi32>
      %squeeze3A_606 = vector.extract %slice3A_605[0] : i32 from vector<1xi32>
      %and3A_607 = arith.constant -128 : i32
      %and3A_608 = arith.andi %squeeze3A_606, %and3A_607 : i32
      %multiple_of3A_609 = tpu.assume_multiple %and3A_608, 128 : i32
      %dma_start3A_610 = arith.constant 4 : i32
      %dma_start3A_611 = arith.constant 0 : i32
      %dma_start3A_612 = arith.constant 0 : i32
      %dma_start3A_613 = tpu.memref_slice %arg13[%dma_start3A_610, %dma_start3A_611, %dma_start3A_612] : memref<16x32x128xf32, #tpu.memory_space<vmem>> -> memref<1x32x128xf32, #tpu.memory_space<vmem>>
      %dma_start3A_614 = tpu.memref_squeeze %dma_start3A_613 : memref<1x32x128xf32, #tpu.memory_space<vmem>> -> memref<32x128xf32, #tpu.memory_space<vmem>>
      %dma_start3A_615 = arith.constant 0 : i32
      %dma_start3A_616 = tpu.memref_slice %arg5[%dma_start3A_615, %multiple_of3A_609] : memref<32x1000000xf32, #tpu.memory_space<hbm>> -> memref<32x128xf32, #tpu.memory_space<hbm>>
      %dma_start3A_617 = arith.constant 0 : i32
      %dma_start3A_618 = arith.constant 0 : i32
      %dma_start3A_619 = tpu.memref_slice %arg13[%dma_start3A_610, %dma_start3A_617, %dma_start3A_618] : memref<16x32x128xf32, #tpu.memory_space<vmem>> -> memref<1x32x128xf32, #tpu.memory_space<vmem>>
      %dma_start3A_620 = tpu.memref_squeeze %dma_start3A_619 : memref<1x32x128xf32, #tpu.memory_space<vmem>> -> memref<32x128xf32, #tpu.memory_space<vmem>>
      %dma_start3A_621 = arith.constant 0 : i32
      %dma_start3A_622 = tpu.memref_slice %arg5[%dma_start3A_621, %multiple_of3A_609] : memref<32x1000000xf32, #tpu.memory_space<hbm>> -> memref<32x128xf32, #tpu.memory_space<hbm>>
      tpu.enqueue_dma source(%dma_start3A_622 : memref<32x128xf32, #tpu.memory_space<hbm>>) target(%dma_start3A_620 : memref<32x128xf32, #tpu.memory_space<vmem>>) target_semaphore(%arg17 : memref<!tpu.dma_semaphore, #tpu.memory_space<semaphore_mem>>)
      %slice3A_623 = vector.extract_strided_slice %get3A_532 {offsets = [5], sizes = [1], strides = [1]} : vector<16xi32> to vector<1xi32>
      %squeeze3A_624 = vector.extract %slice3A_623[0] : i32 from vector<1xi32>
      %and3A_625 = arith.constant -128 : i32
      %and3A_626 = arith.andi %squeeze3A_624, %and3A_625 : i32
      %multiple_of3A_627 = tpu.assume_multiple %and3A_626, 128 : i32
      %dma_start3A_628 = arith.constant 5 : i32
      %dma_start3A_629 = arith.constant 0 : i32
      %dma_start3A_630 = arith.constant 0 : i32
      %dma_start3A_631 = tpu.memref_slice %arg13[%dma_start3A_628, %dma_start3A_629, %dma_start3A_630] : memref<16x32x128xf32, #tpu.memory_space<vmem>> -> memref<1x32x128xf32, #tpu.memory_space<vmem>>
      %dma_start3A_632 = tpu.memref_squeeze %dma_start3A_631 : memref<1x32x128xf32, #tpu.memory_space<vmem>> -> memref<32x128xf32, #tpu.memory_space<vmem>>
      %dma_start3A_633 = arith.constant 0 : i32
      %dma_start3A_634 = tpu.memref_slice %arg5[%dma_start3A_633, %multiple_of3A_627] : memref<32x1000000xf32, #tpu.memory_space<hbm>> -> memref<32x128xf32, #tpu.memory_space<hbm>>
      %dma_start3A_635 = arith.constant 0 : i32
      %dma_start3A_636 = arith.constant 0 : i32
      %dma_start3A_637 = tpu.memref_slice %arg13[%dma_start3A_628, %dma_start3A_635, %dma_start3A_636] : memref<16x32x128xf32, #tpu.memory_space<vmem>> -> memref<1x32x128xf32, #tpu.memory_space<vmem>>
      %dma_start3A_638 = tpu.memref_squeeze %dma_start3A_637 : memref<1x32x128xf32, #tpu.memory_space<vmem>> -> memref<32x128xf32, #tpu.memory_space<vmem>>
      %dma_start3A_639 = arith.constant 0 : i32
      %dma_start3A_640 = tpu.memref_slice %arg5[%dma_start3A_639, %multiple_of3A_627] : memref<32x1000000xf32, #tpu.memory_space<hbm>> -> memref<32x128xf32, #tpu.memory_space<hbm>>
      tpu.enqueue_dma source(%dma_start3A_640 : memref<32x128xf32, #tpu.memory_space<hbm>>) target(%dma_start3A_638 : memref<32x128xf32, #tpu.memory_space<vmem>>) target_semaphore(%arg17 : memref<!tpu.dma_semaphore, #tpu.memory_space<semaphore_mem>>)
      %slice3A_641 = vector.extract_strided_slice %get3A_532 {offsets = [6], sizes = [1], strides = [1]} : vector<16xi32> to vector<1xi32>
      %squeeze3A_642 = vector.extract %slice3A_641[0] : i32 from vector<1xi32>
      %and3A_643 = arith.constant -128 : i32
      %and3A_644 = arith.andi %squeeze3A_642, %and3A_643 : i32
      %multiple_of3A_645 = tpu.assume_multiple %and3A_644, 128 : i32
      %dma_start3A_646 = arith.constant 6 : i32
      %dma_start3A_647 = arith.constant 0 : i32
      %dma_start3A_648 = arith.constant 0 : i32
      %dma_start3A_649 = tpu.memref_slice %arg13[%dma_start3A_646, %dma_start3A_647, %dma_start3A_648] : memref<16x32x128xf32, #tpu.memory_space<vmem>> -> memref<1x32x128xf32, #tpu.memory_space<vmem>>
      %dma_start3A_650 = tpu.memref_squeeze %dma_start3A_649 : memref<1x32x128xf32, #tpu.memory_space<vmem>> -> memref<32x128xf32, #tpu.memory_space<vmem>>
      %dma_start3A_651 = arith.constant 0 : i32
      %dma_start3A_652 = tpu.memref_slice %arg5[%dma_start3A_651, %multiple_of3A_645] : memref<32x1000000xf32, #tpu.memory_space<hbm>> -> memref<32x128xf32, #tpu.memory_space<hbm>>
      %dma_start3A_653 = arith.constant 0 : i32
      %dma_start3A_654 = arith.constant 0 : i32
      %dma_start3A_655 = tpu.memref_slice %arg13[%dma_start3A_646, %dma_start3A_653, %dma_start3A_654] : memref<16x32x128xf32, #tpu.memory_space<vmem>> -> memref<1x32x128xf32, #tpu.memory_space<vmem>>
      %dma_start3A_656 = tpu.memref_squeeze %dma_start3A_655 : memref<1x32x128xf32, #tpu.memory_space<vmem>> -> memref<32x128xf32, #tpu.memory_space<vmem>>
      %dma_start3A_657 = arith.constant 0 : i32
      %dma_start3A_658 = tpu.memref_slice %arg5[%dma_start3A_657, %multiple_of3A_645] : memref<32x1000000xf32, #tpu.memory_space<hbm>> -> memref<32x128xf32, #tpu.memory_space<hbm>>
      tpu.enqueue_dma source(%dma_start3A_658 : memref<32x128xf32, #tpu.memory_space<hbm>>) target(%dma_start3A_656 : memref<32x128xf32, #tpu.memory_space<vmem>>) target_semaphore(%arg17 : memref<!tpu.dma_semaphore, #tpu.memory_space<semaphore_mem>>)
      %slice3A_659 = vector.extract_strided_slice %get3A_532 {offsets = [7], sizes = [1], strides = [1]} : vector<16xi32> to vector<1xi32>
      %squeeze3A_660 = vector.extract %slice3A_659[0] : i32 from vector<1xi32>
      %and3A_661 = arith.constant -128 : i32
      %and3A_662 = arith.andi %squeeze3A_660, %and3A_661 : i32
      %multiple_of3A_663 = tpu.assume_multiple %and3A_662, 128 : i32
      %dma_start3A_664 = arith.constant 7 : i32
      %dma_start3A_665 = arith.constant 0 : i32
      %dma_start3A_666 = arith.constant 0 : i32
      %dma_start3A_667 = tpu.memref_slice %arg13[%dma_start3A_664, %dma_start3A_665, %dma_start3A_666] : memref<16x32x128xf32, #tpu.memory_space<vmem>> -> memref<1x32x128xf32, #tpu.memory_space<vmem>>
      %dma_start3A_668 = tpu.memref_squeeze %dma_start3A_667 : memref<1x32x128xf32, #tpu.memory_space<vmem>> -> memref<32x128xf32, #tpu.memory_space<vmem>>
      %dma_start3A_669 = arith.constant 0 : i32
      %dma_start3A_670 = tpu.memref_slice %arg5[%dma_start3A_669, %multiple_of3A_663] : memref<32x1000000xf32, #tpu.memory_space<hbm>> -> memref<32x128xf32, #tpu.memory_space<hbm>>
      %dma_start3A_671 = arith.constant 0 : i32
      %dma_start3A_672 = arith.constant 0 : i32
      %dma_start3A_673 = tpu.memref_slice %arg13[%dma_start3A_664, %dma_start3A_671, %dma_start3A_672] : memref<16x32x128xf32, #tpu.memory_space<vmem>> -> memref<1x32x128xf32, #tpu.memory_space<vmem>>
      %dma_start3A_674 = tpu.memref_squeeze %dma_start3A_673 : memref<1x32x128xf32, #tpu.memory_space<vmem>> -> memref<32x128xf32, #tpu.memory_space<vmem>>
      %dma_start3A_675 = arith.constant 0 : i32
      %dma_start3A_676 = tpu.memref_slice %arg5[%dma_start3A_675, %multiple_of3A_663] : memref<32x1000000xf32, #tpu.memory_space<hbm>> -> memref<32x128xf32, #tpu.memory_space<hbm>>
      tpu.enqueue_dma source(%dma_start3A_676 : memref<32x128xf32, #tpu.memory_space<hbm>>) target(%dma_start3A_674 : memref<32x128xf32, #tpu.memory_space<vmem>>) target_semaphore(%arg17 : memref<!tpu.dma_semaphore, #tpu.memory_space<semaphore_mem>>)
      %slice3A_677 = vector.extract_strided_slice %get3A_532 {offsets = [8], sizes = [1], strides = [1]} : vector<16xi32> to vector<1xi32>
      %squeeze3A_678 = vector.extract %slice3A_677[0] : i32 from vector<1xi32>
      %and3A_679 = arith.constant -128 : i32
      %and3A_680 = arith.andi %squeeze3A_678, %and3A_679 : i32
      %multiple_of3A_681 = tpu.assume_multiple %and3A_680, 128 : i32
      %dma_start3A_682 = arith.constant 8 : i32
      %dma_start3A_683 = arith.constant 0 : i32
      %dma_start3A_684 = arith.constant 0 : i32
      %dma_start3A_685 = tpu.memref_slice %arg13[%dma_start3A_682, %dma_start3A_683, %dma_start3A_684] : memref<16x32x128xf32, #tpu.memory_space<vmem>> -> memref<1x32x128xf32, #tpu.memory_space<vmem>>
      %dma_start3A_686 = tpu.memref_squeeze %dma_start3A_685 : memref<1x32x128xf32, #tpu.memory_space<vmem>> -> memref<32x128xf32, #tpu.memory_space<vmem>>
      %dma_start3A_687 = arith.constant 0 : i32
      %dma_start3A_688 = tpu.memref_slice %arg5[%dma_start3A_687, %multiple_of3A_681] : memref<32x1000000xf32, #tpu.memory_space<hbm>> -> memref<32x128xf32, #tpu.memory_space<hbm>>
      %dma_start3A_689 = arith.constant 0 : i32
      %dma_start3A_690 = arith.constant 0 : i32
      %dma_start3A_691 = tpu.memref_slice %arg13[%dma_start3A_682, %dma_start3A_689, %dma_start3A_690] : memref<16x32x128xf32, #tpu.memory_space<vmem>> -> memref<1x32x128xf32, #tpu.memory_space<vmem>>
      %dma_start3A_692 = tpu.memref_squeeze %dma_start3A_691 : memref<1x32x128xf32, #tpu.memory_space<vmem>> -> memref<32x128xf32, #tpu.memory_space<vmem>>
      %dma_start3A_693 = arith.constant 0 : i32
      %dma_start3A_694 = tpu.memref_slice %arg5[%dma_start3A_693, %multiple_of3A_681] : memref<32x1000000xf32, #tpu.memory_space<hbm>> -> memref<32x128xf32, #tpu.memory_space<hbm>>
      tpu.enqueue_dma source(%dma_start3A_694 : memref<32x128xf32, #tpu.memory_space<hbm>>) target(%dma_start3A_692 : memref<32x128xf32, #tpu.memory_space<vmem>>) target_semaphore(%arg17 : memref<!tpu.dma_semaphore, #tpu.memory_space<semaphore_mem>>)
      %slice3A_695 = vector.extract_strided_slice %get3A_532 {offsets = [9], sizes = [1], strides = [1]} : vector<16xi32> to vector<1xi32>
      %squeeze3A_696 = vector.extract %slice3A_695[0] : i32 from vector<1xi32>
      %and3A_697 = arith.constant -128 : i32
      %and3A_698 = arith.andi %squeeze3A_696, %and3A_697 : i32
      %multiple_of3A_699 = tpu.assume_multiple %and3A_698, 128 : i32
      %dma_start3A_700 = arith.constant 9 : i32
      %dma_start3A_701 = arith.constant 0 : i32
      %dma_start3A_702 = arith.constant 0 : i32
      %dma_start3A_703 = tpu.memref_slice %arg13[%dma_start3A_700, %dma_start3A_701, %dma_start3A_702] : memref<16x32x128xf32, #tpu.memory_space<vmem>> -> memref<1x32x128xf32, #tpu.memory_space<vmem>>
      %dma_start3A_704 = tpu.memref_squeeze %dma_start3A_703 : memref<1x32x128xf32, #tpu.memory_space<vmem>> -> memref<32x128xf32, #tpu.memory_space<vmem>>
      %dma_start3A_705 = arith.constant 0 : i32
      %dma_start3A_706 = tpu.memref_slice %arg5[%dma_start3A_705, %multiple_of3A_699] : memref<32x1000000xf32, #tpu.memory_space<hbm>> -> memref<32x128xf32, #tpu.memory_space<hbm>>
      %dma_start3A_707 = arith.constant 0 : i32
      %dma_start3A_708 = arith.constant 0 : i32
      %dma_start3A_709 = tpu.memref_slice %arg13[%dma_start3A_700, %dma_start3A_707, %dma_start3A_708] : memref<16x32x128xf32, #tpu.memory_space<vmem>> -> memref<1x32x128xf32, #tpu.memory_space<vmem>>
      %dma_start3A_710 = tpu.memref_squeeze %dma_start3A_709 : memref<1x32x128xf32, #tpu.memory_space<vmem>> -> memref<32x128xf32, #tpu.memory_space<vmem>>
      %dma_start3A_711 = arith.constant 0 : i32
      %dma_start3A_712 = tpu.memref_slice %arg5[%dma_start3A_711, %multiple_of3A_699] : memref<32x1000000xf32, #tpu.memory_space<hbm>> -> memref<32x128xf32, #tpu.memory_space<hbm>>
      tpu.enqueue_dma source(%dma_start3A_712 : memref<32x128xf32, #tpu.memory_space<hbm>>) target(%dma_start3A_710 : memref<32x128xf32, #tpu.memory_space<vmem>>) target_semaphore(%arg17 : memref<!tpu.dma_semaphore, #tpu.memory_space<semaphore_mem>>)
      %slice3A_713 = vector.extract_strided_slice %get3A_532 {offsets = [10], sizes = [1], strides = [1]} : vector<16xi32> to vector<1xi32>
      %squeeze3A_714 = vector.extract %slice3A_713[0] : i32 from vector<1xi32>
      %and3A_715 = arith.constant -128 : i32
      %and3A_716 = arith.andi %squeeze3A_714, %and3A_715 : i32
      %multiple_of3A_717 = tpu.assume_multiple %and3A_716, 128 : i32
      %dma_start3A_718 = arith.constant 10 : i32
      %dma_start3A_719 = arith.constant 0 : i32
      %dma_start3A_720 = arith.constant 0 : i32
      %dma_start3A_721 = tpu.memref_slice %arg13[%dma_start3A_718, %dma_start3A_719, %dma_start3A_720] : memref<16x32x128xf32, #tpu.memory_space<vmem>> -> memref<1x32x128xf32, #tpu.memory_space<vmem>>
      %dma_start3A_722 = tpu.memref_squeeze %dma_start3A_721 : memref<1x32x128xf32, #tpu.memory_space<vmem>> -> memref<32x128xf32, #tpu.memory_space<vmem>>
      %dma_start3A_723 = arith.constant 0 : i32
      %dma_start3A_724 = tpu.memref_slice %arg5[%dma_start3A_723, %multiple_of3A_717] : memref<32x1000000xf32, #tpu.memory_space<hbm>> -> memref<32x128xf32, #tpu.memory_space<hbm>>
      %dma_start3A_725 = arith.constant 0 : i32
      %dma_start3A_726 = arith.constant 0 : i32
      %dma_start3A_727 = tpu.memref_slice %arg13[%dma_start3A_718, %dma_start3A_725, %dma_start3A_726] : memref<16x32x128xf32, #tpu.memory_space<vmem>> -> memref<1x32x128xf32, #tpu.memory_space<vmem>>
      %dma_start3A_728 = tpu.memref_squeeze %dma_start3A_727 : memref<1x32x128xf32, #tpu.memory_space<vmem>> -> memref<32x128xf32, #tpu.memory_space<vmem>>
      %dma_start3A_729 = arith.constant 0 : i32
      %dma_start3A_730 = tpu.memref_slice %arg5[%dma_start3A_729, %multiple_of3A_717] : memref<32x1000000xf32, #tpu.memory_space<hbm>> -> memref<32x128xf32, #tpu.memory_space<hbm>>
      tpu.enqueue_dma source(%dma_start3A_730 : memref<32x128xf32, #tpu.memory_space<hbm>>) target(%dma_start3A_728 : memref<32x128xf32, #tpu.memory_space<vmem>>) target_semaphore(%arg17 : memref<!tpu.dma_semaphore, #tpu.memory_space<semaphore_mem>>)
      %slice3A_731 = vector.extract_strided_slice %get3A_532 {offsets = [11], sizes = [1], strides = [1]} : vector<16xi32> to vector<1xi32>
      %squeeze3A_732 = vector.extract %slice3A_731[0] : i32 from vector<1xi32>
      %and3A_733 = arith.constant -128 : i32
      %and3A_734 = arith.andi %squeeze3A_732, %and3A_733 : i32
      %multiple_of3A_735 = tpu.assume_multiple %and3A_734, 128 : i32
      %dma_start3A_736 = arith.constant 11 : i32
      %dma_start3A_737 = arith.constant 0 : i32
      %dma_start3A_738 = arith.constant 0 : i32
      %dma_start3A_739 = tpu.memref_slice %arg13[%dma_start3A_736, %dma_start3A_737, %dma_start3A_738] : memref<16x32x128xf32, #tpu.memory_space<vmem>> -> memref<1x32x128xf32, #tpu.memory_space<vmem>>
      %dma_start3A_740 = tpu.memref_squeeze %dma_start3A_739 : memref<1x32x128xf32, #tpu.memory_space<vmem>> -> memref<32x128xf32, #tpu.memory_space<vmem>>
      %dma_start3A_741 = arith.constant 0 : i32
      %dma_start3A_742 = tpu.memref_slice %arg5[%dma_start3A_741, %multiple_of3A_735] : memref<32x1000000xf32, #tpu.memory_space<hbm>> -> memref<32x128xf32, #tpu.memory_space<hbm>>
      %dma_start3A_743 = arith.constant 0 : i32
      %dma_start3A_744 = arith.constant 0 : i32
      %dma_start3A_745 = tpu.memref_slice %arg13[%dma_start3A_736, %dma_start3A_743, %dma_start3A_744] : memref<16x32x128xf32, #tpu.memory_space<vmem>> -> memref<1x32x128xf32, #tpu.memory_space<vmem>>
      %dma_start3A_746 = tpu.memref_squeeze %dma_start3A_745 : memref<1x32x128xf32, #tpu.memory_space<vmem>> -> memref<32x128xf32, #tpu.memory_space<vmem>>
      %dma_start3A_747 = arith.constant 0 : i32
      %dma_start3A_748 = tpu.memref_slice %arg5[%dma_start3A_747, %multiple_of3A_735] : memref<32x1000000xf32, #tpu.memory_space<hbm>> -> memref<32x128xf32, #tpu.memory_space<hbm>>
      tpu.enqueue_dma source(%dma_start3A_748 : memref<32x128xf32, #tpu.memory_space<hbm>>) target(%dma_start3A_746 : memref<32x128xf32, #tpu.memory_space<vmem>>) target_semaphore(%arg17 : memref<!tpu.dma_semaphore, #tpu.memory_space<semaphore_mem>>)
      %slice3A_749 = vector.extract_strided_slice %get3A_532 {offsets = [12], sizes = [1], strides = [1]} : vector<16xi32> to vector<1xi32>
      %squeeze3A_750 = vector.extract %slice3A_749[0] : i32 from vector<1xi32>
      %and3A_751 = arith.constant -128 : i32
      %and3A_752 = arith.andi %squeeze3A_750, %and3A_751 : i32
      %multiple_of3A_753 = tpu.assume_multiple %and3A_752, 128 : i32
      %dma_start3A_754 = arith.constant 12 : i32
      %dma_start3A_755 = arith.constant 0 : i32
      %dma_start3A_756 = arith.constant 0 : i32
      %dma_start3A_757 = tpu.memref_slice %arg13[%dma_start3A_754, %dma_start3A_755, %dma_start3A_756] : memref<16x32x128xf32, #tpu.memory_space<vmem>> -> memref<1x32x128xf32, #tpu.memory_space<vmem>>
      %dma_start3A_758 = tpu.memref_squeeze %dma_start3A_757 : memref<1x32x128xf32, #tpu.memory_space<vmem>> -> memref<32x128xf32, #tpu.memory_space<vmem>>
      %dma_start3A_759 = arith.constant 0 : i32
      %dma_start3A_760 = tpu.memref_slice %arg5[%dma_start3A_759, %multiple_of3A_753] : memref<32x1000000xf32, #tpu.memory_space<hbm>> -> memref<32x128xf32, #tpu.memory_space<hbm>>
      %dma_start3A_761 = arith.constant 0 : i32
      %dma_start3A_762 = arith.constant 0 : i32
      %dma_start3A_763 = tpu.memref_slice %arg13[%dma_start3A_754, %dma_start3A_761, %dma_start3A_762] : memref<16x32x128xf32, #tpu.memory_space<vmem>> -> memref<1x32x128xf32, #tpu.memory_space<vmem>>
      %dma_start3A_764 = tpu.memref_squeeze %dma_start3A_763 : memref<1x32x128xf32, #tpu.memory_space<vmem>> -> memref<32x128xf32, #tpu.memory_space<vmem>>
      %dma_start3A_765 = arith.constant 0 : i32
      %dma_start3A_766 = tpu.memref_slice %arg5[%dma_start3A_765, %multiple_of3A_753] : memref<32x1000000xf32, #tpu.memory_space<hbm>> -> memref<32x128xf32, #tpu.memory_space<hbm>>
      tpu.enqueue_dma source(%dma_start3A_766 : memref<32x128xf32, #tpu.memory_space<hbm>>) target(%dma_start3A_764 : memref<32x128xf32, #tpu.memory_space<vmem>>) target_semaphore(%arg17 : memref<!tpu.dma_semaphore, #tpu.memory_space<semaphore_mem>>)
      %slice3A_767 = vector.extract_strided_slice %get3A_532 {offsets = [13], sizes = [1], strides = [1]} : vector<16xi32> to vector<1xi32>
      %squeeze3A_768 = vector.extract %slice3A_767[0] : i32 from vector<1xi32>
      %and3A_769 = arith.constant -128 : i32
      %and3A_770 = arith.andi %squeeze3A_768, %and3A_769 : i32
      %multiple_of3A_771 = tpu.assume_multiple %and3A_770, 128 : i32
      %dma_start3A_772 = arith.constant 13 : i32
      %dma_start3A_773 = arith.constant 0 : i32
      %dma_start3A_774 = arith.constant 0 : i32
      %dma_start3A_775 = tpu.memref_slice %arg13[%dma_start3A_772, %dma_start3A_773, %dma_start3A_774] : memref<16x32x128xf32, #tpu.memory_space<vmem>> -> memref<1x32x128xf32, #tpu.memory_space<vmem>>
      %dma_start3A_776 = tpu.memref_squeeze %dma_start3A_775 : memref<1x32x128xf32, #tpu.memory_space<vmem>> -> memref<32x128xf32, #tpu.memory_space<vmem>>
      %dma_start3A_777 = arith.constant 0 : i32
      %dma_start3A_778 = tpu.memref_slice %arg5[%dma_start3A_777, %multiple_of3A_771] : memref<32x1000000xf32, #tpu.memory_space<hbm>> -> memref<32x128xf32, #tpu.memory_space<hbm>>
      %dma_start3A_779 = arith.constant 0 : i32
      %dma_start3A_780 = arith.constant 0 : i32
      %dma_start3A_781 = tpu.memref_slice %arg13[%dma_start3A_772, %dma_start3A_779, %dma_start3A_780] : memref<16x32x128xf32, #tpu.memory_space<vmem>> -> memref<1x32x128xf32, #tpu.memory_space<vmem>>
      %dma_start3A_782 = tpu.memref_squeeze %dma_start3A_781 : memref<1x32x128xf32, #tpu.memory_space<vmem>> -> memref<32x128xf32, #tpu.memory_space<vmem>>
      %dma_start3A_783 = arith.constant 0 : i32
      %dma_start3A_784 = tpu.memref_slice %arg5[%dma_start3A_783, %multiple_of3A_771] : memref<32x1000000xf32, #tpu.memory_space<hbm>> -> memref<32x128xf32, #tpu.memory_space<hbm>>
      tpu.enqueue_dma source(%dma_start3A_784 : memref<32x128xf32, #tpu.memory_space<hbm>>) target(%dma_start3A_782 : memref<32x128xf32, #tpu.memory_space<vmem>>) target_semaphore(%arg17 : memref<!tpu.dma_semaphore, #tpu.memory_space<semaphore_mem>>)
      %slice3A_785 = vector.extract_strided_slice %get3A_532 {offsets = [14], sizes = [1], strides = [1]} : vector<16xi32> to vector<1xi32>
      %squeeze3A_786 = vector.extract %slice3A_785[0] : i32 from vector<1xi32>
      %and3A_787 = arith.constant -128 : i32
      %and3A_788 = arith.andi %squeeze3A_786, %and3A_787 : i32
      %multiple_of3A_789 = tpu.assume_multiple %and3A_788, 128 : i32
      %dma_start3A_790 = arith.constant 14 : i32
      %dma_start3A_791 = arith.constant 0 : i32
      %dma_start3A_792 = arith.constant 0 : i32
      %dma_start3A_793 = tpu.memref_slice %arg13[%dma_start3A_790, %dma_start3A_791, %dma_start3A_792] : memref<16x32x128xf32, #tpu.memory_space<vmem>> -> memref<1x32x128xf32, #tpu.memory_space<vmem>>
      %dma_start3A_794 = tpu.memref_squeeze %dma_start3A_793 : memref<1x32x128xf32, #tpu.memory_space<vmem>> -> memref<32x128xf32, #tpu.memory_space<vmem>>
      %dma_start3A_795 = arith.constant 0 : i32
      %dma_start3A_796 = tpu.memref_slice %arg5[%dma_start3A_795, %multiple_of3A_789] : memref<32x1000000xf32, #tpu.memory_space<hbm>> -> memref<32x128xf32, #tpu.memory_space<hbm>>
      %dma_start3A_797 = arith.constant 0 : i32
      %dma_start3A_798 = arith.constant 0 : i32
      %dma_start3A_799 = tpu.memref_slice %arg13[%dma_start3A_790, %dma_start3A_797, %dma_start3A_798] : memref<16x32x128xf32, #tpu.memory_space<vmem>> -> memref<1x32x128xf32, #tpu.memory_space<vmem>>
      %dma_start3A_800 = tpu.memref_squeeze %dma_start3A_799 : memref<1x32x128xf32, #tpu.memory_space<vmem>> -> memref<32x128xf32, #tpu.memory_space<vmem>>
      %dma_start3A_801 = arith.constant 0 : i32
      %dma_start3A_802 = tpu.memref_slice %arg5[%dma_start3A_801, %multiple_of3A_789] : memref<32x1000000xf32, #tpu.memory_space<hbm>> -> memref<32x128xf32, #tpu.memory_space<hbm>>
      tpu.enqueue_dma source(%dma_start3A_802 : memref<32x128xf32, #tpu.memory_space<hbm>>) target(%dma_start3A_800 : memref<32x128xf32, #tpu.memory_space<vmem>>) target_semaphore(%arg17 : memref<!tpu.dma_semaphore, #tpu.memory_space<semaphore_mem>>)
      %slice3A_803 = vector.extract_strided_slice %get3A_532 {offsets = [15], sizes = [1], strides = [1]} : vector<16xi32> to vector<1xi32>
      %squeeze3A_804 = vector.extract %slice3A_803[0] : i32 from vector<1xi32>
      %and3A_805 = arith.constant -128 : i32
      %and3A_806 = arith.andi %squeeze3A_804, %and3A_805 : i32
      %multiple_of3A_807 = tpu.assume_multiple %and3A_806, 128 : i32
      %dma_start3A_808 = arith.constant 15 : i32
      %dma_start3A_809 = arith.constant 0 : i32
      %dma_start3A_810 = arith.constant 0 : i32
      %dma_start3A_811 = tpu.memref_slice %arg13[%dma_start3A_808, %dma_start3A_809, %dma_start3A_810] : memref<16x32x128xf32, #tpu.memory_space<vmem>> -> memref<1x32x128xf32, #tpu.memory_space<vmem>>
      %dma_start3A_812 = tpu.memref_squeeze %dma_start3A_811 : memref<1x32x128xf32, #tpu.memory_space<vmem>> -> memref<32x128xf32, #tpu.memory_space<vmem>>
      %dma_start3A_813 = arith.constant 0 : i32
      %dma_start3A_814 = tpu.memref_slice %arg5[%dma_start3A_813, %multiple_of3A_807] : memref<32x1000000xf32, #tpu.memory_space<hbm>> -> memref<32x128xf32, #tpu.memory_space<hbm>>
      %dma_start3A_815 = arith.constant 0 : i32
      %dma_start3A_816 = arith.constant 0 : i32
      %dma_start3A_817 = tpu.memref_slice %arg13[%dma_start3A_808, %dma_start3A_815, %dma_start3A_816] : memref<16x32x128xf32, #tpu.memory_space<vmem>> -> memref<1x32x128xf32, #tpu.memory_space<vmem>>
      %dma_start3A_818 = tpu.memref_squeeze %dma_start3A_817 : memref<1x32x128xf32, #tpu.memory_space<vmem>> -> memref<32x128xf32, #tpu.memory_space<vmem>>
      %dma_start3A_819 = arith.constant 0 : i32
      %dma_start3A_820 = tpu.memref_slice %arg5[%dma_start3A_819, %multiple_of3A_807] : memref<32x1000000xf32, #tpu.memory_space<hbm>> -> memref<32x128xf32, #tpu.memory_space<hbm>>
      tpu.enqueue_dma source(%dma_start3A_820 : memref<32x128xf32, #tpu.memory_space<hbm>>) target(%dma_start3A_818 : memref<32x128xf32, #tpu.memory_space<vmem>>) target_semaphore(%arg17 : memref<!tpu.dma_semaphore, #tpu.memory_space<semaphore_mem>>)
      %scan3A_821 = arith.constant 0 : i32
      %scan3A_822 = arith.constant 16 : i32
      %scan3A_823 = arith.addi %scan3A_821, %scan3A_822 : i32
      %scan3A_824 = arith.constant 1 : i32
      scf.for %scan3A_1513 = %scan3A_821 to %scan3A_823 step %scan3A_824  : i32 {
        %mul3A_1514 = arith.constant 1 : i32
        %mul3A_1515 = arith.muli %scan3A_1513, %mul3A_1514 : i32
        %add3A_1516 = arith.constant 0 : i32
        %add3A_1517 = arith.addi %add3A_1516, %mul3A_1515 : i32
        %dma_wait3A = arith.constant 0 : i32
        %dma_wait3A_1518 = arith.constant 0 : i32
        %dma_wait3A_1519 = tpu.memref_slice %arg13[%add3A_1517, %dma_wait3A, %dma_wait3A_1518] : memref<16x32x128xf32, #tpu.memory_space<vmem>> -> memref<1x32x128xf32, #tpu.memory_space<vmem>>
        %dma_wait3A_1520 = tpu.memref_squeeze %dma_wait3A_1519 : memref<1x32x128xf32, #tpu.memory_space<vmem>> -> memref<32x128xf32, #tpu.memory_space<vmem>>
        %dma_wait3A_1521 = arith.constant 0 : i32
        %dma_wait3A_1522 = arith.constant 0 : i32
        %dma_wait3A_1523 = tpu.memref_slice %arg5[%dma_wait3A_1521, %dma_wait3A_1522] : memref<32x1000000xf32, #tpu.memory_space<hbm>> -> memref<32x128xf32, #tpu.memory_space<hbm>>
        %dma_wait3A_1524 = arith.constant 0 : i32
        %dma_wait3A_1525 = arith.constant 0 : i32
        %dma_wait3A_1526 = tpu.memref_slice %arg13[%add3A_1517, %dma_wait3A_1524, %dma_wait3A_1525] : memref<16x32x128xf32, #tpu.memory_space<vmem>> -> memref<1x32x128xf32, #tpu.memory_space<vmem>>
        %dma_wait3A_1527 = tpu.memref_squeeze %dma_wait3A_1526 : memref<1x32x128xf32, #tpu.memory_space<vmem>> -> memref<32x128xf32, #tpu.memory_space<vmem>>
        %dma_wait3A_1528 = arith.constant 0 : i32
        %dma_wait3A_1529 = arith.constant 0 : i32
        %dma_wait3A_1530 = tpu.memref_slice %arg5[%dma_wait3A_1528, %dma_wait3A_1529] : memref<32x1000000xf32, #tpu.memory_space<hbm>> -> memref<32x128xf32, #tpu.memory_space<hbm>>
        tpu.wait_dma2 semaphore(%arg17 : memref<!tpu.dma_semaphore, #tpu.memory_space<semaphore_mem>>) src(%dma_wait3A_1530 : memref<32x128xf32, #tpu.memory_space<hbm>>) dst(%dma_wait3A_1527 : memref<32x128xf32, #tpu.memory_space<vmem>>)
      }
      %scan3A_825 = arith.constant 16 : i32
      %and3A_826 = arith.constant 127 : i32
      %and3A_827 = vector.broadcast %and3A_826 : i32 to vector<16xi32>
      %and3A_828 = arith.andi %get3A_532, %and3A_827 : vector<16xi32>
      %broadcast_in_dim3A_829 = arith.constant 0 : i32
      %broadcast_in_dim3A_830 = vector.broadcast %broadcast_in_dim3A_829 : i32 to vector<16xi32>
      %gather3A_831 = tpu.vector_load_idx %arg13[%iota3A, %broadcast_in_dim3A_830, %and3A_828] : memref<16x32x128xf32, #tpu.memory_space<vmem>>[vector<16xi32>, vector<16xi32>, vector<16xi32>], vector<16xf32>,
      %swap3A_832 = arith.constant 0 : i32
      %swap3A_833 = arith.index_cast %swap3A_832 : i32 to index
      %swap3A_834 = arith.constant 0 : index
      %swap3A_835 = tpu.vector_load %arg15[%swap3A_833, %swap3A_834] {strides = array<i32>} : memref<32x16xf32, #tpu.memory_space<vmem>>, vector<16xf32>,
      tpu.vector_store %arg15[%swap3A_833, %swap3A_834], %gather3A_831 {strides = array<i32>} : memref<32x16xf32, #tpu.memory_space<vmem>>, vector<16xf32>,
      %broadcast_in_dim3A_836 = arith.constant 1 : i32
      %broadcast_in_dim3A_837 = vector.broadcast %broadcast_in_dim3A_836 : i32 to vector<16xi32>
      %gather3A_838 = tpu.vector_load_idx %arg13[%iota3A, %broadcast_in_dim3A_837, %and3A_828] : memref<16x32x128xf32, #tpu.memory_space<vmem>>[vector<16xi32>, vector<16xi32>, vector<16xi32>], vector<16xf32>,
      %swap3A_839 = arith.constant 1 : i32
      %swap3A_840 = arith.index_cast %swap3A_839 : i32 to index
      %swap3A_841 = arith.constant 0 : index
      %swap3A_842 = tpu.vector_load %arg15[%swap3A_840, %swap3A_841] {strides = array<i32>} : memref<32x16xf32, #tpu.memory_space<vmem>>, vector<16xf32>,
      tpu.vector_store %arg15[%swap3A_840, %swap3A_841], %gather3A_838 {strides = array<i32>} : memref<32x16xf32, #tpu.memory_space<vmem>>, vector<16xf32>,
      %broadcast_in_dim3A_843 = arith.constant 2 : i32
      %broadcast_in_dim3A_844 = vector.broadcast %broadcast_in_dim3A_843 : i32 to vector<16xi32>
      %gather3A_845 = tpu.vector_load_idx %arg13[%iota3A, %broadcast_in_dim3A_844, %and3A_828] : memref<16x32x128xf32, #tpu.memory_space<vmem>>[vector<16xi32>, vector<16xi32>, vector<16xi32>], vector<16xf32>,
      %swap3A_846 = arith.constant 2 : i32
      %swap3A_847 = arith.index_cast %swap3A_846 : i32 to index
      %swap3A_848 = arith.constant 0 : index
      %swap3A_849 = tpu.vector_load %arg15[%swap3A_847, %swap3A_848] {strides = array<i32>} : memref<32x16xf32, #tpu.memory_space<vmem>>, vector<16xf32>,
      tpu.vector_store %arg15[%swap3A_847, %swap3A_848], %gather3A_845 {strides = array<i32>} : memref<32x16xf32, #tpu.memory_space<vmem>>, vector<16xf32>,
      %broadcast_in_dim3A_850 = arith.constant 3 : i32
      %broadcast_in_dim3A_851 = vector.broadcast %broadcast_in_dim3A_850 : i32 to vector<16xi32>
      %gather3A_852 = tpu.vector_load_idx %arg13[%iota3A, %broadcast_in_dim3A_851, %and3A_828] : memref<16x32x128xf32, #tpu.memory_space<vmem>>[vector<16xi32>, vector<16xi32>, vector<16xi32>], vector<16xf32>,
      %swap3A_853 = arith.constant 3 : i32
      %swap3A_854 = arith.index_cast %swap3A_853 : i32 to index
      %swap3A_855 = arith.constant 0 : index
      %swap3A_856 = tpu.vector_load %arg15[%swap3A_854, %swap3A_855] {strides = array<i32>} : memref<32x16xf32, #tpu.memory_space<vmem>>, vector<16xf32>,
      tpu.vector_store %arg15[%swap3A_854, %swap3A_855], %gather3A_852 {strides = array<i32>} : memref<32x16xf32, #tpu.memory_space<vmem>>, vector<16xf32>,
      %broadcast_in_dim3A_857 = arith.constant 4 : i32
      %broadcast_in_dim3A_858 = vector.broadcast %broadcast_in_dim3A_857 : i32 to vector<16xi32>
      %gather3A_859 = tpu.vector_load_idx %arg13[%iota3A, %broadcast_in_dim3A_858, %and3A_828] : memref<16x32x128xf32, #tpu.memory_space<vmem>>[vector<16xi32>, vector<16xi32>, vector<16xi32>], vector<16xf32>,
      %swap3A_860 = arith.constant 4 : i32
      %swap3A_861 = arith.index_cast %swap3A_860 : i32 to index
      %swap3A_862 = arith.constant 0 : index
      %swap3A_863 = tpu.vector_load %arg15[%swap3A_861, %swap3A_862] {strides = array<i32>} : memref<32x16xf32, #tpu.memory_space<vmem>>, vector<16xf32>,
      tpu.vector_store %arg15[%swap3A_861, %swap3A_862], %gather3A_859 {strides = array<i32>} : memref<32x16xf32, #tpu.memory_space<vmem>>, vector<16xf32>,
      %broadcast_in_dim3A_864 = arith.constant 5 : i32
      %broadcast_in_dim3A_865 = vector.broadcast %broadcast_in_dim3A_864 : i32 to vector<16xi32>
      %gather3A_866 = tpu.vector_load_idx %arg13[%iota3A, %broadcast_in_dim3A_865, %and3A_828] : memref<16x32x128xf32, #tpu.memory_space<vmem>>[vector<16xi32>, vector<16xi32>, vector<16xi32>], vector<16xf32>,
      %swap3A_867 = arith.constant 5 : i32
      %swap3A_868 = arith.index_cast %swap3A_867 : i32 to index
      %swap3A_869 = arith.constant 0 : index
      %swap3A_870 = tpu.vector_load %arg15[%swap3A_868, %swap3A_869] {strides = array<i32>} : memref<32x16xf32, #tpu.memory_space<vmem>>, vector<16xf32>,
      tpu.vector_store %arg15[%swap3A_868, %swap3A_869], %gather3A_866 {strides = array<i32>} : memref<32x16xf32, #tpu.memory_space<vmem>>, vector<16xf32>,
      %broadcast_in_dim3A_871 = arith.constant 6 : i32
      %broadcast_in_dim3A_872 = vector.broadcast %broadcast_in_dim3A_871 : i32 to vector<16xi32>
      %gather3A_873 = tpu.vector_load_idx %arg13[%iota3A, %broadcast_in_dim3A_872, %and3A_828] : memref<16x32x128xf32, #tpu.memory_space<vmem>>[vector<16xi32>, vector<16xi32>, vector<16xi32>], vector<16xf32>,
      %swap3A_874 = arith.constant 6 : i32
      %swap3A_875 = arith.index_cast %swap3A_874 : i32 to index
      %swap3A_876 = arith.constant 0 : index
      %swap3A_877 = tpu.vector_load %arg15[%swap3A_875, %swap3A_876] {strides = array<i32>} : memref<32x16xf32, #tpu.memory_space<vmem>>, vector<16xf32>,
      tpu.vector_store %arg15[%swap3A_875, %swap3A_876], %gather3A_873 {strides = array<i32>} : memref<32x16xf32, #tpu.memory_space<vmem>>, vector<16xf32>,
      %broadcast_in_dim3A_878 = arith.constant 7 : i32
      %broadcast_in_dim3A_879 = vector.broadcast %broadcast_in_dim3A_878 : i32 to vector<16xi32>
      %gather3A_880 = tpu.vector_load_idx %arg13[%iota3A, %broadcast_in_dim3A_879, %and3A_828] : memref<16x32x128xf32, #tpu.memory_space<vmem>>[vector<16xi32>, vector<16xi32>, vector<16xi32>], vector<16xf32>,
      %swap3A_881 = arith.constant 7 : i32
      %swap3A_882 = arith.index_cast %swap3A_881 : i32 to index
      %swap3A_883 = arith.constant 0 : index
      %swap3A_884 = tpu.vector_load %arg15[%swap3A_882, %swap3A_883] {strides = array<i32>} : memref<32x16xf32, #tpu.memory_space<vmem>>, vector<16xf32>,
      tpu.vector_store %arg15[%swap3A_882, %swap3A_883], %gather3A_880 {strides = array<i32>} : memref<32x16xf32, #tpu.memory_space<vmem>>, vector<16xf32>,
      %broadcast_in_dim3A_885 = arith.constant 8 : i32
      %broadcast_in_dim3A_886 = vector.broadcast %broadcast_in_dim3A_885 : i32 to vector<16xi32>
      %gather3A_887 = tpu.vector_load_idx %arg13[%iota3A, %broadcast_in_dim3A_886, %and3A_828] : memref<16x32x128xf32, #tpu.memory_space<vmem>>[vector<16xi32>, vector<16xi32>, vector<16xi32>], vector<16xf32>,
      %swap3A_888 = arith.constant 8 : i32
      %swap3A_889 = arith.index_cast %swap3A_888 : i32 to index
      %swap3A_890 = arith.constant 0 : index
      %swap3A_891 = tpu.vector_load %arg15[%swap3A_889, %swap3A_890] {strides = array<i32>} : memref<32x16xf32, #tpu.memory_space<vmem>>, vector<16xf32>,
      tpu.vector_store %arg15[%swap3A_889, %swap3A_890], %gather3A_887 {strides = array<i32>} : memref<32x16xf32, #tpu.memory_space<vmem>>, vector<16xf32>,
      %broadcast_in_dim3A_892 = arith.constant 9 : i32
      %broadcast_in_dim3A_893 = vector.broadcast %broadcast_in_dim3A_892 : i32 to vector<16xi32>
      %gather3A_894 = tpu.vector_load_idx %arg13[%iota3A, %broadcast_in_dim3A_893, %and3A_828] : memref<16x32x128xf32, #tpu.memory_space<vmem>>[vector<16xi32>, vector<16xi32>, vector<16xi32>], vector<16xf32>,
      %swap3A_895 = arith.constant 9 : i32
      %swap3A_896 = arith.index_cast %swap3A_895 : i32 to index
      %swap3A_897 = arith.constant 0 : index
      %swap3A_898 = tpu.vector_load %arg15[%swap3A_896, %swap3A_897] {strides = array<i32>} : memref<32x16xf32, #tpu.memory_space<vmem>>, vector<16xf32>,
      tpu.vector_store %arg15[%swap3A_896, %swap3A_897], %gather3A_894 {strides = array<i32>} : memref<32x16xf32, #tpu.memory_space<vmem>>, vector<16xf32>,
      %broadcast_in_dim3A_899 = arith.constant 10 : i32
      %broadcast_in_dim3A_900 = vector.broadcast %broadcast_in_dim3A_899 : i32 to vector<16xi32>
      %gather3A_901 = tpu.vector_load_idx %arg13[%iota3A, %broadcast_in_dim3A_900, %and3A_828] : memref<16x32x128xf32, #tpu.memory_space<vmem>>[vector<16xi32>, vector<16xi32>, vector<16xi32>], vector<16xf32>,
      %swap3A_902 = arith.constant 10 : i32
      %swap3A_903 = arith.index_cast %swap3A_902 : i32 to index
      %swap3A_904 = arith.constant 0 : index
      %swap3A_905 = tpu.vector_load %arg15[%swap3A_903, %swap3A_904] {strides = array<i32>} : memref<32x16xf32, #tpu.memory_space<vmem>>, vector<16xf32>,
      tpu.vector_store %arg15[%swap3A_903, %swap3A_904], %gather3A_901 {strides = array<i32>} : memref<32x16xf32, #tpu.memory_space<vmem>>, vector<16xf32>,
      %broadcast_in_dim3A_906 = arith.constant 11 : i32
      %broadcast_in_dim3A_907 = vector.broadcast %broadcast_in_dim3A_906 : i32 to vector<16xi32>
      %gather3A_908 = tpu.vector_load_idx %arg13[%iota3A, %broadcast_in_dim3A_907, %and3A_828] : memref<16x32x128xf32, #tpu.memory_space<vmem>>[vector<16xi32>, vector<16xi32>, vector<16xi32>], vector<16xf32>,
      %swap3A_909 = arith.constant 11 : i32
      %swap3A_910 = arith.index_cast %swap3A_909 : i32 to index
      %swap3A_911 = arith.constant 0 : index
      %swap3A_912 = tpu.vector_load %arg15[%swap3A_910, %swap3A_911] {strides = array<i32>} : memref<32x16xf32, #tpu.memory_space<vmem>>, vector<16xf32>,
      tpu.vector_store %arg15[%swap3A_910, %swap3A_911], %gather3A_908 {strides = array<i32>} : memref<32x16xf32, #tpu.memory_space<vmem>>, vector<16xf32>,
      %broadcast_in_dim3A_913 = arith.constant 12 : i32
      %broadcast_in_dim3A_914 = vector.broadcast %broadcast_in_dim3A_913 : i32 to vector<16xi32>
      %gather3A_915 = tpu.vector_load_idx %arg13[%iota3A, %broadcast_in_dim3A_914, %and3A_828] : memref<16x32x128xf32, #tpu.memory_space<vmem>>[vector<16xi32>, vector<16xi32>, vector<16xi32>], vector<16xf32>,
      %swap3A_916 = arith.constant 12 : i32
      %swap3A_917 = arith.index_cast %swap3A_916 : i32 to index
      %swap3A_918 = arith.constant 0 : index
      %swap3A_919 = tpu.vector_load %arg15[%swap3A_917, %swap3A_918] {strides = array<i32>} : memref<32x16xf32, #tpu.memory_space<vmem>>, vector<16xf32>,
      tpu.vector_store %arg15[%swap3A_917, %swap3A_918], %gather3A_915 {strides = array<i32>} : memref<32x16xf32, #tpu.memory_space<vmem>>, vector<16xf32>,
      %broadcast_in_dim3A_920 = arith.constant 13 : i32
      %broadcast_in_dim3A_921 = vector.broadcast %broadcast_in_dim3A_920 : i32 to vector<16xi32>
      %gather3A_922 = tpu.vector_load_idx %arg13[%iota3A, %broadcast_in_dim3A_921, %and3A_828] : memref<16x32x128xf32, #tpu.memory_space<vmem>>[vector<16xi32>, vector<16xi32>, vector<16xi32>], vector<16xf32>,
      %swap3A_923 = arith.constant 13 : i32
      %swap3A_924 = arith.index_cast %swap3A_923 : i32 to index
      %swap3A_925 = arith.constant 0 : index
      %swap3A_926 = tpu.vector_load %arg15[%swap3A_924, %swap3A_925] {strides = array<i32>} : memref<32x16xf32, #tpu.memory_space<vmem>>, vector<16xf32>,
      tpu.vector_store %arg15[%swap3A_924, %swap3A_925], %gather3A_922 {strides = array<i32>} : memref<32x16xf32, #tpu.memory_space<vmem>>, vector<16xf32>,
      %broadcast_in_dim3A_927 = arith.constant 14 : i32
      %broadcast_in_dim3A_928 = vector.broadcast %broadcast_in_dim3A_927 : i32 to vector<16xi32>
      %gather3A_929 = tpu.vector_load_idx %arg13[%iota3A, %broadcast_in_dim3A_928, %and3A_828] : memref<16x32x128xf32, #tpu.memory_space<vmem>>[vector<16xi32>, vector<16xi32>, vector<16xi32>], vector<16xf32>,
      %swap3A_930 = arith.constant 14 : i32
      %swap3A_931 = arith.index_cast %swap3A_930 : i32 to index
      %swap3A_932 = arith.constant 0 : index
      %swap3A_933 = tpu.vector_load %arg15[%swap3A_931, %swap3A_932] {strides = array<i32>} : memref<32x16xf32, #tpu.memory_space<vmem>>, vector<16xf32>,
      tpu.vector_store %arg15[%swap3A_931, %swap3A_932], %gather3A_929 {strides = array<i32>} : memref<32x16xf32, #tpu.memory_space<vmem>>, vector<16xf32>,
      %broadcast_in_dim3A_934 = arith.constant 15 : i32
      %broadcast_in_dim3A_935 = vector.broadcast %broadcast_in_dim3A_934 : i32 to vector<16xi32>
      %gather3A_936 = tpu.vector_load_idx %arg13[%iota3A, %broadcast_in_dim3A_935, %and3A_828] : memref<16x32x128xf32, #tpu.memory_space<vmem>>[vector<16xi32>, vector<16xi32>, vector<16xi32>], vector<16xf32>,
      %swap3A_937 = arith.constant 15 : i32
      %swap3A_938 = arith.index_cast %swap3A_937 : i32 to index
      %swap3A_939 = arith.constant 0 : index
      %swap3A_940 = tpu.vector_load %arg15[%swap3A_938, %swap3A_939] {strides = array<i32>} : memref<32x16xf32, #tpu.memory_space<vmem>>, vector<16xf32>,
      tpu.vector_store %arg15[%swap3A_938, %swap3A_939], %gather3A_936 {strides = array<i32>} : memref<32x16xf32, #tpu.memory_space<vmem>>, vector<16xf32>,
      %broadcast_in_dim3A_941 = arith.constant 16 : i32
      %broadcast_in_dim3A_942 = vector.broadcast %broadcast_in_dim3A_941 : i32 to vector<16xi32>
      %gather3A_943 = tpu.vector_load_idx %arg13[%iota3A, %broadcast_in_dim3A_942, %and3A_828] : memref<16x32x128xf32, #tpu.memory_space<vmem>>[vector<16xi32>, vector<16xi32>, vector<16xi32>], vector<16xf32>,
      %swap3A_944 = arith.constant 16 : i32
      %swap3A_945 = arith.index_cast %swap3A_944 : i32 to index
      %swap3A_946 = arith.constant 0 : index
      %swap3A_947 = tpu.vector_load %arg15[%swap3A_945, %swap3A_946] {strides = array<i32>} : memref<32x16xf32, #tpu.memory_space<vmem>>, vector<16xf32>,
      tpu.vector_store %arg15[%swap3A_945, %swap3A_946], %gather3A_943 {strides = array<i32>} : memref<32x16xf32, #tpu.memory_space<vmem>>, vector<16xf32>,
      %broadcast_in_dim3A_948 = arith.constant 17 : i32
      %broadcast_in_dim3A_949 = vector.broadcast %broadcast_in_dim3A_948 : i32 to vector<16xi32>
      %gather3A_950 = tpu.vector_load_idx %arg13[%iota3A, %broadcast_in_dim3A_949, %and3A_828] : memref<16x32x128xf32, #tpu.memory_space<vmem>>[vector<16xi32>, vector<16xi32>, vector<16xi32>], vector<16xf32>,
      %swap3A_951 = arith.constant 17 : i32
      %swap3A_952 = arith.index_cast %swap3A_951 : i32 to index
      %swap3A_953 = arith.constant 0 : index
      %swap3A_954 = tpu.vector_load %arg15[%swap3A_952, %swap3A_953] {strides = array<i32>} : memref<32x16xf32, #tpu.memory_space<vmem>>, vector<16xf32>,
      tpu.vector_store %arg15[%swap3A_952, %swap3A_953], %gather3A_950 {strides = array<i32>} : memref<32x16xf32, #tpu.memory_space<vmem>>, vector<16xf32>,
      %broadcast_in_dim3A_955 = arith.constant 18 : i32
      %broadcast_in_dim3A_956 = vector.broadcast %broadcast_in_dim3A_955 : i32 to vector<16xi32>
      %gather3A_957 = tpu.vector_load_idx %arg13[%iota3A, %broadcast_in_dim3A_956, %and3A_828] : memref<16x32x128xf32, #tpu.memory_space<vmem>>[vector<16xi32>, vector<16xi32>, vector<16xi32>], vector<16xf32>,
      %swap3A_958 = arith.constant 18 : i32
      %swap3A_959 = arith.index_cast %swap3A_958 : i32 to index
      %swap3A_960 = arith.constant 0 : index
      %swap3A_961 = tpu.vector_load %arg15[%swap3A_959, %swap3A_960] {strides = array<i32>} : memref<32x16xf32, #tpu.memory_space<vmem>>, vector<16xf32>,
      tpu.vector_store %arg15[%swap3A_959, %swap3A_960], %gather3A_957 {strides = array<i32>} : memref<32x16xf32, #tpu.memory_space<vmem>>, vector<16xf32>,
      %broadcast_in_dim3A_962 = arith.constant 19 : i32
      %broadcast_in_dim3A_963 = vector.broadcast %broadcast_in_dim3A_962 : i32 to vector<16xi32>
      %gather3A_964 = tpu.vector_load_idx %arg13[%iota3A, %broadcast_in_dim3A_963, %and3A_828] : memref<16x32x128xf32, #tpu.memory_space<vmem>>[vector<16xi32>, vector<16xi32>, vector<16xi32>], vector<16xf32>,
      %swap3A_965 = arith.constant 19 : i32
      %swap3A_966 = arith.index_cast %swap3A_965 : i32 to index
      %swap3A_967 = arith.constant 0 : index
      %swap3A_968 = tpu.vector_load %arg15[%swap3A_966, %swap3A_967] {strides = array<i32>} : memref<32x16xf32, #tpu.memory_space<vmem>>, vector<16xf32>,
      tpu.vector_store %arg15[%swap3A_966, %swap3A_967], %gather3A_964 {strides = array<i32>} : memref<32x16xf32, #tpu.memory_space<vmem>>, vector<16xf32>,
      %broadcast_in_dim3A_969 = arith.constant 20 : i32
      %broadcast_in_dim3A_970 = vector.broadcast %broadcast_in_dim3A_969 : i32 to vector<16xi32>
      %gather3A_971 = tpu.vector_load_idx %arg13[%iota3A, %broadcast_in_dim3A_970, %and3A_828] : memref<16x32x128xf32, #tpu.memory_space<vmem>>[vector<16xi32>, vector<16xi32>, vector<16xi32>], vector<16xf32>,
      %swap3A_972 = arith.constant 20 : i32
      %swap3A_973 = arith.index_cast %swap3A_972 : i32 to index
      %swap3A_974 = arith.constant 0 : index
      %swap3A_975 = tpu.vector_load %arg15[%swap3A_973, %swap3A_974] {strides = array<i32>} : memref<32x16xf32, #tpu.memory_space<vmem>>, vector<16xf32>,
      tpu.vector_store %arg15[%swap3A_973, %swap3A_974], %gather3A_971 {strides = array<i32>} : memref<32x16xf32, #tpu.memory_space<vmem>>, vector<16xf32>,
      %broadcast_in_dim3A_976 = arith.constant 21 : i32
      %broadcast_in_dim3A_977 = vector.broadcast %broadcast_in_dim3A_976 : i32 to vector<16xi32>
      %gather3A_978 = tpu.vector_load_idx %arg13[%iota3A, %broadcast_in_dim3A_977, %and3A_828] : memref<16x32x128xf32, #tpu.memory_space<vmem>>[vector<16xi32>, vector<16xi32>, vector<16xi32>], vector<16xf32>,
      %swap3A_979 = arith.constant 21 : i32
      %swap3A_980 = arith.index_cast %swap3A_979 : i32 to index
      %swap3A_981 = arith.constant 0 : index
      %swap3A_982 = tpu.vector_load %arg15[%swap3A_980, %swap3A_981] {strides = array<i32>} : memref<32x16xf32, #tpu.memory_space<vmem>>, vector<16xf32>,
      tpu.vector_store %arg15[%swap3A_980, %swap3A_981], %gather3A_978 {strides = array<i32>} : memref<32x16xf32, #tpu.memory_space<vmem>>, vector<16xf32>,
      %broadcast_in_dim3A_983 = arith.constant 22 : i32
      %broadcast_in_dim3A_984 = vector.broadcast %broadcast_in_dim3A_983 : i32 to vector<16xi32>
      %gather3A_985 = tpu.vector_load_idx %arg13[%iota3A, %broadcast_in_dim3A_984, %and3A_828] : memref<16x32x128xf32, #tpu.memory_space<vmem>>[vector<16xi32>, vector<16xi32>, vector<16xi32>], vector<16xf32>,
      %swap3A_986 = arith.constant 22 : i32
      %swap3A_987 = arith.index_cast %swap3A_986 : i32 to index
      %swap3A_988 = arith.constant 0 : index
      %swap3A_989 = tpu.vector_load %arg15[%swap3A_987, %swap3A_988] {strides = array<i32>} : memref<32x16xf32, #tpu.memory_space<vmem>>, vector<16xf32>,
      tpu.vector_store %arg15[%swap3A_987, %swap3A_988], %gather3A_985 {strides = array<i32>} : memref<32x16xf32, #tpu.memory_space<vmem>>, vector<16xf32>,
      %broadcast_in_dim3A_990 = arith.constant 23 : i32
      %broadcast_in_dim3A_991 = vector.broadcast %broadcast_in_dim3A_990 : i32 to vector<16xi32>
      %gather3A_992 = tpu.vector_load_idx %arg13[%iota3A, %broadcast_in_dim3A_991, %and3A_828] : memref<16x32x128xf32, #tpu.memory_space<vmem>>[vector<16xi32>, vector<16xi32>, vector<16xi32>], vector<16xf32>,
      %swap3A_993 = arith.constant 23 : i32
      %swap3A_994 = arith.index_cast %swap3A_993 : i32 to index
      %swap3A_995 = arith.constant 0 : index
      %swap3A_996 = tpu.vector_load %arg15[%swap3A_994, %swap3A_995] {strides = array<i32>} : memref<32x16xf32, #tpu.memory_space<vmem>>, vector<16xf32>,
      tpu.vector_store %arg15[%swap3A_994, %swap3A_995], %gather3A_992 {strides = array<i32>} : memref<32x16xf32, #tpu.memory_space<vmem>>, vector<16xf32>,
      %broadcast_in_dim3A_997 = arith.constant 24 : i32
      %broadcast_in_dim3A_998 = vector.broadcast %broadcast_in_dim3A_997 : i32 to vector<16xi32>
      %gather3A_999 = tpu.vector_load_idx %arg13[%iota3A, %broadcast_in_dim3A_998, %and3A_828] : memref<16x32x128xf32, #tpu.memory_space<vmem>>[vector<16xi32>, vector<16xi32>, vector<16xi32>], vector<16xf32>,
      %swap3A_1000 = arith.constant 24 : i32
      %swap3A_1001 = arith.index_cast %swap3A_1000 : i32 to index
      %swap3A_1002 = arith.constant 0 : index
      %swap3A_1003 = tpu.vector_load %arg15[%swap3A_1001, %swap3A_1002] {strides = array<i32>} : memref<32x16xf32, #tpu.memory_space<vmem>>, vector<16xf32>,
      tpu.vector_store %arg15[%swap3A_1001, %swap3A_1002], %gather3A_999 {strides = array<i32>} : memref<32x16xf32, #tpu.memory_space<vmem>>, vector<16xf32>,
      %broadcast_in_dim3A_1004 = arith.constant 25 : i32
      %broadcast_in_dim3A_1005 = vector.broadcast %broadcast_in_dim3A_1004 : i32 to vector<16xi32>
      %gather3A_1006 = tpu.vector_load_idx %arg13[%iota3A, %broadcast_in_dim3A_1005, %and3A_828] : memref<16x32x128xf32, #tpu.memory_space<vmem>>[vector<16xi32>, vector<16xi32>, vector<16xi32>], vector<16xf32>,
      %swap3A_1007 = arith.constant 25 : i32
      %swap3A_1008 = arith.index_cast %swap3A_1007 : i32 to index
      %swap3A_1009 = arith.constant 0 : index
      %swap3A_1010 = tpu.vector_load %arg15[%swap3A_1008, %swap3A_1009] {strides = array<i32>} : memref<32x16xf32, #tpu.memory_space<vmem>>, vector<16xf32>,
      tpu.vector_store %arg15[%swap3A_1008, %swap3A_1009], %gather3A_1006 {strides = array<i32>} : memref<32x16xf32, #tpu.memory_space<vmem>>, vector<16xf32>,
      %broadcast_in_dim3A_1011 = arith.constant 26 : i32
      %broadcast_in_dim3A_1012 = vector.broadcast %broadcast_in_dim3A_1011 : i32 to vector<16xi32>
      %gather3A_1013 = tpu.vector_load_idx %arg13[%iota3A, %broadcast_in_dim3A_1012, %and3A_828] : memref<16x32x128xf32, #tpu.memory_space<vmem>>[vector<16xi32>, vector<16xi32>, vector<16xi32>], vector<16xf32>,
      %swap3A_1014 = arith.constant 26 : i32
      %swap3A_1015 = arith.index_cast %swap3A_1014 : i32 to index
      %swap3A_1016 = arith.constant 0 : index
      %swap3A_1017 = tpu.vector_load %arg15[%swap3A_1015, %swap3A_1016] {strides = array<i32>} : memref<32x16xf32, #tpu.memory_space<vmem>>, vector<16xf32>,
      tpu.vector_store %arg15[%swap3A_1015, %swap3A_1016], %gather3A_1013 {strides = array<i32>} : memref<32x16xf32, #tpu.memory_space<vmem>>, vector<16xf32>,
      %broadcast_in_dim3A_1018 = arith.constant 27 : i32
      %broadcast_in_dim3A_1019 = vector.broadcast %broadcast_in_dim3A_1018 : i32 to vector<16xi32>
      %gather3A_1020 = tpu.vector_load_idx %arg13[%iota3A, %broadcast_in_dim3A_1019, %and3A_828] : memref<16x32x128xf32, #tpu.memory_space<vmem>>[vector<16xi32>, vector<16xi32>, vector<16xi32>], vector<16xf32>,
      %swap3A_1021 = arith.constant 27 : i32
      %swap3A_1022 = arith.index_cast %swap3A_1021 : i32 to index
      %swap3A_1023 = arith.constant 0 : index
      %swap3A_1024 = tpu.vector_load %arg15[%swap3A_1022, %swap3A_1023] {strides = array<i32>} : memref<32x16xf32, #tpu.memory_space<vmem>>, vector<16xf32>,
      tpu.vector_store %arg15[%swap3A_1022, %swap3A_1023], %gather3A_1020 {strides = array<i32>} : memref<32x16xf32, #tpu.memory_space<vmem>>, vector<16xf32>,
      %broadcast_in_dim3A_1025 = arith.constant 28 : i32
      %broadcast_in_dim3A_1026 = vector.broadcast %broadcast_in_dim3A_1025 : i32 to vector<16xi32>
      %gather3A_1027 = tpu.vector_load_idx %arg13[%iota3A, %broadcast_in_dim3A_1026, %and3A_828] : memref<16x32x128xf32, #tpu.memory_space<vmem>>[vector<16xi32>, vector<16xi32>, vector<16xi32>], vector<16xf32>,
      %swap3A_1028 = arith.constant 28 : i32
      %swap3A_1029 = arith.index_cast %swap3A_1028 : i32 to index
      %swap3A_1030 = arith.constant 0 : index
      %swap3A_1031 = tpu.vector_load %arg15[%swap3A_1029, %swap3A_1030] {strides = array<i32>} : memref<32x16xf32, #tpu.memory_space<vmem>>, vector<16xf32>,
      tpu.vector_store %arg15[%swap3A_1029, %swap3A_1030], %gather3A_1027 {strides = array<i32>} : memref<32x16xf32, #tpu.memory_space<vmem>>, vector<16xf32>,
      %broadcast_in_dim3A_1032 = arith.constant 29 : i32
      %broadcast_in_dim3A_1033 = vector.broadcast %broadcast_in_dim3A_1032 : i32 to vector<16xi32>
      %gather3A_1034 = tpu.vector_load_idx %arg13[%iota3A, %broadcast_in_dim3A_1033, %and3A_828] : memref<16x32x128xf32, #tpu.memory_space<vmem>>[vector<16xi32>, vector<16xi32>, vector<16xi32>], vector<16xf32>,
      %swap3A_1035 = arith.constant 29 : i32
      %swap3A_1036 = arith.index_cast %swap3A_1035 : i32 to index
      %swap3A_1037 = arith.constant 0 : index
      %swap3A_1038 = tpu.vector_load %arg15[%swap3A_1036, %swap3A_1037] {strides = array<i32>} : memref<32x16xf32, #tpu.memory_space<vmem>>, vector<16xf32>,
      tpu.vector_store %arg15[%swap3A_1036, %swap3A_1037], %gather3A_1034 {strides = array<i32>} : memref<32x16xf32, #tpu.memory_space<vmem>>, vector<16xf32>,
      %broadcast_in_dim3A_1039 = arith.constant 30 : i32
      %broadcast_in_dim3A_1040 = vector.broadcast %broadcast_in_dim3A_1039 : i32 to vector<16xi32>
      %gather3A_1041 = tpu.vector_load_idx %arg13[%iota3A, %broadcast_in_dim3A_1040, %and3A_828] : memref<16x32x128xf32, #tpu.memory_space<vmem>>[vector<16xi32>, vector<16xi32>, vector<16xi32>], vector<16xf32>,
      %swap3A_1042 = arith.constant 30 : i32
      %swap3A_1043 = arith.index_cast %swap3A_1042 : i32 to index
      %swap3A_1044 = arith.constant 0 : index
      %swap3A_1045 = tpu.vector_load %arg15[%swap3A_1043, %swap3A_1044] {strides = array<i32>} : memref<32x16xf32, #tpu.memory_space<vmem>>, vector<16xf32>,
      tpu.vector_store %arg15[%swap3A_1043, %swap3A_1044], %gather3A_1041 {strides = array<i32>} : memref<32x16xf32, #tpu.memory_space<vmem>>, vector<16xf32>,
      %broadcast_in_dim3A_1046 = arith.constant 31 : i32
      %broadcast_in_dim3A_1047 = vector.broadcast %broadcast_in_dim3A_1046 : i32 to vector<16xi32>
      %gather3A_1048 = tpu.vector_load_idx %arg13[%iota3A, %broadcast_in_dim3A_1047, %and3A_828] : memref<16x32x128xf32, #tpu.memory_space<vmem>>[vector<16xi32>, vector<16xi32>, vector<16xi32>], vector<16xf32>,
      %swap3A_1049 = arith.constant 31 : i32
      %swap3A_1050 = arith.index_cast %swap3A_1049 : i32 to index
      %swap3A_1051 = arith.constant 0 : index
      %swap3A_1052 = tpu.vector_load %arg15[%swap3A_1050, %swap3A_1051] {strides = array<i32>} : memref<32x16xf32, #tpu.memory_space<vmem>>, vector<16xf32>,
      tpu.vector_store %arg15[%swap3A_1050, %swap3A_1051], %gather3A_1048 {strides = array<i32>} : memref<32x16xf32, #tpu.memory_space<vmem>>, vector<16xf32>,
      %broadcast_in_dim3A_1053 = arith.constant 0.000000e+00 : f32
      %broadcast_in_dim3A_1054 = vector.broadcast %broadcast_in_dim3A_1053 : f32 to vector<16xf32>
      %slice3A_1055 = vector.extract_strided_slice %get3A_5 {offsets = [0], sizes = [1], strides = [1]} : vector<16xf32> to vector<1xf32>
      %squeeze3A_1056 = vector.extract %slice3A_1055[0] : f32 from vector<1xf32>
      %get3A_1057 = arith.constant 0 : i32
      %get3A_1058 = arith.index_cast %get3A_1057 : i32 to index
      %get3A_1059 = arith.constant 0 : index
      %get3A_1060 = tpu.vector_load %arg14[%get3A_1058, %get3A_1059] {strides = array<i32>} : memref<32x16xf32, #tpu.memory_space<vmem>>, vector<16xf32>,
      %get3A_1061 = arith.constant 0 : i32
      %get3A_1062 = arith.index_cast %get3A_1061 : i32 to index
      %get3A_1063 = arith.constant 0 : index
      %get3A_1064 = tpu.vector_load %arg15[%get3A_1062, %get3A_1063] {strides = array<i32>} : memref<32x16xf32, #tpu.memory_space<vmem>>, vector<16xf32>,
      %mul3A_1065 = arith.mulf %get3A_1060, %get3A_1064 : vector<16xf32>
      %mul3A_1066 = vector.broadcast %squeeze3A_1056 : f32 to vector<16xf32>
      %mul3A_1067 = arith.mulf %mul3A_1065, %mul3A_1066 : vector<16xf32>
      %add3A_1068 = arith.addf %broadcast_in_dim3A_1054, %mul3A_1067 : vector<16xf32>
      %slice3A_1069 = vector.extract_strided_slice %get3A_5 {offsets = [1], sizes = [1], strides = [1]} : vector<16xf32> to vector<1xf32>
      %squeeze3A_1070 = vector.extract %slice3A_1069[0] : f32 from vector<1xf32>
      %get3A_1071 = arith.constant 1 : i32
      %get3A_1072 = arith.index_cast %get3A_1071 : i32 to index
      %get3A_1073 = arith.constant 0 : index
      %get3A_1074 = tpu.vector_load %arg14[%get3A_1072, %get3A_1073] {strides = array<i32>} : memref<32x16xf32, #tpu.memory_space<vmem>>, vector<16xf32>,
      %get3A_1075 = arith.constant 1 : i32
      %get3A_1076 = arith.index_cast %get3A_1075 : i32 to index
      %get3A_1077 = arith.constant 0 : index
      %get3A_1078 = tpu.vector_load %arg15[%get3A_1076, %get3A_1077] {strides = array<i32>} : memref<32x16xf32, #tpu.memory_space<vmem>>, vector<16xf32>,
      %mul3A_1079 = arith.mulf %get3A_1074, %get3A_1078 : vector<16xf32>
      %mul3A_1080 = vector.broadcast %squeeze3A_1070 : f32 to vector<16xf32>
      %mul3A_1081 = arith.mulf %mul3A_1079, %mul3A_1080 : vector<16xf32>
      %add3A_1082 = arith.addf %add3A_1068, %mul3A_1081 : vector<16xf32>
      %slice3A_1083 = vector.extract_strided_slice %get3A_5 {offsets = [2], sizes = [1], strides = [1]} : vector<16xf32> to vector<1xf32>
      %squeeze3A_1084 = vector.extract %slice3A_1083[0] : f32 from vector<1xf32>
      %get3A_1085 = arith.constant 2 : i32
      %get3A_1086 = arith.index_cast %get3A_1085 : i32 to index
      %get3A_1087 = arith.constant 0 : index
      %get3A_1088 = tpu.vector_load %arg14[%get3A_1086, %get3A_1087] {strides = array<i32>} : memref<32x16xf32, #tpu.memory_space<vmem>>, vector<16xf32>,
      %get3A_1089 = arith.constant 2 : i32
      %get3A_1090 = arith.index_cast %get3A_1089 : i32 to index
      %get3A_1091 = arith.constant 0 : index
      %get3A_1092 = tpu.vector_load %arg15[%get3A_1090, %get3A_1091] {strides = array<i32>} : memref<32x16xf32, #tpu.memory_space<vmem>>, vector<16xf32>,
      %mul3A_1093 = arith.mulf %get3A_1088, %get3A_1092 : vector<16xf32>
      %mul3A_1094 = vector.broadcast %squeeze3A_1084 : f32 to vector<16xf32>
      %mul3A_1095 = arith.mulf %mul3A_1093, %mul3A_1094 : vector<16xf32>
      %add3A_1096 = arith.addf %add3A_1082, %mul3A_1095 : vector<16xf32>
      %slice3A_1097 = vector.extract_strided_slice %get3A_5 {offsets = [3], sizes = [1], strides = [1]} : vector<16xf32> to vector<1xf32>
      %squeeze3A_1098 = vector.extract %slice3A_1097[0] : f32 from vector<1xf32>
      %get3A_1099 = arith.constant 3 : i32
      %get3A_1100 = arith.index_cast %get3A_1099 : i32 to index
      %get3A_1101 = arith.constant 0 : index
      %get3A_1102 = tpu.vector_load %arg14[%get3A_1100, %get3A_1101] {strides = array<i32>} : memref<32x16xf32, #tpu.memory_space<vmem>>, vector<16xf32>,
      %get3A_1103 = arith.constant 3 : i32
      %get3A_1104 = arith.index_cast %get3A_1103 : i32 to index
      %get3A_1105 = arith.constant 0 : index
      %get3A_1106 = tpu.vector_load %arg15[%get3A_1104, %get3A_1105] {strides = array<i32>} : memref<32x16xf32, #tpu.memory_space<vmem>>, vector<16xf32>,
      %mul3A_1107 = arith.mulf %get3A_1102, %get3A_1106 : vector<16xf32>
      %mul3A_1108 = vector.broadcast %squeeze3A_1098 : f32 to vector<16xf32>
      %mul3A_1109 = arith.mulf %mul3A_1107, %mul3A_1108 : vector<16xf32>
      %add3A_1110 = arith.addf %add3A_1096, %mul3A_1109 : vector<16xf32>
      %slice3A_1111 = vector.extract_strided_slice %get3A_5 {offsets = [4], sizes = [1], strides = [1]} : vector<16xf32> to vector<1xf32>
      %squeeze3A_1112 = vector.extract %slice3A_1111[0] : f32 from vector<1xf32>
      %get3A_1113 = arith.constant 4 : i32
      %get3A_1114 = arith.index_cast %get3A_1113 : i32 to index
      %get3A_1115 = arith.constant 0 : index
      %get3A_1116 = tpu.vector_load %arg14[%get3A_1114, %get3A_1115] {strides = array<i32>} : memref<32x16xf32, #tpu.memory_space<vmem>>, vector<16xf32>,
      %get3A_1117 = arith.constant 4 : i32
      %get3A_1118 = arith.index_cast %get3A_1117 : i32 to index
      %get3A_1119 = arith.constant 0 : index
      %get3A_1120 = tpu.vector_load %arg15[%get3A_1118, %get3A_1119] {strides = array<i32>} : memref<32x16xf32, #tpu.memory_space<vmem>>, vector<16xf32>,
      %mul3A_1121 = arith.mulf %get3A_1116, %get3A_1120 : vector<16xf32>
      %mul3A_1122 = vector.broadcast %squeeze3A_1112 : f32 to vector<16xf32>
      %mul3A_1123 = arith.mulf %mul3A_1121, %mul3A_1122 : vector<16xf32>
      %add3A_1124 = arith.addf %add3A_1110, %mul3A_1123 : vector<16xf32>
      %slice3A_1125 = vector.extract_strided_slice %get3A_5 {offsets = [5], sizes = [1], strides = [1]} : vector<16xf32> to vector<1xf32>
      %squeeze3A_1126 = vector.extract %slice3A_1125[0] : f32 from vector<1xf32>
      %get3A_1127 = arith.constant 5 : i32
      %get3A_1128 = arith.index_cast %get3A_1127 : i32 to index
      %get3A_1129 = arith.constant 0 : index
      %get3A_1130 = tpu.vector_load %arg14[%get3A_1128, %get3A_1129] {strides = array<i32>} : memref<32x16xf32, #tpu.memory_space<vmem>>, vector<16xf32>,
      %get3A_1131 = arith.constant 5 : i32
      %get3A_1132 = arith.index_cast %get3A_1131 : i32 to index
      %get3A_1133 = arith.constant 0 : index
      %get3A_1134 = tpu.vector_load %arg15[%get3A_1132, %get3A_1133] {strides = array<i32>} : memref<32x16xf32, #tpu.memory_space<vmem>>, vector<16xf32>,
      %mul3A_1135 = arith.mulf %get3A_1130, %get3A_1134 : vector<16xf32>
      %mul3A_1136 = vector.broadcast %squeeze3A_1126 : f32 to vector<16xf32>
      %mul3A_1137 = arith.mulf %mul3A_1135, %mul3A_1136 : vector<16xf32>
      %add3A_1138 = arith.addf %add3A_1124, %mul3A_1137 : vector<16xf32>
      %slice3A_1139 = vector.extract_strided_slice %get3A_5 {offsets = [6], sizes = [1], strides = [1]} : vector<16xf32> to vector<1xf32>
      %squeeze3A_1140 = vector.extract %slice3A_1139[0] : f32 from vector<1xf32>
      %get3A_1141 = arith.constant 6 : i32
      %get3A_1142 = arith.index_cast %get3A_1141 : i32 to index
      %get3A_1143 = arith.constant 0 : index
      %get3A_1144 = tpu.vector_load %arg14[%get3A_1142, %get3A_1143] {strides = array<i32>} : memref<32x16xf32, #tpu.memory_space<vmem>>, vector<16xf32>,
      %get3A_1145 = arith.constant 6 : i32
      %get3A_1146 = arith.index_cast %get3A_1145 : i32 to index
      %get3A_1147 = arith.constant 0 : index
      %get3A_1148 = tpu.vector_load %arg15[%get3A_1146, %get3A_1147] {strides = array<i32>} : memref<32x16xf32, #tpu.memory_space<vmem>>, vector<16xf32>,
      %mul3A_1149 = arith.mulf %get3A_1144, %get3A_1148 : vector<16xf32>
      %mul3A_1150 = vector.broadcast %squeeze3A_1140 : f32 to vector<16xf32>
      %mul3A_1151 = arith.mulf %mul3A_1149, %mul3A_1150 : vector<16xf32>
      %add3A_1152 = arith.addf %add3A_1138, %mul3A_1151 : vector<16xf32>
      %slice3A_1153 = vector.extract_strided_slice %get3A_5 {offsets = [7], sizes = [1], strides = [1]} : vector<16xf32> to vector<1xf32>
      %squeeze3A_1154 = vector.extract %slice3A_1153[0] : f32 from vector<1xf32>
      %get3A_1155 = arith.constant 7 : i32
      %get3A_1156 = arith.index_cast %get3A_1155 : i32 to index
      %get3A_1157 = arith.constant 0 : index
      %get3A_1158 = tpu.vector_load %arg14[%get3A_1156, %get3A_1157] {strides = array<i32>} : memref<32x16xf32, #tpu.memory_space<vmem>>, vector<16xf32>,
      %get3A_1159 = arith.constant 7 : i32
      %get3A_1160 = arith.index_cast %get3A_1159 : i32 to index
      %get3A_1161 = arith.constant 0 : index
      %get3A_1162 = tpu.vector_load %arg15[%get3A_1160, %get3A_1161] {strides = array<i32>} : memref<32x16xf32, #tpu.memory_space<vmem>>, vector<16xf32>,
      %mul3A_1163 = arith.mulf %get3A_1158, %get3A_1162 : vector<16xf32>
      %mul3A_1164 = vector.broadcast %squeeze3A_1154 : f32 to vector<16xf32>
      %mul3A_1165 = arith.mulf %mul3A_1163, %mul3A_1164 : vector<16xf32>
      %add3A_1166 = arith.addf %add3A_1152, %mul3A_1165 : vector<16xf32>
      %slice3A_1167 = vector.extract_strided_slice %get3A_5 {offsets = [8], sizes = [1], strides = [1]} : vector<16xf32> to vector<1xf32>
      %squeeze3A_1168 = vector.extract %slice3A_1167[0] : f32 from vector<1xf32>
      %get3A_1169 = arith.constant 8 : i32
      %get3A_1170 = arith.index_cast %get3A_1169 : i32 to index
      %get3A_1171 = arith.constant 0 : index
      %get3A_1172 = tpu.vector_load %arg14[%get3A_1170, %get3A_1171] {strides = array<i32>} : memref<32x16xf32, #tpu.memory_space<vmem>>, vector<16xf32>,
      %get3A_1173 = arith.constant 8 : i32
      %get3A_1174 = arith.index_cast %get3A_1173 : i32 to index
      %get3A_1175 = arith.constant 0 : index
      %get3A_1176 = tpu.vector_load %arg15[%get3A_1174, %get3A_1175] {strides = array<i32>} : memref<32x16xf32, #tpu.memory_space<vmem>>, vector<16xf32>,
      %mul3A_1177 = arith.mulf %get3A_1172, %get3A_1176 : vector<16xf32>
      %mul3A_1178 = vector.broadcast %squeeze3A_1168 : f32 to vector<16xf32>
      %mul3A_1179 = arith.mulf %mul3A_1177, %mul3A_1178 : vector<16xf32>
      %add3A_1180 = arith.addf %add3A_1166, %mul3A_1179 : vector<16xf32>
      %slice3A_1181 = vector.extract_strided_slice %get3A_5 {offsets = [9], sizes = [1], strides = [1]} : vector<16xf32> to vector<1xf32>
      %squeeze3A_1182 = vector.extract %slice3A_1181[0] : f32 from vector<1xf32>
      %get3A_1183 = arith.constant 9 : i32
      %get3A_1184 = arith.index_cast %get3A_1183 : i32 to index
      %get3A_1185 = arith.constant 0 : index
      %get3A_1186 = tpu.vector_load %arg14[%get3A_1184, %get3A_1185] {strides = array<i32>} : memref<32x16xf32, #tpu.memory_space<vmem>>, vector<16xf32>,
      %get3A_1187 = arith.constant 9 : i32
      %get3A_1188 = arith.index_cast %get3A_1187 : i32 to index
      %get3A_1189 = arith.constant 0 : index
      %get3A_1190 = tpu.vector_load %arg15[%get3A_1188, %get3A_1189] {strides = array<i32>} : memref<32x16xf32, #tpu.memory_space<vmem>>, vector<16xf32>,
      %mul3A_1191 = arith.mulf %get3A_1186, %get3A_1190 : vector<16xf32>
      %mul3A_1192 = vector.broadcast %squeeze3A_1182 : f32 to vector<16xf32>
      %mul3A_1193 = arith.mulf %mul3A_1191, %mul3A_1192 : vector<16xf32>
      %add3A_1194 = arith.addf %add3A_1180, %mul3A_1193 : vector<16xf32>
      %slice3A_1195 = vector.extract_strided_slice %get3A_5 {offsets = [10], sizes = [1], strides = [1]} : vector<16xf32> to vector<1xf32>
      %squeeze3A_1196 = vector.extract %slice3A_1195[0] : f32 from vector<1xf32>
      %get3A_1197 = arith.constant 10 : i32
      %get3A_1198 = arith.index_cast %get3A_1197 : i32 to index
      %get3A_1199 = arith.constant 0 : index
      %get3A_1200 = tpu.vector_load %arg14[%get3A_1198, %get3A_1199] {strides = array<i32>} : memref<32x16xf32, #tpu.memory_space<vmem>>, vector<16xf32>,
      %get3A_1201 = arith.constant 10 : i32
      %get3A_1202 = arith.index_cast %get3A_1201 : i32 to index
      %get3A_1203 = arith.constant 0 : index
      %get3A_1204 = tpu.vector_load %arg15[%get3A_1202, %get3A_1203] {strides = array<i32>} : memref<32x16xf32, #tpu.memory_space<vmem>>, vector<16xf32>,
      %mul3A_1205 = arith.mulf %get3A_1200, %get3A_1204 : vector<16xf32>
      %mul3A_1206 = vector.broadcast %squeeze3A_1196 : f32 to vector<16xf32>
      %mul3A_1207 = arith.mulf %mul3A_1205, %mul3A_1206 : vector<16xf32>
      %add3A_1208 = arith.addf %add3A_1194, %mul3A_1207 : vector<16xf32>
      %slice3A_1209 = vector.extract_strided_slice %get3A_5 {offsets = [11], sizes = [1], strides = [1]} : vector<16xf32> to vector<1xf32>
      %squeeze3A_1210 = vector.extract %slice3A_1209[0] : f32 from vector<1xf32>
      %get3A_1211 = arith.constant 11 : i32
      %get3A_1212 = arith.index_cast %get3A_1211 : i32 to index
      %get3A_1213 = arith.constant 0 : index
      %get3A_1214 = tpu.vector_load %arg14[%get3A_1212, %get3A_1213] {strides = array<i32>} : memref<32x16xf32, #tpu.memory_space<vmem>>, vector<16xf32>,
      %get3A_1215 = arith.constant 11 : i32
      %get3A_1216 = arith.index_cast %get3A_1215 : i32 to index
      %get3A_1217 = arith.constant 0 : index
      %get3A_1218 = tpu.vector_load %arg15[%get3A_1216, %get3A_1217] {strides = array<i32>} : memref<32x16xf32, #tpu.memory_space<vmem>>, vector<16xf32>,
      %mul3A_1219 = arith.mulf %get3A_1214, %get3A_1218 : vector<16xf32>
      %mul3A_1220 = vector.broadcast %squeeze3A_1210 : f32 to vector<16xf32>
      %mul3A_1221 = arith.mulf %mul3A_1219, %mul3A_1220 : vector<16xf32>
      %add3A_1222 = arith.addf %add3A_1208, %mul3A_1221 : vector<16xf32>
      %slice3A_1223 = vector.extract_strided_slice %get3A_5 {offsets = [12], sizes = [1], strides = [1]} : vector<16xf32> to vector<1xf32>
      %squeeze3A_1224 = vector.extract %slice3A_1223[0] : f32 from vector<1xf32>
      %get3A_1225 = arith.constant 12 : i32
      %get3A_1226 = arith.index_cast %get3A_1225 : i32 to index
      %get3A_1227 = arith.constant 0 : index
      %get3A_1228 = tpu.vector_load %arg14[%get3A_1226, %get3A_1227] {strides = array<i32>} : memref<32x16xf32, #tpu.memory_space<vmem>>, vector<16xf32>,
      %get3A_1229 = arith.constant 12 : i32
      %get3A_1230 = arith.index_cast %get3A_1229 : i32 to index
      %get3A_1231 = arith.constant 0 : index
      %get3A_1232 = tpu.vector_load %arg15[%get3A_1230, %get3A_1231] {strides = array<i32>} : memref<32x16xf32, #tpu.memory_space<vmem>>, vector<16xf32>,
      %mul3A_1233 = arith.mulf %get3A_1228, %get3A_1232 : vector<16xf32>
      %mul3A_1234 = vector.broadcast %squeeze3A_1224 : f32 to vector<16xf32>
      %mul3A_1235 = arith.mulf %mul3A_1233, %mul3A_1234 : vector<16xf32>
      %add3A_1236 = arith.addf %add3A_1222, %mul3A_1235 : vector<16xf32>
      %slice3A_1237 = vector.extract_strided_slice %get3A_5 {offsets = [13], sizes = [1], strides = [1]} : vector<16xf32> to vector<1xf32>
      %squeeze3A_1238 = vector.extract %slice3A_1237[0] : f32 from vector<1xf32>
      %get3A_1239 = arith.constant 13 : i32
      %get3A_1240 = arith.index_cast %get3A_1239 : i32 to index
      %get3A_1241 = arith.constant 0 : index
      %get3A_1242 = tpu.vector_load %arg14[%get3A_1240, %get3A_1241] {strides = array<i32>} : memref<32x16xf32, #tpu.memory_space<vmem>>, vector<16xf32>,
      %get3A_1243 = arith.constant 13 : i32
      %get3A_1244 = arith.index_cast %get3A_1243 : i32 to index
      %get3A_1245 = arith.constant 0 : index
      %get3A_1246 = tpu.vector_load %arg15[%get3A_1244, %get3A_1245] {strides = array<i32>} : memref<32x16xf32, #tpu.memory_space<vmem>>, vector<16xf32>,
      %mul3A_1247 = arith.mulf %get3A_1242, %get3A_1246 : vector<16xf32>
      %mul3A_1248 = vector.broadcast %squeeze3A_1238 : f32 to vector<16xf32>
      %mul3A_1249 = arith.mulf %mul3A_1247, %mul3A_1248 : vector<16xf32>
      %add3A_1250 = arith.addf %add3A_1236, %mul3A_1249 : vector<16xf32>
      %slice3A_1251 = vector.extract_strided_slice %get3A_5 {offsets = [14], sizes = [1], strides = [1]} : vector<16xf32> to vector<1xf32>
      %squeeze3A_1252 = vector.extract %slice3A_1251[0] : f32 from vector<1xf32>
      %get3A_1253 = arith.constant 14 : i32
      %get3A_1254 = arith.index_cast %get3A_1253 : i32 to index
      %get3A_1255 = arith.constant 0 : index
      %get3A_1256 = tpu.vector_load %arg14[%get3A_1254, %get3A_1255] {strides = array<i32>} : memref<32x16xf32, #tpu.memory_space<vmem>>, vector<16xf32>,
      %get3A_1257 = arith.constant 14 : i32
      %get3A_1258 = arith.index_cast %get3A_1257 : i32 to index
      %get3A_1259 = arith.constant 0 : index
      %get3A_1260 = tpu.vector_load %arg15[%get3A_1258, %get3A_1259] {strides = array<i32>} : memref<32x16xf32, #tpu.memory_space<vmem>>, vector<16xf32>,
      %mul3A_1261 = arith.mulf %get3A_1256, %get3A_1260 : vector<16xf32>
      %mul3A_1262 = vector.broadcast %squeeze3A_1252 : f32 to vector<16xf32>
      %mul3A_1263 = arith.mulf %mul3A_1261, %mul3A_1262 : vector<16xf32>
      %add3A_1264 = arith.addf %add3A_1250, %mul3A_1263 : vector<16xf32>
      %slice3A_1265 = vector.extract_strided_slice %get3A_5 {offsets = [15], sizes = [1], strides = [1]} : vector<16xf32> to vector<1xf32>
      %squeeze3A_1266 = vector.extract %slice3A_1265[0] : f32 from vector<1xf32>
      %get3A_1267 = arith.constant 15 : i32
      %get3A_1268 = arith.index_cast %get3A_1267 : i32 to index
      %get3A_1269 = arith.constant 0 : index
      %get3A_1270 = tpu.vector_load %arg14[%get3A_1268, %get3A_1269] {strides = array<i32>} : memref<32x16xf32, #tpu.memory_space<vmem>>, vector<16xf32>,
      %get3A_1271 = arith.constant 15 : i32
      %get3A_1272 = arith.index_cast %get3A_1271 : i32 to index
      %get3A_1273 = arith.constant 0 : index
      %get3A_1274 = tpu.vector_load %arg15[%get3A_1272, %get3A_1273] {strides = array<i32>} : memref<32x16xf32, #tpu.memory_space<vmem>>, vector<16xf32>,
      %mul3A_1275 = arith.mulf %get3A_1270, %get3A_1274 : vector<16xf32>
      %mul3A_1276 = vector.broadcast %squeeze3A_1266 : f32 to vector<16xf32>
      %mul3A_1277 = arith.mulf %mul3A_1275, %mul3A_1276 : vector<16xf32>
      %add3A_1278 = arith.addf %add3A_1264, %mul3A_1277 : vector<16xf32>
      %slice3A_1279 = vector.extract_strided_slice %get3A_7 {offsets = [0], sizes = [1], strides = [1]} : vector<16xf32> to vector<1xf32>
      %squeeze3A_1280 = vector.extract %slice3A_1279[0] : f32 from vector<1xf32>
      %get3A_1281 = arith.constant 16 : i32
      %get3A_1282 = arith.index_cast %get3A_1281 : i32 to index
      %get3A_1283 = arith.constant 0 : index
      %get3A_1284 = tpu.vector_load %arg14[%get3A_1282, %get3A_1283] {strides = array<i32>} : memref<32x16xf32, #tpu.memory_space<vmem>>, vector<16xf32>,
      %get3A_1285 = arith.constant 16 : i32
      %get3A_1286 = arith.index_cast %get3A_1285 : i32 to index
      %get3A_1287 = arith.constant 0 : index
      %get3A_1288 = tpu.vector_load %arg15[%get3A_1286, %get3A_1287] {strides = array<i32>} : memref<32x16xf32, #tpu.memory_space<vmem>>, vector<16xf32>,
      %mul3A_1289 = arith.mulf %get3A_1284, %get3A_1288 : vector<16xf32>
      %mul3A_1290 = vector.broadcast %squeeze3A_1280 : f32 to vector<16xf32>
      %mul3A_1291 = arith.mulf %mul3A_1289, %mul3A_1290 : vector<16xf32>
      %add3A_1292 = arith.addf %add3A_1278, %mul3A_1291 : vector<16xf32>
      %slice3A_1293 = vector.extract_strided_slice %get3A_7 {offsets = [1], sizes = [1], strides = [1]} : vector<16xf32> to vector<1xf32>
      %squeeze3A_1294 = vector.extract %slice3A_1293[0] : f32 from vector<1xf32>
      %get3A_1295 = arith.constant 17 : i32
      %get3A_1296 = arith.index_cast %get3A_1295 : i32 to index
      %get3A_1297 = arith.constant 0 : index
      %get3A_1298 = tpu.vector_load %arg14[%get3A_1296, %get3A_1297] {strides = array<i32>} : memref<32x16xf32, #tpu.memory_space<vmem>>, vector<16xf32>,
      %get3A_1299 = arith.constant 17 : i32
      %get3A_1300 = arith.index_cast %get3A_1299 : i32 to index
      %get3A_1301 = arith.constant 0 : index
      %get3A_1302 = tpu.vector_load %arg15[%get3A_1300, %get3A_1301] {strides = array<i32>} : memref<32x16xf32, #tpu.memory_space<vmem>>, vector<16xf32>,
      %mul3A_1303 = arith.mulf %get3A_1298, %get3A_1302 : vector<16xf32>
      %mul3A_1304 = vector.broadcast %squeeze3A_1294 : f32 to vector<16xf32>
      %mul3A_1305 = arith.mulf %mul3A_1303, %mul3A_1304 : vector<16xf32>
      %add3A_1306 = arith.addf %add3A_1292, %mul3A_1305 : vector<16xf32>
      %slice3A_1307 = vector.extract_strided_slice %get3A_7 {offsets = [2], sizes = [1], strides = [1]} : vector<16xf32> to vector<1xf32>
      %squeeze3A_1308 = vector.extract %slice3A_1307[0] : f32 from vector<1xf32>
      %get3A_1309 = arith.constant 18 : i32
      %get3A_1310 = arith.index_cast %get3A_1309 : i32 to index
      %get3A_1311 = arith.constant 0 : index
      %get3A_1312 = tpu.vector_load %arg14[%get3A_1310, %get3A_1311] {strides = array<i32>} : memref<32x16xf32, #tpu.memory_space<vmem>>, vector<16xf32>,
      %get3A_1313 = arith.constant 18 : i32
      %get3A_1314 = arith.index_cast %get3A_1313 : i32 to index
      %get3A_1315 = arith.constant 0 : index
      %get3A_1316 = tpu.vector_load %arg15[%get3A_1314, %get3A_1315] {strides = array<i32>} : memref<32x16xf32, #tpu.memory_space<vmem>>, vector<16xf32>,
      %mul3A_1317 = arith.mulf %get3A_1312, %get3A_1316 : vector<16xf32>
      %mul3A_1318 = vector.broadcast %squeeze3A_1308 : f32 to vector<16xf32>
      %mul3A_1319 = arith.mulf %mul3A_1317, %mul3A_1318 : vector<16xf32>
      %add3A_1320 = arith.addf %add3A_1306, %mul3A_1319 : vector<16xf32>
      %slice3A_1321 = vector.extract_strided_slice %get3A_7 {offsets = [3], sizes = [1], strides = [1]} : vector<16xf32> to vector<1xf32>
      %squeeze3A_1322 = vector.extract %slice3A_1321[0] : f32 from vector<1xf32>
      %get3A_1323 = arith.constant 19 : i32
      %get3A_1324 = arith.index_cast %get3A_1323 : i32 to index
      %get3A_1325 = arith.constant 0 : index
      %get3A_1326 = tpu.vector_load %arg14[%get3A_1324, %get3A_1325] {strides = array<i32>} : memref<32x16xf32, #tpu.memory_space<vmem>>, vector<16xf32>,
      %get3A_1327 = arith.constant 19 : i32
      %get3A_1328 = arith.index_cast %get3A_1327 : i32 to index
      %get3A_1329 = arith.constant 0 : index
      %get3A_1330 = tpu.vector_load %arg15[%get3A_1328, %get3A_1329] {strides = array<i32>} : memref<32x16xf32, #tpu.memory_space<vmem>>, vector<16xf32>,
      %mul3A_1331 = arith.mulf %get3A_1326, %get3A_1330 : vector<16xf32>
      %mul3A_1332 = vector.broadcast %squeeze3A_1322 : f32 to vector<16xf32>
      %mul3A_1333 = arith.mulf %mul3A_1331, %mul3A_1332 : vector<16xf32>
      %add3A_1334 = arith.addf %add3A_1320, %mul3A_1333 : vector<16xf32>
      %slice3A_1335 = vector.extract_strided_slice %get3A_7 {offsets = [4], sizes = [1], strides = [1]} : vector<16xf32> to vector<1xf32>
      %squeeze3A_1336 = vector.extract %slice3A_1335[0] : f32 from vector<1xf32>
      %get3A_1337 = arith.constant 20 : i32
      %get3A_1338 = arith.index_cast %get3A_1337 : i32 to index
      %get3A_1339 = arith.constant 0 : index
      %get3A_1340 = tpu.vector_load %arg14[%get3A_1338, %get3A_1339] {strides = array<i32>} : memref<32x16xf32, #tpu.memory_space<vmem>>, vector<16xf32>,
      %get3A_1341 = arith.constant 20 : i32
      %get3A_1342 = arith.index_cast %get3A_1341 : i32 to index
      %get3A_1343 = arith.constant 0 : index
      %get3A_1344 = tpu.vector_load %arg15[%get3A_1342, %get3A_1343] {strides = array<i32>} : memref<32x16xf32, #tpu.memory_space<vmem>>, vector<16xf32>,
      %mul3A_1345 = arith.mulf %get3A_1340, %get3A_1344 : vector<16xf32>
      %mul3A_1346 = vector.broadcast %squeeze3A_1336 : f32 to vector<16xf32>
      %mul3A_1347 = arith.mulf %mul3A_1345, %mul3A_1346 : vector<16xf32>
      %add3A_1348 = arith.addf %add3A_1334, %mul3A_1347 : vector<16xf32>
      %slice3A_1349 = vector.extract_strided_slice %get3A_7 {offsets = [5], sizes = [1], strides = [1]} : vector<16xf32> to vector<1xf32>
      %squeeze3A_1350 = vector.extract %slice3A_1349[0] : f32 from vector<1xf32>
      %get3A_1351 = arith.constant 21 : i32
      %get3A_1352 = arith.index_cast %get3A_1351 : i32 to index
      %get3A_1353 = arith.constant 0 : index
      %get3A_1354 = tpu.vector_load %arg14[%get3A_1352, %get3A_1353] {strides = array<i32>} : memref<32x16xf32, #tpu.memory_space<vmem>>, vector<16xf32>,
      %get3A_1355 = arith.constant 21 : i32
      %get3A_1356 = arith.index_cast %get3A_1355 : i32 to index
      %get3A_1357 = arith.constant 0 : index
      %get3A_1358 = tpu.vector_load %arg15[%get3A_1356, %get3A_1357] {strides = array<i32>} : memref<32x16xf32, #tpu.memory_space<vmem>>, vector<16xf32>,
      %mul3A_1359 = arith.mulf %get3A_1354, %get3A_1358 : vector<16xf32>
      %mul3A_1360 = vector.broadcast %squeeze3A_1350 : f32 to vector<16xf32>
      %mul3A_1361 = arith.mulf %mul3A_1359, %mul3A_1360 : vector<16xf32>
      %add3A_1362 = arith.addf %add3A_1348, %mul3A_1361 : vector<16xf32>
      %slice3A_1363 = vector.extract_strided_slice %get3A_7 {offsets = [6], sizes = [1], strides = [1]} : vector<16xf32> to vector<1xf32>
      %squeeze3A_1364 = vector.extract %slice3A_1363[0] : f32 from vector<1xf32>
      %get3A_1365 = arith.constant 22 : i32
      %get3A_1366 = arith.index_cast %get3A_1365 : i32 to index
      %get3A_1367 = arith.constant 0 : index
      %get3A_1368 = tpu.vector_load %arg14[%get3A_1366, %get3A_1367] {strides = array<i32>} : memref<32x16xf32, #tpu.memory_space<vmem>>, vector<16xf32>,
      %get3A_1369 = arith.constant 22 : i32
      %get3A_1370 = arith.index_cast %get3A_1369 : i32 to index
      %get3A_1371 = arith.constant 0 : index
      %get3A_1372 = tpu.vector_load %arg15[%get3A_1370, %get3A_1371] {strides = array<i32>} : memref<32x16xf32, #tpu.memory_space<vmem>>, vector<16xf32>,
      %mul3A_1373 = arith.mulf %get3A_1368, %get3A_1372 : vector<16xf32>
      %mul3A_1374 = vector.broadcast %squeeze3A_1364 : f32 to vector<16xf32>
      %mul3A_1375 = arith.mulf %mul3A_1373, %mul3A_1374 : vector<16xf32>
      %add3A_1376 = arith.addf %add3A_1362, %mul3A_1375 : vector<16xf32>
      %slice3A_1377 = vector.extract_strided_slice %get3A_7 {offsets = [7], sizes = [1], strides = [1]} : vector<16xf32> to vector<1xf32>
      %squeeze3A_1378 = vector.extract %slice3A_1377[0] : f32 from vector<1xf32>
      %get3A_1379 = arith.constant 23 : i32
      %get3A_1380 = arith.index_cast %get3A_1379 : i32 to index
      %get3A_1381 = arith.constant 0 : index
      %get3A_1382 = tpu.vector_load %arg14[%get3A_1380, %get3A_1381] {strides = array<i32>} : memref<32x16xf32, #tpu.memory_space<vmem>>, vector<16xf32>,
      %get3A_1383 = arith.constant 23 : i32
      %get3A_1384 = arith.index_cast %get3A_1383 : i32 to index
      %get3A_1385 = arith.constant 0 : index
      %get3A_1386 = tpu.vector_load %arg15[%get3A_1384, %get3A_1385] {strides = array<i32>} : memref<32x16xf32, #tpu.memory_space<vmem>>, vector<16xf32>,
      %mul3A_1387 = arith.mulf %get3A_1382, %get3A_1386 : vector<16xf32>
      %mul3A_1388 = vector.broadcast %squeeze3A_1378 : f32 to vector<16xf32>
      %mul3A_1389 = arith.mulf %mul3A_1387, %mul3A_1388 : vector<16xf32>
      %add3A_1390 = arith.addf %add3A_1376, %mul3A_1389 : vector<16xf32>
      %slice3A_1391 = vector.extract_strided_slice %get3A_7 {offsets = [8], sizes = [1], strides = [1]} : vector<16xf32> to vector<1xf32>
      %squeeze3A_1392 = vector.extract %slice3A_1391[0] : f32 from vector<1xf32>
      %get3A_1393 = arith.constant 24 : i32
      %get3A_1394 = arith.index_cast %get3A_1393 : i32 to index
      %get3A_1395 = arith.constant 0 : index
      %get3A_1396 = tpu.vector_load %arg14[%get3A_1394, %get3A_1395] {strides = array<i32>} : memref<32x16xf32, #tpu.memory_space<vmem>>, vector<16xf32>,
      %get3A_1397 = arith.constant 24 : i32
      %get3A_1398 = arith.index_cast %get3A_1397 : i32 to index
      %get3A_1399 = arith.constant 0 : index
      %get3A_1400 = tpu.vector_load %arg15[%get3A_1398, %get3A_1399] {strides = array<i32>} : memref<32x16xf32, #tpu.memory_space<vmem>>, vector<16xf32>,
      %mul3A_1401 = arith.mulf %get3A_1396, %get3A_1400 : vector<16xf32>
      %mul3A_1402 = vector.broadcast %squeeze3A_1392 : f32 to vector<16xf32>
      %mul3A_1403 = arith.mulf %mul3A_1401, %mul3A_1402 : vector<16xf32>
      %add3A_1404 = arith.addf %add3A_1390, %mul3A_1403 : vector<16xf32>
      %slice3A_1405 = vector.extract_strided_slice %get3A_7 {offsets = [9], sizes = [1], strides = [1]} : vector<16xf32> to vector<1xf32>
      %squeeze3A_1406 = vector.extract %slice3A_1405[0] : f32 from vector<1xf32>
      %get3A_1407 = arith.constant 25 : i32
      %get3A_1408 = arith.index_cast %get3A_1407 : i32 to index
      %get3A_1409 = arith.constant 0 : index
      %get3A_1410 = tpu.vector_load %arg14[%get3A_1408, %get3A_1409] {strides = array<i32>} : memref<32x16xf32, #tpu.memory_space<vmem>>, vector<16xf32>,
      %get3A_1411 = arith.constant 25 : i32
      %get3A_1412 = arith.index_cast %get3A_1411 : i32 to index
      %get3A_1413 = arith.constant 0 : index
      %get3A_1414 = tpu.vector_load %arg15[%get3A_1412, %get3A_1413] {strides = array<i32>} : memref<32x16xf32, #tpu.memory_space<vmem>>, vector<16xf32>,
      %mul3A_1415 = arith.mulf %get3A_1410, %get3A_1414 : vector<16xf32>
      %mul3A_1416 = vector.broadcast %squeeze3A_1406 : f32 to vector<16xf32>
      %mul3A_1417 = arith.mulf %mul3A_1415, %mul3A_1416 : vector<16xf32>
      %add3A_1418 = arith.addf %add3A_1404, %mul3A_1417 : vector<16xf32>
      %slice3A_1419 = vector.extract_strided_slice %get3A_7 {offsets = [10], sizes = [1], strides = [1]} : vector<16xf32> to vector<1xf32>
      %squeeze3A_1420 = vector.extract %slice3A_1419[0] : f32 from vector<1xf32>
      %get3A_1421 = arith.constant 26 : i32
      %get3A_1422 = arith.index_cast %get3A_1421 : i32 to index
      %get3A_1423 = arith.constant 0 : index
      %get3A_1424 = tpu.vector_load %arg14[%get3A_1422, %get3A_1423] {strides = array<i32>} : memref<32x16xf32, #tpu.memory_space<vmem>>, vector<16xf32>,
      %get3A_1425 = arith.constant 26 : i32
      %get3A_1426 = arith.index_cast %get3A_1425 : i32 to index
      %get3A_1427 = arith.constant 0 : index
      %get3A_1428 = tpu.vector_load %arg15[%get3A_1426, %get3A_1427] {strides = array<i32>} : memref<32x16xf32, #tpu.memory_space<vmem>>, vector<16xf32>,
      %mul3A_1429 = arith.mulf %get3A_1424, %get3A_1428 : vector<16xf32>
      %mul3A_1430 = vector.broadcast %squeeze3A_1420 : f32 to vector<16xf32>
      %mul3A_1431 = arith.mulf %mul3A_1429, %mul3A_1430 : vector<16xf32>
      %add3A_1432 = arith.addf %add3A_1418, %mul3A_1431 : vector<16xf32>
      %slice3A_1433 = vector.extract_strided_slice %get3A_7 {offsets = [11], sizes = [1], strides = [1]} : vector<16xf32> to vector<1xf32>
      %squeeze3A_1434 = vector.extract %slice3A_1433[0] : f32 from vector<1xf32>
      %get3A_1435 = arith.constant 27 : i32
      %get3A_1436 = arith.index_cast %get3A_1435 : i32 to index
      %get3A_1437 = arith.constant 0 : index
      %get3A_1438 = tpu.vector_load %arg14[%get3A_1436, %get3A_1437] {strides = array<i32>} : memref<32x16xf32, #tpu.memory_space<vmem>>, vector<16xf32>,
      %get3A_1439 = arith.constant 27 : i32
      %get3A_1440 = arith.index_cast %get3A_1439 : i32 to index
      %get3A_1441 = arith.constant 0 : index
      %get3A_1442 = tpu.vector_load %arg15[%get3A_1440, %get3A_1441] {strides = array<i32>} : memref<32x16xf32, #tpu.memory_space<vmem>>, vector<16xf32>,
      %mul3A_1443 = arith.mulf %get3A_1438, %get3A_1442 : vector<16xf32>
      %mul3A_1444 = vector.broadcast %squeeze3A_1434 : f32 to vector<16xf32>
      %mul3A_1445 = arith.mulf %mul3A_1443, %mul3A_1444 : vector<16xf32>
      %add3A_1446 = arith.addf %add3A_1432, %mul3A_1445 : vector<16xf32>
      %slice3A_1447 = vector.extract_strided_slice %get3A_7 {offsets = [12], sizes = [1], strides = [1]} : vector<16xf32> to vector<1xf32>
      %squeeze3A_1448 = vector.extract %slice3A_1447[0] : f32 from vector<1xf32>
      %get3A_1449 = arith.constant 28 : i32
      %get3A_1450 = arith.index_cast %get3A_1449 : i32 to index
      %get3A_1451 = arith.constant 0 : index
      %get3A_1452 = tpu.vector_load %arg14[%get3A_1450, %get3A_1451] {strides = array<i32>} : memref<32x16xf32, #tpu.memory_space<vmem>>, vector<16xf32>,
      %get3A_1453 = arith.constant 28 : i32
      %get3A_1454 = arith.index_cast %get3A_1453 : i32 to index
      %get3A_1455 = arith.constant 0 : index
      %get3A_1456 = tpu.vector_load %arg15[%get3A_1454, %get3A_1455] {strides = array<i32>} : memref<32x16xf32, #tpu.memory_space<vmem>>, vector<16xf32>,
      %mul3A_1457 = arith.mulf %get3A_1452, %get3A_1456 : vector<16xf32>
      %mul3A_1458 = vector.broadcast %squeeze3A_1448 : f32 to vector<16xf32>
      %mul3A_1459 = arith.mulf %mul3A_1457, %mul3A_1458 : vector<16xf32>
      %add3A_1460 = arith.addf %add3A_1446, %mul3A_1459 : vector<16xf32>
      %slice3A_1461 = vector.extract_strided_slice %get3A_7 {offsets = [13], sizes = [1], strides = [1]} : vector<16xf32> to vector<1xf32>
      %squeeze3A_1462 = vector.extract %slice3A_1461[0] : f32 from vector<1xf32>
      %get3A_1463 = arith.constant 29 : i32
      %get3A_1464 = arith.index_cast %get3A_1463 : i32 to index
      %get3A_1465 = arith.constant 0 : index
      %get3A_1466 = tpu.vector_load %arg14[%get3A_1464, %get3A_1465] {strides = array<i32>} : memref<32x16xf32, #tpu.memory_space<vmem>>, vector<16xf32>,
      %get3A_1467 = arith.constant 29 : i32
      %get3A_1468 = arith.index_cast %get3A_1467 : i32 to index
      %get3A_1469 = arith.constant 0 : index
      %get3A_1470 = tpu.vector_load %arg15[%get3A_1468, %get3A_1469] {strides = array<i32>} : memref<32x16xf32, #tpu.memory_space<vmem>>, vector<16xf32>,
      %mul3A_1471 = arith.mulf %get3A_1466, %get3A_1470 : vector<16xf32>
      %mul3A_1472 = vector.broadcast %squeeze3A_1462 : f32 to vector<16xf32>
      %mul3A_1473 = arith.mulf %mul3A_1471, %mul3A_1472 : vector<16xf32>
      %add3A_1474 = arith.addf %add3A_1460, %mul3A_1473 : vector<16xf32>
      %slice3A_1475 = vector.extract_strided_slice %get3A_7 {offsets = [14], sizes = [1], strides = [1]} : vector<16xf32> to vector<1xf32>
      %squeeze3A_1476 = vector.extract %slice3A_1475[0] : f32 from vector<1xf32>
      %get3A_1477 = arith.constant 30 : i32
      %get3A_1478 = arith.index_cast %get3A_1477 : i32 to index
      %get3A_1479 = arith.constant 0 : index
      %get3A_1480 = tpu.vector_load %arg14[%get3A_1478, %get3A_1479] {strides = array<i32>} : memref<32x16xf32, #tpu.memory_space<vmem>>, vector<16xf32>,
      %get3A_1481 = arith.constant 30 : i32
      %get3A_1482 = arith.index_cast %get3A_1481 : i32 to index
      %get3A_1483 = arith.constant 0 : index
      %get3A_1484 = tpu.vector_load %arg15[%get3A_1482, %get3A_1483] {strides = array<i32>} : memref<32x16xf32, #tpu.memory_space<vmem>>, vector<16xf32>,
      %mul3A_1485 = arith.mulf %get3A_1480, %get3A_1484 : vector<16xf32>
      %mul3A_1486 = vector.broadcast %squeeze3A_1476 : f32 to vector<16xf32>
      %mul3A_1487 = arith.mulf %mul3A_1485, %mul3A_1486 : vector<16xf32>
      %add3A_1488 = arith.addf %add3A_1474, %mul3A_1487 : vector<16xf32>
      %slice3A_1489 = vector.extract_strided_slice %get3A_7 {offsets = [15], sizes = [1], strides = [1]} : vector<16xf32> to vector<1xf32>
      %squeeze3A_1490 = vector.extract %slice3A_1489[0] : f32 from vector<1xf32>
      %get3A_1491 = arith.constant 31 : i32
      %get3A_1492 = arith.index_cast %get3A_1491 : i32 to index
      %get3A_1493 = arith.constant 0 : index
      %get3A_1494 = tpu.vector_load %arg14[%get3A_1492, %get3A_1493] {strides = array<i32>} : memref<32x16xf32, #tpu.memory_space<vmem>>, vector<16xf32>,
      %get3A_1495 = arith.constant 31 : i32
      %get3A_1496 = arith.index_cast %get3A_1495 : i32 to index
      %get3A_1497 = arith.constant 0 : index
      %get3A_1498 = tpu.vector_load %arg15[%get3A_1496, %get3A_1497] {strides = array<i32>} : memref<32x16xf32, #tpu.memory_space<vmem>>, vector<16xf32>,
      %mul3A_1499 = arith.mulf %get3A_1494, %get3A_1498 : vector<16xf32>
      %mul3A_1500 = vector.broadcast %squeeze3A_1490 : f32 to vector<16xf32>
      %mul3A_1501 = arith.mulf %mul3A_1499, %mul3A_1500 : vector<16xf32>
      %add3A_1502 = arith.addf %add3A_1488, %mul3A_1501 : vector<16xf32>
      %add3A_1503 = arith.addf %add3A_1502, %get3A_3 : vector<16xf32>
      %neg3A = arith.constant 0.000000e+00 : f32
      %neg3A_1504 = vector.broadcast %neg3A : f32 to vector<16xf32>
      %neg3A_1505 = arith.subf %neg3A_1504, %add3A_1503 : vector<16xf32>
      %exp3A = math.exp %neg3A_1505 : vector<16xf32>
      %add3A_1506 = arith.constant 1.000000e+00 : f32
      %add3A_1507 = vector.broadcast %add3A_1506 : f32 to vector<16xf32>
      %add3A_1508 = arith.addf %add3A_1507, %exp3A : vector<16xf32>
      %div3A = arith.constant 1.000000e+00 : f32
      %div3A_1509 = vector.broadcast %div3A : f32 to vector<16xf32>
      %div3A_1510 = arith.divf %div3A_1509, %add3A_1508 : vector<16xf32>
      %swap3A_1511 = arith.index_cast %add3A_16 : i32 to index
      %swap3A_1512 = tpu.vector_load %arg16[%swap3A_1511] {strides = array<i32>} : memref<512xf32, #tpu.memory_space<vmem>>, vector<16xf32>,
      tpu.vector_store %arg16[%swap3A_1511], %div3A_1510 {strides = array<i32>} : memref<512xf32, #tpu.memory_space<vmem>>, vector<16xf32>,
    }
    %scan3A_11 = arith.constant 32 : i32
    "tpu.region"() ({
      %run_scoped3A = tpu.sem_alloc : memref<!tpu.dma_semaphore, #tpu.memory_space<semaphore_mem>>
      %dma_start3A = tpu.memref_slice %arg8[%mul3A_2] : memref<16384xf32, #tpu.memory_space<hbm>> -> memref<512xf32, #tpu.memory_space<hbm>>
      %dma_start3A_12 = tpu.memref_slice %arg8[%mul3A_2] : memref<16384xf32, #tpu.memory_space<hbm>> -> memref<512xf32, #tpu.memory_space<hbm>>
      tpu.enqueue_dma source(%arg16 : memref<512xf32, #tpu.memory_space<vmem>>) target(%dma_start3A_12 : memref<512xf32, #tpu.memory_space<hbm>>) target_semaphore(%run_scoped3A : memref<!tpu.dma_semaphore, #tpu.memory_space<semaphore_mem>>)
      %dma_wait3A = tpu.memref_slice %arg8[%mul3A_2] : memref<16384xf32, #tpu.memory_space<hbm>> -> memref<512xf32, #tpu.memory_space<hbm>>
      %dma_wait3A_13 = tpu.memref_slice %arg8[%mul3A_2] : memref<16384xf32, #tpu.memory_space<hbm>> -> memref<512xf32, #tpu.memory_space<hbm>>
      tpu.wait_dma2 semaphore(%run_scoped3A : memref<!tpu.dma_semaphore, #tpu.memory_space<semaphore_mem>>) src(%arg16 : memref<512xf32, #tpu.memory_space<vmem>>) dst(%dma_wait3A_13 : memref<512xf32, #tpu.memory_space<hbm>>)
      tpu.yield
    }) : () -> ()
    return
  }
}

</mosaic_0001>

<sc_bundles>
// kernel: kernel.3.cloned.1.call-start
scs
__scs_entry_jumppad:
0x0: {  	(pc) =	sbr.rel $0x88, $3  }
0x1: {  	(tag) =	ssettag $0x0;
	lr =	simm.s32 $0x1  }
0x2: {  	[smem:$0x3F9B] =	sst lr;
	_ =	strace $0xD0000000  }
0x3: {  	_ = 	snop  }
0x4: {  	_ = 	snop  }
0x5: {  	_ = 	snop  }
0x6: {  	_ = 	snop  }
0x7: {  	_ = 	snop  }
__scs_overlays_trampoline_lowered:
0x8: {  	[smem:$0x3FAA] =	sst s0  }
0x9: {  	[smem:$0x3FAB] =	sst s1  }
0xa: {  	[smem:$0x3FAC] =	sst s2  }
0xb: {  	[smem:$0x3FAD] =	sst s3  }
0xc: {  	[smem:$0x3FAE] =	sst s4  }
0xd: {  	[smem:$0x3FAF] =	sst s5  }
0xe: {  	[smem:$0x3FB0] =	sst s6  }
0xf: {  	[smem:$0x3FB1] =	sst s7  }
0x10: {  	[smem:$0x3FB2] =	sst s8  }
0x11: {  	[smem:$0x3FB3] =	sst s9;
	s0 =	simm.s32 @!p0 $0x0  }
0x12: {  	s1 =	sld [smem:$0x3F99];
	s0 =	simm.s32 @p0 $0x1  }
0x13: {  	[smem:$0x3FB4] =	sst s0;
	s0 =	simm.s32 @!p1 $0x0  }
0x14: {  	s2 =	sld [smem:$0x3F98];
	s0 =	simm.s32 @p1 $0x1  }
0x15: {  	[smem:$0x3FB5] =	sst s0;
	s0 =	simm.s32 @!p2 $0x0  }
0x16: {  	s3 =	sld [smem:$0x3FDB];
	s0 =	simm.s32 @p2 $0x1  }
0x17: {  	s4 =	simm.s32 $0x1BF5;
	[smem:$0x3FB7] =	sst s0  }
0x18: {  	s0 =	sld [smem:$0x3F9A];
	_ =	swait.ge [sflag:s4], $0x0  }
0x19: {  	s7 =	sld [smem:$0x3F9B]  }
0x1a: {  	s8 =	sadd.s32 $0xFFFFE003, lr  }
0x1b: {  	s9 =	sadd.s32 $0xFFFFFEF7, lr;
	s5 =	simm.s32 $0xFFFFFFFF;
	p2 =	slt.u32 s8, $0xFFFFF086  }
0x1c: {  	p1 =	slt.u32 s9, $0xF7A;
	s5 =	simm.s32 @!p2 $0x0  }
0x1d: {  	s5 =	simm.s32 @p1 $0x1;
	p0 =	seq.s32 s7, s2  }
0x1e: {  	s7 =	smul.u32 @!p0 $0xF7A, s2;
	p2 =	seq.s32 @!p0 s5, $0x0  }
0x1f: {  	s9 =	smul.u32 $0xF7A, s1;
	s8 =	simm.s32 @!p0 $0x1BF5;
	p2 =	por !p2, p0  }
0x20: {  	[sflag:s8] =	ssyncset.s32 @!p0 $0xFFFFF086;
	s6 =	sadd.s32 @!p0 s3, s7;
	s7 =	simm.s32 @!p0 $0x108  }
0x21: {  	s3 =	sadd.s32 s3, s9;
	s6 =	sadd.s32 @!p0 $0x88, s6;
	s7 =	simm.s32 @p2 $0x1082  }
0x22: {  	[simem:s7], [sflag:s8] =	dma.local @!p0 [hbm:s6], $0xF7A  }
0x23: {  	s9 =	sor.u32 $0xD0000000, s2;
	s6 =	simm.s32 $0x108;
	_ =	swait.ge @!p0 [sflag:s8], $0x0  }
0x24: {  	s3 =	sadd.s32 $0x88, s3;
	s6 =	simm.s32 @!p1 $0x1082;
	[sflag:s4] =	ssyncset.s32 $0xFFFFF086  }
0x25: {  	[simem:s6], [sflag:s4] =	dma.local [hbm:s3], $0xF7A  }
0x26: {  	[smem:$0x3F9B] =	sst s1;
	(tag) =	ssettag s2;
	_ =	strace s9  }
0x27: {  	s1 =	sld [smem:$0x3FAB]  }
0x28: {  	s2 =	sld [smem:$0x3FAC]  }
0x29: {  	s4 =	sld [smem:$0x3FAE]  }
0x2a: {  	p0 =	seq.s32 s5, $0x0;
	s5 =	sld [smem:$0x3FAF]  }
0x2b: {  	s6 =	sld [smem:$0x3FB0]  }
0x2c: {  	s7 =	sld [smem:$0x3FB1]  }
0x2d: {  	s3 =	simm.s32 $0x108;
	s8 =	sld [smem:$0x3FB2]  }
0x2e: {  	s3 =	simm.s32 @!p0 $0x1082;
	s9 =	sld [smem:$0x3FB3]  }
0x2f: {  	lr =	sadd.s32 s0, s3;
	s0 =	sld [smem:$0x3FAA]  }
0x30: {  	s3 =	sld [smem:$0x3FAD]  }
0x31: {  	[smem:$0x3FB6] =	sst s10  }
0x32: {  	s10 =	sld [smem:$0x3FB4];
	_ =	sdelay $0x3  }
0x33: {  	p0 =	seq.s32 s10, $0x1;
	s10 =	sld [smem:$0x3FB6];
	_ =	sdelay $0x3  }
0x34: {  	[smem:$0x3FB6] =	sst s10  }
0x35: {  	s10 =	sld [smem:$0x3FB5];
	_ =	sdelay $0x3  }
0x36: {  	p1 =	seq.s32 s10, $0x1;
	s10 =	sld [smem:$0x3FB6];
	_ =	sdelay $0x3  }
0x37: {  	[smem:$0x3FB6] =	sst s10  }
0x38: {  	s10 =	sld [smem:$0x3FB7]  }
0x39: {  	_ = 	snop;
	(pc) =	sbr.ind lr, $3  }
0x3a: {  	_ = 	snop  }
0x3b: {  	_ = 	snop  }
0x3c: {  	p2 =	seq.s32 s10, $0x1;
	s10 =	sld [smem:$0x3FB6]  }
0x3d: {  	_ =	shalt  }
0x3e: {  	_ =	shalt  }
0x3f: {  	_ =	shalt  }
0x40: {  	_ =	shalt  }
0x41: {  	_ =	shalt  }
0x42: {  	_ =	shalt  }
0x43: {  	_ =	shalt  }
0x44: {  	_ =	shalt  }
0x45: {  	_ =	shalt  }
0x46: {  	_ =	shalt  }
0x47: {  	_ =	shalt  }
0x48: {  	_ =	shalt  }
0x49: {  	_ =	shalt  }
0x4a: {  	_ =	shalt  }
0x4b: {  	_ =	shalt  }
0x4c: {  	_ =	shalt  }
0x4d: {  	_ =	shalt  }
0x4e: {  	_ =	shalt  }
0x4f: {  	_ =	shalt  }
0x50: {  	_ =	shalt  }
0x51: {  	_ =	shalt  }
0x52: {  	_ =	shalt  }
0x53: {  	_ =	shalt  }
0x54: {  	_ =	shalt  }
0x55: {  	_ =	shalt  }
0x56: {  	_ =	shalt  }
0x57: {  	_ =	shalt  }
0x58: {  	_ =	shalt  }
0x59: {  	_ =	shalt  }
0x5a: {  	_ =	shalt  }
0x5b: {  	_ =	shalt  }
0x5c: {  	_ =	shalt  }
0x5d: {  	_ =	shalt  }
0x5e: {  	_ =	shalt  }
0x5f: {  	_ =	shalt  }
0x60: {  	_ =	shalt  }
0x61: {  	_ =	shalt  }
0x62: {  	_ =	shalt  }
0x63: {  	_ =	shalt  }
0x64: {  	_ =	shalt  }
0x65: {  	_ =	shalt  }
0x66: {  	_ =	shalt  }
0x67: {  	_ =	shalt  }
0x68: {  	_ =	shalt  }
0x69: {  	_ =	shalt  }
0x6a: {  	_ =	shalt  }
0x6b: {  	_ =	shalt  }
0x6c: {  	_ =	shalt  }
0x6d: {  	_ =	shalt  }
0x6e: {  	_ =	shalt  }
0x6f: {  	_ =	shalt  }
0x70: {  	_ =	shalt  }
0x71: {  	_ =	shalt  }
0x72: {  	_ =	shalt  }
0x73: {  	_ =	shalt  }
0x74: {  	_ =	shalt  }
0x75: {  	_ =	shalt  }
0x76: {  	_ =	shalt  }
0x77: {  	_ =	shalt  }
0x78: {  	_ =	shalt  }
0x79: {  	_ =	shalt  }
0x7a: {  	_ =	shalt  }
0x7b: {  	_ =	shalt  }
0x7c: {  	_ =	shalt  }
0x7d: {  	_ =	shalt  }
0x7e: {  	_ =	shalt  }
0x7f: {  	_ =	shalt  }
0x80: {  	_ =	shalt  }
0x81: {  	_ =	shalt  }
0x82: {  	_ =	shalt  }
0x83: {  	_ =	shalt  }
0x84: {  	_ =	shalt  }
0x85: {  	_ =	shalt  }
0x86: {  	_ =	shalt  }
0x87: {  	_ =	shalt  }
.Lfunc_end0:
.L_simem_size_0:
called_computation_lowered:
.L_overlay_start_0:
0x88: {  	s2 =	sld [smem:$0x3FD9]  }
0x89: {  	s3 =	sld [smem:$0x3FFE];
	_ =	sdelay $0x1  }
0x8a: {  	s1 =	srdreg.scid  }
0x8b: {  	s0 =	sand.u32 $0x1, s1  }
0x8c: {  	s17 =	sshll.u32 s0, $0xA;
	s2 =	sadd.s32 s3, s2  }
0x8d: {  	s2 =	sadd.s32 s2, s17  }
0x8e: {  	[smem:$0x3FC2] =	sst s2  }
0x8f: {  	_ = 	snop  }
0x90: {  	s2 =	sld [smem:$0x3FC9]  }
0x91: {  	s18 =	sld [smem:$0x3FC8]  }
0x92: {  	s4 =	sld [smem:$0x3FC7]  }
0x93: {  	s5 =	sld [smem:$0x3FC6]  }
0x94: {  	s6 =	sld [smem:$0x3FC5]  }
0x95: {  	s7 =	sld [smem:$0x3FD0];
	(tm) =	ssettm $0x1  }
0x96: {  	s8 =	sld [smem:$0x3FFB];
	_ =	sdelay $0x3  }
0x97: {  	_ =	strace s8  }
0x98: {  	s8 =	sld [smem:$0x3FFC];
	_ =	sdelay $0x3  }
0x99: {  	_ =	strace s8  }
0x9a: {  	s8 =	sld [smem:$0x3FFD];
	_ =	sdelay $0x3  }
0x9b: {  	_ =	strace s8  }
0x9c: {  	_ =	strace $0x8FFFFFFF  }
0x9d: {  	s19 =	sld [smem:$0x3FDB];
	_ =	sdelay $0x1  }
0x9e: {  	s9 =	simm.s32 $_scs_section_size  }
0x9f: {  	s10 =	simm.s32 $_size__tile_overlayer_lowered;
	s11 =	simm.s32 $_tile_overlayer_lowered  }
0xa0: {  	s22 =	simm.s32 $0x1BFF;
	s21 =	sshll.u32 s11, $0x1;
	s8 =	sadd.s32 s9, s19  }
0xa1: {  	s12 =	simm.s32 $0x0;
	s20 =	sshll.u32 s10, $0x1;
	s10 =	sadd.s32 s21, s8  }
0xa2: {  	[timem:s12], [sflag:s22] =	dma.local [hbm:s10], s20  }
0xa3: {  	_ =	swait.ge [sflag:s22], s20  }
0xa4: {  	s9 =	ssub.s32 $0x0, s20;
	[sflag:s22] =	ssyncset.done $0x0  }
0xa5: {  	[sflag:s22] =	ssyncadd.s32 s9;
	_ =	sdelay $0x1  }
0xa6: {  	s23 =	simm.s32 $0x1B8B  }
0xa7: {  	_ =	swait.ge [sflag:s23], $0x1  }
0xa8: {  	[sflag:s23] =	ssyncset.done $0x0  }
0xa9: {  	s25 =	simm.s32 $0x1B8E;
	s24 =	sld [smem:$0x3FFE];
	[sflag:s23] =	ssyncadd.s32 $0xFFFFFFFF  }
0xaa: {  	s26 =	simm.s32 $execute0_lowered;
	[smem:$0x3FD2] =	sst s25  }
0xab: {  	s10 =	sshll.u32 s26, $0x1;
	_ =	strace $0x80000046;
	[dreg:$0x1] =	wrdreg $0xFFFFFFFF  }
0xac: {  	s28 =	simm.s32 $_size_execute0_lowered;
	s8 =	sadd.s32 s8, s10;
	[dreg:$0x0] =	wrdreg $0x0  }
0xad: {  	s10 =	sshll.u32 s28, $0x1;
	[dreg:$0x2] =	wrdreg s8  }
0xae: {  	[dreg:$0x3] =	wrdreg s10  }
0xaf: {  	[dreg:$0x4] =	wrdreg $0xC0  }
0xb0: {  	_ =	task [dreg:s12], $0x5FFFF  }
0xb1: {  	[dreg:$0x1] =	wrdreg $0xFFFFFFFF  }
0xb2: {  	[dreg:$0x0] =	wrdreg $0x60  }
0xb3: {  	[dreg:$0x2] =	wrdreg s2  }
0xb4: {  	[dreg:$0x3] =	wrdreg s18  }
0xb5: {  	[dreg:$0x4] =	wrdreg s4  }
0xb6: {  	[dreg:$0x5] =	wrdreg s5  }
0xb7: {  	[dreg:$0x6] =	wrdreg s6  }
0xb8: {  	[dreg:$0x7] =	wrdreg s24  }
0xb9: {  	[dreg:$0x8] =	wrdreg s7  }
0xba: {  	[dreg:$0x9] =	wrdreg $0x9  }
0xbb: {  	_ =	task.clear_ibuf [dreg:s12], $0xAFFFF;
	_ =	strace $0x90000046  }
0xbc: {  	s29 =	simm.s32 $0x9;
	_ =	strace $0x80000048  }
0xbd: {  	_ =	swait.ge [sflag:s29], $0x1  }
0xbe: {  	[sflag:s29] =	ssyncadd.s32 $0xFFFFFFFF  }
0xbf: {  	_ =	strace $0x90000048  }
0xc0: {  	_ =	sfence  }
0xc1: {  	s30 =	sld [smem:$0x0];
	_ =	sdelay $0x2  }
0xc2: {  	s31 =	sshll.u32 s1, $0xD;
	s1 =	sshrl.u32 s1, $0x2  }
0xc3: {  	s3 =	sand.u32 $0x4000, s31;
	s1 =	sadd.s32 s1, s30  }
0xc4: {  	s0 =	sor.u32 s3, s0;
	s1 =	sshll.u32 s1, $0x11  }
0xc5: {  	s0 =	sor.u32 s1, s0  }
0xc6: {  	s0 =	sadd.s32 $0x8F2B, s0  }
0xc7: {  	[sflag:s0] =	ssyncadd.remote.s32 $0x1  }
0xc8: {  	_ =	sfence.sel $0xFFFF  }
0xc9: {  	[dreg:$0x0] =	wrdreg $0xFFFFFFFF;
	(pc) =	sbr.abs _section_cstart, $3  }
0xca: {  	[dreg:$0x1] =	wrdreg $0xFFFFFFFF  }
0xcb: {  	_ =	task.clear_ibuf [dreg:s12], $0x2FFFF;
	_ =	strace $0x9FFFFFFF  }
0xcc: {  	(tm) =	ssettm $0x7FFFFFFF  }
0xcd: {  	_ =	shalt  }
tec
execute0_lowered:
.L_overlay_start_1:
0x0: {  	(tag) =	ssettag $0x1  }
0x1: {  	s0 =	rddreg [dreg:$0x0]  }
0x2: {  	s3 =	rddreg [dreg:$0x1]  }
0x3: {  	s1 =	rddreg [dreg:$0x2]  }
0x4: {  	s2 =	rddreg [dreg:$0x3]  }
0x5: {  	s4 =	rddreg [dreg:$0x5]  }
0x6: {  	s9 =	rddreg [dreg:$0x6]  }
0x7: {  	s5 =	simm.s32 $0x0;
	s6 =	srdreg.scid;
	s8 =	stileid.u32;
	v0 =	vlaneseq.u32  }
0x8: {  	s14 =	simm.s32 $0x400;
	s15 =	simm.s32 $0x7A1400;
	s16 =	simm.s32 $0x500;
	v0 =	vmul.u32 $0x1000, v0  }
0x9: {  	s17 =	simm.s32 $0x1500;
	s18 =	simm.s32 $0x2500;
	s19 =	simm.s32 $0x3500  }
0xa: {  	s20 =	simm.s32 $0x4500;
	s21 =	simm.s32 $0x5500;
	s22 =	simm.s32 $0x6500;
	v1 =	vor.u32 $0x80, v0  }
0xb: {  	s23 =	simm.s32 $0x7500;
	s24 =	simm.s32 $0x8500;
	s25 =	simm.s32 $0x9500;
	v2 =	vor.u32 $0x100, v0;
	v3 =	vor.u32 $0x180, v0;
	v4 =	vor.u32 $0x200, v0  }
0xc: {  	s28 =	simm.s32 $0xB500;
	s29 =	simm.s32 $0xC500;
	s30 =	simm.s32 $0xD500;
	v5 =	vor.u32 $0x280, v0;
	v6 =	vor.u32 $0x300, v0;
	v7 =	vor.u32 $0x380, v0  }
0xd: {  	s31 =	simm.s32 $0xE500;
	s12 =	simm.s32 $0x0;
	[smem:$0x7FF] =	sst s5;
	v8 =	vor.u32 $0x400, v0;
	v9 =	vor.u32 $0x480, v0;
	v10 =	vor.u32 $0x500, v0  }
0xe: {  	s6 =	sand.u32 $0x1, s6;
	s8 =	sshll.u32 s8, $0x7;
	s4 =	sadd.s32 $0x400, s4;
	v11 =	vor.u32 $0x580, v0;
	v12 =	vor.u32 $0x600, v0;
	v13 =	vor.u32 $0x680, v0  }
0xf: {  	s7 =	ssub.s32 $0x2, s6;
	s6 =	sshll.u32 s6, $0x6;
	_ =	strace $0x80000047;
	v14 =	vor.u32 $0x700, v0;
	v15 =	vor.u32 $0x780, v0;
	v16 =	vor.u32 $0x800, v0  }
0x10: {  	[dreg:$0x8] =	wrdreg s4;
	s10 =	sshrl.u32 s7, $0x1;
	s11 =	sor.u32 s6, s8;
	v17 =	vor.u32 $0x880, v0;
	v18 =	vor.u32 $0x900, v0;
	v19 =	vor.u32 $0x980, v0  }
0x11: {  	s4 =	simm.s32 $0x1;
	v20 =	vor.u32 $0xA00, v0;
	v21 =	vor.u32 $0xA80, v0;
	v22 =	vor.u32 $0xB00, v0;
	s26 =	ssub.s32 s7, s10;
	s7 =	sadd.s32 s0, s11  }
0x12: {  	v23 =	vor.u32 $0xB80, v0;
	v24 =	vor.u32 $0xC00, v0;
	v25 =	vor.u32 $0xC80, v0;
	s8 =	sadd.s32 s3, s11;
	s9 =	sadd.s32 s9, s11;
	s11 =	simm.s32 $0x2  }
0x13: {  	v26 =	vor.u32 $0xD00, v0;
	v27 =	vor.u32 $0xD80, v0;
	v28 =	vor.u32 $0xE00, v0;
	s0 =	simm.s32 $0xF500;
	s10 =	smax.u32 s26, $0x1;
	s26 =	simm.s32 $0xA500  }
.LBB2_1:
0x14: {  	[tilespmem:s5], [sflag:$0x2] =	stream.linear.gather [hbm4b:s7+s5], $0x200, $0x38;
	[tilespmem:$0x12700] =	vst v63  }
0x15: {  	_ =	swait.ge [sflag:s11], $0x200  }
0x16: {  	[sflag:s11] =	ssyncset.done $0x0  }
0x17: {  	s3 =	simm.s32 $0x200;
	[sflag:s11] =	ssyncadd.s32 $0xFFFFFE00  }
0x18: {  	[tilespmem:s3], [sflag:$0x2] =	stream.linear.gather [hbm4b:s8+s5], $0x200, $0x38;
	[tilespmem:$0x12700] =	vst v63  }
0x19: {  	_ =	swait.ge [sflag:s11], $0x200  }
0x1a: {  	[sflag:s11] =	ssyncset.done $0x0  }
0x1b: {  	[sflag:s11] =	ssyncadd.s32 $0xFFFFFE00  }
0x1c: {  	s6 =	rddreg [dreg:$0x4]  }
0x1d: {  	[tilespmem:s14], [sflag:$0x2] =	stream.linear.gather [hbm4b:s6+s5], $0x80, $0x38;
	[tilespmem:$0x12700] =	vst v63  }
0x1e: {  	_ =	swait.ge [sflag:s11], $0x80  }
0x1f: {  	[sflag:s11] =	ssyncset.done $0x0  }
0x20: {  	s6 =	simm.s32 $0x480;
	s13 =	rddreg [dreg:$0x8];
	[sflag:s11] =	ssyncadd.s32 $0xFFFFFF80  }
0x21: {  	[tilespmem:s6], [sflag:$0x2] =	stream.linear.gather [hbm4b:s13+s5], $0x80, $0x38;
	[tilespmem:$0x12700] =	vst v63  }
0x22: {  	_ =	swait.ge [sflag:s11], $0x80  }
0x23: {  	[sflag:s11] =	ssyncset.done $0x0  }
0x24: {  	[sflag:s11] =	ssyncadd.s32 $0xFFFFFF80  }
0x25: {  	v29 =	vld [tilespmem:$0x400];
	_ =	sdelay $0x4  }
0x26: {  	v31 =	vbroadcast v29, $0x6  }
0x27: {  	v30 =	vbroadcast v29, $0x0  }
0x28: {  	[tilespmem:$0x1FE80] =	vst v31;
	v31 =	vbroadcast v29, $0x7  }
0x29: {  	[tilespmem:$0x1FE20] =	vst v30;
	v30 =	vbroadcast v29, $0x1  }
0x2a: {  	[tilespmem:$0x1FE90] =	vst v31;
	v31 =	vbroadcast v29, $0x8  }
0x2b: {  	[tilespmem:$0x1FE30] =	vst v30;
	v30 =	vbroadcast v29, $0x2  }
0x2c: {  	[tilespmem:$0x1FEA0] =	vst v31;
	v31 =	vbroadcast v29, $0x9  }
0x2d: {  	[tilespmem:$0x1FE40] =	vst v30;
	v30 =	vbroadcast v29, $0x3  }
0x2e: {  	[tilespmem:$0x1FEB0] =	vst v31;
	v31 =	vbroadcast v29, $0xA  }
0x2f: {  	[tilespmem:$0x1FE50] =	vst v30;
	v30 =	vbroadcast v29, $0x4  }
0x30: {  	[tilespmem:$0x1FEC0] =	vst v31;
	v31 =	vbroadcast v29, $0xB  }
0x31: {  	[tilespmem:$0x1FE60] =	vst v30;
	v30 =	vbroadcast v29, $0x5  }
0x32: {  	[tilespmem:$0x1FED0] =	vst v31;
	v31 =	vbroadcast v29, $0xC  }
0x33: {  	[tilespmem:$0x1FE70] =	vst v30;
	v30 =	vld [tilespmem:$0x410]  }
0x34: {  	[tilespmem:$0x1FEE0] =	vst v31;
	v31 =	vbroadcast v29, $0xD;
	_ =	sdelay $0x1  }
0x35: {  	[tilespmem:$0x1FEF0] =	vst v31;
	v31 =	vbroadcast v29, $0xE;
	v29 =	vbroadcast v29, $0xF;
	_ =	sdelay $0x1  }
0x36: {  	[tilespmem:$0x1FF10] =	vst v29;
	v29 =	vbroadcast v30, $0x0;
	_ =	sdelay $0x1  }
0x37: {  	[tilespmem:$0x1FF20] =	vst v29;
	v29 =	vbroadcast v30, $0x1;
	_ =	sdelay $0x1  }
0x38: {  	[tilespmem:$0x1FF30] =	vst v29;
	v29 =	vbroadcast v30, $0x2;
	_ =	sdelay $0x1  }
0x39: {  	[tilespmem:$0x1FF40] =	vst v29;
	v29 =	vbroadcast v30, $0x3;
	_ =	sdelay $0x1  }
0x3a: {  	[tilespmem:$0x1FF50] =	vst v29;
	v29 =	vbroadcast v30, $0x4;
	_ =	sdelay $0x1  }
0x3b: {  	[tilespmem:$0x1FF60] =	vst v29;
	v29 =	vbroadcast v30, $0x5;
	_ =	sdelay $0x1  }
0x3c: {  	[tilespmem:$0x1FF70] =	vst v29;
	v29 =	vbroadcast v30, $0x6;
	_ =	sdelay $0x1  }
0x3d: {  	[tilespmem:$0x1FF80] =	vst v29;
	v29 =	vbroadcast v30, $0x7;
	_ =	sdelay $0x1  }
0x3e: {  	[tilespmem:$0x1FF90] =	vst v29;
	v29 =	vbroadcast v30, $0x8;
	_ =	sdelay $0x1  }
0x3f: {  	[tilespmem:$0x1FFA0] =	vst v29;
	v29 =	vbroadcast v30, $0x9;
	_ =	sdelay $0x1  }
0x40: {  	[tilespmem:$0x1FFB0] =	vst v29;
	v29 =	vbroadcast v30, $0xA;
	_ =	sdelay $0x1  }
0x41: {  	[tilespmem:$0x1FFC0] =	vst v29;
	v29 =	vbroadcast v30, $0xB;
	_ =	sdelay $0x1  }
0x42: {  	[tilespmem:$0x1FFD0] =	vst v29;
	v29 =	vbroadcast v30, $0xC;
	_ =	sdelay $0x1  }
0x43: {  	[tilespmem:$0x1FFE0] =	vst v29;
	v29 =	vbroadcast v30, $0xD  }
0x44: {  	[tilespmem:$0x1FF00] =	vst v31  }
0x45: {  	s13 =	simm.s32 $0x0;
	v59 =	vld [tilespmem:$0x480];
	v60 =	vbroadcast v30, $0xE;
	v61 =	vbroadcast v30, $0xF;
	[tilespmem:$0x1FFF0] =	vst v29  }
.LBB2_2:
0x46: {  	s3 =	sshra.s32 s13, $0x2  }
0x47: {  	v29 =	vld [tilespmem:s3+$0x0];
	_ =	sdelay $0x4  }
0x48: {  	(v2sf) =	vpush v29, $0x0;
	_ =	sdelay $0x3  }
0x49: {  	(v2sf) =	vpush v29, $0x1;
	_ =	sdelay $0x3  }
0x4a: {  	(v2sf) =	vpush v29, $0x2;
	_ =	sdelay $0x3  }
0x4b: {  	(v2sf) =	vpush v29, $0x3;
	_ =	sdelay $0x2  }
0x4c: {  	s6 =	spop (v2sf)  }
0x4d: {  	(v2sf) =	vpush v29, $0x4;
	s6 =	sand.u32 $0xFFFFF80, s6  }
0x4e: {  	s6 =	sadd.s32 s1, s6  }
0x4f: {  	[tilespmem:s16], [sflag:$0x1] =	stream.strided.gather [hbm4b:s6+s14], $0x1000, s15, s14, $0x38;
	[tilespmem:$0x12700] =	vst v63  }
0x50: {  	s6 =	spop (v2sf)  }
0x51: {  	(v2sf) =	vpush v29, $0x5;
	s6 =	sand.u32 $0xFFFFF80, s6  }
0x52: {  	s6 =	sadd.s32 s1, s6  }
0x53: {  	[tilespmem:s17], [sflag:$0x1] =	stream.strided.gather [hbm4b:s6+s14], $0x1000, s15, s14, $0x38;
	[tilespmem:$0x12700] =	vst v63  }
0x54: {  	s6 =	spop (v2sf)  }
0x55: {  	(v2sf) =	vpush v29, $0x6;
	s6 =	sand.u32 $0xFFFFF80, s6  }
0x56: {  	s6 =	sadd.s32 s1, s6  }
0x57: {  	[tilespmem:s18], [sflag:$0x1] =	stream.strided.gather [hbm4b:s6+s14], $0x1000, s15, s14, $0x38;
	[tilespmem:$0x12700] =	vst v63  }
0x58: {  	s6 =	spop (v2sf)  }
0x59: {  	(v2sf) =	vpush v29, $0x7;
	s6 =	sand.u32 $0xFFFFF80, s6  }
0x5a: {  	s6 =	sadd.s32 s1, s6  }
0x5b: {  	[tilespmem:s19], [sflag:$0x1] =	stream.strided.gather [hbm4b:s6+s14], $0x1000, s15, s14, $0x38;
	[tilespmem:$0x12700] =	vst v63  }
0x5c: {  	s6 =	spop (v2sf)  }
0x5d: {  	(v2sf) =	vpush v29, $0x8;
	s6 =	sand.u32 $0xFFFFF80, s6  }
0x5e: {  	s6 =	sadd.s32 s1, s6  }
0x5f: {  	[tilespmem:s20], [sflag:$0x1] =	stream.strided.gather [hbm4b:s6+s14], $0x1000, s15, s14, $0x38;
	[tilespmem:$0x12700] =	vst v63  }
0x60: {  	s6 =	spop (v2sf)  }
0x61: {  	(v2sf) =	vpush v29, $0x9;
	s6 =	sand.u32 $0xFFFFF80, s6  }
0x62: {  	s6 =	sadd.s32 s1, s6  }
0x63: {  	[tilespmem:s21], [sflag:$0x1] =	stream.strided.gather [hbm4b:s6+s14], $0x1000, s15, s14, $0x38;
	[tilespmem:$0x12700] =	vst v63  }
0x64: {  	s6 =	spop (v2sf)  }
0x65: {  	(v2sf) =	vpush v29, $0xA;
	s6 =	sand.u32 $0xFFFFF80, s6  }
0x66: {  	s6 =	sadd.s32 s1, s6  }
0x67: {  	[tilespmem:s22], [sflag:$0x1] =	stream.strided.gather [hbm4b:s6+s14], $0x1000, s15, s14, $0x38;
	[tilespmem:$0x12700] =	vst v63  }
0x68: {  	s6 =	spop (v2sf)  }
0x69: {  	(v2sf) =	vpush v29, $0xB;
	s6 =	sand.u32 $0xFFFFF80, s6  }
0x6a: {  	s6 =	sadd.s32 s1, s6  }
0x6b: {  	[tilespmem:s23], [sflag:$0x1] =	stream.strided.gather [hbm4b:s6+s14], $0x1000, s15, s14, $0x38;
	[tilespmem:$0x12700] =	vst v63  }
0x6c: {  	s6 =	spop (v2sf)  }
0x6d: {  	(v2sf) =	vpush v29, $0xC;
	s6 =	sand.u32 $0xFFFFF80, s6  }
0x6e: {  	s6 =	sadd.s32 s1, s6  }
0x6f: {  	[tilespmem:s24], [sflag:$0x1] =	stream.strided.gather [hbm4b:s6+s14], $0x1000, s15, s14, $0x38;
	[tilespmem:$0x12700] =	vst v63  }
0x70: {  	s6 =	spop (v2sf)  }
0x71: {  	(v2sf) =	vpush v29, $0xD;
	s6 =	sand.u32 $0xFFFFF80, s6  }
0x72: {  	s6 =	sadd.s32 s1, s6  }
0x73: {  	[tilespmem:s25], [sflag:$0x1] =	stream.strided.gather [hbm4b:s6+s14], $0x1000, s15, s14, $0x38;
	[tilespmem:$0x12700] =	vst v63  }
0x74: {  	s6 =	spop (v2sf)  }
0x75: {  	(v2sf) =	vpush v29, $0xE;
	s6 =	sand.u32 $0xFFFFF80, s6  }
0x76: {  	s6 =	sadd.s32 s1, s6  }
0x77: {  	[tilespmem:s26], [sflag:$0x1] =	stream.strided.gather [hbm4b:s6+s14], $0x1000, s15, s14, $0x38;
	[tilespmem:$0x12700] =	vst v63  }
0x78: {  	s6 =	spop (v2sf)  }
0x79: {  	(v2sf) =	vpush v29, $0xF;
	s6 =	sand.u32 $0xFFFFF80, s6  }
0x7a: {  	s6 =	sadd.s32 s1, s6  }
0x7b: {  	[tilespmem:s28], [sflag:$0x1] =	stream.strided.gather [hbm4b:s6+s14], $0x1000, s15, s14, $0x38;
	[tilespmem:$0x12700] =	vst v63  }
0x7c: {  	s6 =	spop (v2sf)  }
0x7d: {  	s6 =	sand.u32 $0xFFFFF80, s6  }
0x7e: {  	s6 =	sadd.s32 s1, s6  }
0x7f: {  	[tilespmem:s29], [sflag:$0x1] =	stream.strided.gather [hbm4b:s6+s14], $0x1000, s15, s14, $0x38;
	[tilespmem:$0x12700] =	vst v63  }
0x80: {  	s6 =	spop (v2sf)  }
0x81: {  	s6 =	sand.u32 $0xFFFFF80, s6  }
0x82: {  	s6 =	sadd.s32 s1, s6  }
0x83: {  	[tilespmem:s30], [sflag:$0x1] =	stream.strided.gather [hbm4b:s6+s14], $0x1000, s15, s14, $0x38;
	[tilespmem:$0x12700] =	vst v63  }
0x84: {  	s6 =	spop (v2sf)  }
0x85: {  	s6 =	sand.u32 $0xFFFFF80, s6  }
0x86: {  	s6 =	sadd.s32 s1, s6  }
0x87: {  	[tilespmem:s31], [sflag:$0x1] =	stream.strided.gather [hbm4b:s6+s14], $0x1000, s15, s14, $0x38;
	[tilespmem:$0x12700] =	vst v63  }
0x88: {  	s6 =	spop (v2sf)  }
0x89: {  	s6 =	sand.u32 $0xFFFFF80, s6  }
0x8a: {  	s6 =	sadd.s32 s1, s6  }
0x8b: {  	[tilespmem:s0], [sflag:$0x1] =	stream.strided.gather [hbm4b:s6+s14], $0x1000, s15, s14, $0x38;
	[tilespmem:$0x12700] =	vst v63  }
0x8c: {  	_ =	swait.ge [sflag:s4], $0x1000  }
0x8d: {  	[sflag:s4] =	ssyncset.done $0x0  }
0x8e: {  	[sflag:s4] =	ssyncadd.s32 $0xFFFFF000  }
0x8f: {  	_ =	swait.ge [sflag:s4], $0x1000  }
0x90: {  	[sflag:s4] =	ssyncset.done $0x0  }
0x91: {  	[sflag:s4] =	ssyncadd.s32 $0xFFFFF000  }
0x92: {  	_ =	swait.ge [sflag:s4], $0x1000  }
0x93: {  	[sflag:s4] =	ssyncset.done $0x0  }
0x94: {  	[sflag:s4] =	ssyncadd.s32 $0xFFFFF000  }
0x95: {  	_ =	swait.ge [sflag:s4], $0x1000  }
0x96: {  	[sflag:s4] =	ssyncset.done $0x0  }
0x97: {  	[sflag:s4] =	ssyncadd.s32 $0xFFFFF000  }
0x98: {  	_ =	swait.ge [sflag:s4], $0x1000  }
0x99: {  	[sflag:s4] =	ssyncset.done $0x0  }
0x9a: {  	[sflag:s4] =	ssyncadd.s32 $0xFFFFF000  }
0x9b: {  	_ =	swait.ge [sflag:s4], $0x1000  }
0x9c: {  	[sflag:s4] =	ssyncset.done $0x0  }
0x9d: {  	[sflag:s4] =	ssyncadd.s32 $0xFFFFF000  }
0x9e: {  	_ =	swait.ge [sflag:s4], $0x1000  }
0x9f: {  	[sflag:s4] =	ssyncset.done $0x0  }
0xa0: {  	[sflag:s4] =	ssyncadd.s32 $0xFFFFF000  }
0xa1: {  	_ =	swait.ge [sflag:s4], $0x1000  }
0xa2: {  	[sflag:s4] =	ssyncset.done $0x0  }
0xa3: {  	[sflag:s4] =	ssyncadd.s32 $0xFFFFF000  }
0xa4: {  	_ =	swait.ge [sflag:s4], $0x1000  }
0xa5: {  	[sflag:s4] =	ssyncset.done $0x0  }
0xa6: {  	[sflag:s4] =	ssyncadd.s32 $0xFFFFF000  }
0xa7: {  	_ =	swait.ge [sflag:s4], $0x1000  }
0xa8: {  	[sflag:s4] =	ssyncset.done $0x0  }
0xa9: {  	[sflag:s4] =	ssyncadd.s32 $0xFFFFF000  }
0xaa: {  	_ =	swait.ge [sflag:s4], $0x1000  }
0xab: {  	[sflag:s4] =	ssyncset.done $0x0  }
0xac: {  	[sflag:s4] =	ssyncadd.s32 $0xFFFFF000  }
0xad: {  	_ =	swait.ge [sflag:s4], $0x1000  }
0xae: {  	[sflag:s4] =	ssyncset.done $0x0  }
0xaf: {  	[sflag:s4] =	ssyncadd.s32 $0xFFFFF000  }
0xb0: {  	_ =	swait.ge [sflag:s4], $0x1000  }
0xb1: {  	[sflag:s4] =	ssyncset.done $0x0  }
0xb2: {  	[sflag:s4] =	ssyncadd.s32 $0xFFFFF000  }
0xb3: {  	_ =	swait.ge [sflag:s4], $0x1000  }
0xb4: {  	[sflag:s4] =	ssyncset.done $0x0  }
0xb5: {  	[sflag:s4] =	ssyncadd.s32 $0xFFFFF000  }
0xb6: {  	v30 =	vand.u32 $0x7F, v29;
	_ =	swait.ge [sflag:s4], $0x1000  }
0xb7: {  	v29 =	vor.u32 v0, v30;
	[sflag:s4] =	ssyncset.done $0x0  }
0xb8: {  	[sflag:s4] =	ssyncadd.s32 $0xFFFFF000  }
0xb9: {  	_ =	swait.ge [sflag:s4], $0x1000  }
0xba: {  	[sflag:s4] =	ssyncset.done $0x0  }
0xbb: {  	[sflag:s4] =	ssyncadd.s32 $0xFFFFF000  }
0xbc: {  	v29 =	vld.idx.msk [tilespmem:v29+s16+$0x0], $0xffff  }
0xbd: {  	v62 =	vor.u32 v1, v30;
	_ =	sdelay $0x3  }
0xbe: {  	[tilespmem:$0x10500] =	vst v29  }
0xbf: {  	v29 =	vld.idx.msk [tilespmem:v62+s16+$0x0], $0xffff  }
0xc0: {  	v58 =	vor.u32 v2, v30;
	_ =	sdelay $0x3  }
0xc1: {  	[tilespmem:$0x10580] =	vst v29  }
0xc2: {  	v29 =	vld.idx.msk [tilespmem:v58+s16+$0x0], $0xffff  }
0xc3: {  	v32 =	vor.u32 v3, v30;
	_ =	sdelay $0x3  }
0xc4: {  	[tilespmem:$0x10600] =	vst v29  }
0xc5: {  	v29 =	vld.idx.msk [tilespmem:v32+s16+$0x0], $0xffff  }
0xc6: {  	v33 =	vor.u32 v4, v30;
	_ =	sdelay $0x3  }
0xc7: {  	[tilespmem:$0x10680] =	vst v29  }
0xc8: {  	v29 =	vld.idx.msk [tilespmem:v33+s16+$0x0], $0xffff  }
0xc9: {  	v34 =	vor.u32 v5, v30;
	_ =	sdelay $0x3  }
0xca: {  	[tilespmem:$0x10700] =	vst v29  }
0xcb: {  	v29 =	vld.idx.msk [tilespmem:v34+s16+$0x0], $0xffff  }
0xcc: {  	v35 =	vor.u32 v6, v30;
	_ =	sdelay $0x3  }
0xcd: {  	[tilespmem:$0x10780] =	vst v29  }
0xce: {  	v29 =	vld.idx.msk [tilespmem:v35+s16+$0x0], $0xffff  }
0xcf: {  	v36 =	vor.u32 v7, v30;
	_ =	sdelay $0x3  }
0xd0: {  	[tilespmem:$0x10800] =	vst v29  }
0xd1: {  	v29 =	vld.idx.msk [tilespmem:v36+s16+$0x0], $0xffff  }
0xd2: {  	v37 =	vor.u32 v8, v30;
	_ =	sdelay $0x3  }
0xd3: {  	[tilespmem:$0x10880] =	vst v29  }
0xd4: {  	v29 =	vld.idx.msk [tilespmem:v37+s16+$0x0], $0xffff  }
0xd5: {  	v38 =	vor.u32 v9, v30;
	_ =	sdelay $0x3  }
0xd6: {  	[tilespmem:$0x10900] =	vst v29  }
0xd7: {  	v29 =	vld.idx.msk [tilespmem:v38+s16+$0x0], $0xffff  }
0xd8: {  	v39 =	vor.u32 v10, v30;
	_ =	sdelay $0x3  }
0xd9: {  	[tilespmem:$0x10980] =	vst v29  }
0xda: {  	v29 =	vld.idx.msk [tilespmem:v39+s16+$0x0], $0xffff  }
0xdb: {  	v40 =	vor.u32 v11, v30;
	_ =	sdelay $0x3  }
0xdc: {  	[tilespmem:$0x10A00] =	vst v29  }
0xdd: {  	v29 =	vld.idx.msk [tilespmem:v40+s16+$0x0], $0xffff  }
0xde: {  	v41 =	vor.u32 v12, v30;
	_ =	sdelay $0x3  }
0xdf: {  	[tilespmem:$0x10A80] =	vst v29  }
0xe0: {  	v29 =	vld.idx.msk [tilespmem:v41+s16+$0x0], $0xffff  }
0xe1: {  	v42 =	vor.u32 v13, v30;
	_ =	sdelay $0x3  }
0xe2: {  	[tilespmem:$0x10B00] =	vst v29  }
0xe3: {  	v29 =	vld.idx.msk [tilespmem:v42+s16+$0x0], $0xffff  }
0xe4: {  	v43 =	vor.u32 v14, v30;
	_ =	sdelay $0x3  }
0xe5: {  	[tilespmem:$0x10B80] =	vst v29  }
0xe6: {  	v29 =	vld.idx.msk [tilespmem:v43+s16+$0x0], $0xffff  }
0xe7: {  	v44 =	vor.u32 v15, v30;
	_ =	sdelay $0x3  }
0xe8: {  	[tilespmem:$0x10C00] =	vst v29  }
0xe9: {  	v29 =	vld.idx.msk [tilespmem:v44+s16+$0x0], $0xffff  }
0xea: {  	v45 =	vor.u32 v16, v30;
	_ =	sdelay $0x3  }
0xeb: {  	[tilespmem:$0x10C80] =	vst v29  }
0xec: {  	v29 =	vld.idx.msk [tilespmem:v45+s16+$0x0], $0xffff  }
0xed: {  	v46 =	vor.u32 v17, v30;
	_ =	sdelay $0x3  }
0xee: {  	[tilespmem:$0x10D00] =	vst v29  }
0xef: {  	v29 =	vld.idx.msk [tilespmem:v46+s16+$0x0], $0xffff  }
0xf0: {  	v47 =	vor.u32 v18, v30;
	_ =	sdelay $0x3  }
0xf1: {  	[tilespmem:$0x10D80] =	vst v29  }
0xf2: {  	v29 =	vld.idx.msk [tilespmem:v47+s16+$0x0], $0xffff  }
0xf3: {  	v48 =	vor.u32 v19, v30;
	_ =	sdelay $0x3  }
0xf4: {  	[tilespmem:$0x10E00] =	vst v29  }
0xf5: {  	v29 =	vld.idx.msk [tilespmem:v48+s16+$0x0], $0xffff  }
0xf6: {  	v49 =	vor.u32 v20, v30;
	_ =	sdelay $0x3  }
0xf7: {  	[tilespmem:$0x10E80] =	vst v29  }
0xf8: {  	v29 =	vld.idx.msk [tilespmem:v49+s16+$0x0], $0xffff  }
0xf9: {  	v50 =	vor.u32 v21, v30;
	_ =	sdelay $0x3  }
0xfa: {  	[tilespmem:$0x10F00] =	vst v29  }
0xfb: {  	v29 =	vld.idx.msk [tilespmem:v50+s16+$0x0], $0xffff  }
0xfc: {  	v51 =	vor.u32 v22, v30;
	_ =	sdelay $0x3  }
0xfd: {  	[tilespmem:$0x10F80] =	vst v29  }
0xfe: {  	v29 =	vld.idx.msk [tilespmem:v51+s16+$0x0], $0xffff  }
0xff: {  	v52 =	vor.u32 v23, v30;
	_ =	sdelay $0x3  }
0x100: {  	[tilespmem:$0x11000] =	vst v29  }
0x101: {  	v29 =	vld.idx.msk [tilespmem:v52+s16+$0x0], $0xffff  }
0x102: {  	v53 =	vor.u32 v24, v30;
	_ =	sdelay $0x3  }
0x103: {  	[tilespmem:$0x11080] =	vst v29  }
0x104: {  	v29 =	vld.idx.msk [tilespmem:v53+s16+$0x0], $0xffff  }
0x105: {  	v54 =	vor.u32 v25, v30;
	_ =	sdelay $0x3  }
0x106: {  	[tilespmem:$0x11100] =	vst v29  }
0x107: {  	v29 =	vld.idx.msk [tilespmem:v54+s16+$0x0], $0xffff  }
0x108: {  	v55 =	vor.u32 v26, v30;
	_ =	sdelay $0x3  }
0x109: {  	[tilespmem:$0x11180] =	vst v29  }
0x10a: {  	v29 =	vld.idx.msk [tilespmem:v55+s16+$0x0], $0xffff  }
0x10b: {  	v56 =	vor.u32 v27, v30;
	_ =	sdelay $0x3  }
0x10c: {  	[tilespmem:$0x11200] =	vst v29  }
0x10d: {  	v29 =	vld.idx.msk [tilespmem:v56+s16+$0x0], $0xffff  }
0x10e: {  	v57 =	vor.u32 v28, v30;
	_ =	sdelay $0x3  }
0x10f: {  	[tilespmem:$0x11280] =	vst v29  }
0x110: {  	v29 =	vor.u32 $0xE80, v0;
	v62 =	vld.idx.msk [tilespmem:v57+s16+$0x0], $0xffff  }
0x111: {  	v63 =	vor.u32 v29, v30;
	_ =	sdelay $0x3  }
0x112: {  	[tilespmem:$0x11300] =	vst v62  }
0x113: {  	v62 =	vld.idx.msk [tilespmem:v63+s16+$0x0], $0xffff;
	v63 =	vor.u32 $0xF00, v0  }
0x114: {  	v31 =	vor.u32 v63, v30;
	_ =	sdelay $0x3  }
0x115: {  	[tilespmem:$0x11380] =	vst v62  }
0x116: {  	v62 =	vor.u32 $0xF80, v0;
	v31 =	vld.idx.msk [tilespmem:v31+s16+$0x0], $0xffff  }
0x117: {  	v30 =	vor.u32 v62, v30;
	_ =	sdelay $0x3  }
0x118: {  	[tilespmem:$0x11400] =	vst v31  }
0x119: {  	v30 =	vld.idx.msk [tilespmem:v30+s16+$0x0], $0xffff;
	_ =	sdelay $0x4  }
0x11a: {  	[tilespmem:$0x11480] =	vst v30  }
0x11b: {  	v30 =	vld [tilespmem:s3+$0x200];
	_ =	sdelay $0x4  }
0x11c: {  	(v2sf) =	vpush v30, $0x0;
	_ =	sdelay $0x3  }
0x11d: {  	(v2sf) =	vpush v30, $0x1;
	_ =	sdelay $0x3  }
0x11e: {  	(v2sf) =	vpush v30, $0x2;
	_ =	sdelay $0x3  }
0x11f: {  	(v2sf) =	vpush v30, $0x3;
	_ =	sdelay $0x2  }
0x120: {  	s6 =	spop (v2sf)  }
0x121: {  	(v2sf) =	vpush v30, $0x4;
	s6 =	sand.u32 $0xFFFFF80, s6  }
0x122: {  	s6 =	sadd.s32 s2, s6  }
0x123: {  	[tilespmem:s16], [sflag:$0x1] =	stream.strided.gather [hbm4b:s6+s14], $0x1000, s15, s14, $0x38;
	[tilespmem:$0x12700] =	vst v63  }
0x124: {  	s6 =	spop (v2sf)  }
0x125: {  	(v2sf) =	vpush v30, $0x5;
	s6 =	sand.u32 $0xFFFFF80, s6  }
0x126: {  	s6 =	sadd.s32 s2, s6  }
0x127: {  	[tilespmem:s17], [sflag:$0x1] =	stream.strided.gather [hbm4b:s6+s14], $0x1000, s15, s14, $0x38;
	[tilespmem:$0x12700] =	vst v63  }
0x128: {  	s6 =	spop (v2sf)  }
0x129: {  	(v2sf) =	vpush v30, $0x6;
	s6 =	sand.u32 $0xFFFFF80, s6  }
0x12a: {  	s6 =	sadd.s32 s2, s6  }
0x12b: {  	[tilespmem:s18], [sflag:$0x1] =	stream.strided.gather [hbm4b:s6+s14], $0x1000, s15, s14, $0x38;
	[tilespmem:$0x12700] =	vst v63  }
0x12c: {  	s6 =	spop (v2sf)  }
0x12d: {  	(v2sf) =	vpush v30, $0x7;
	s6 =	sand.u32 $0xFFFFF80, s6  }
0x12e: {  	s6 =	sadd.s32 s2, s6  }
0x12f: {  	[tilespmem:s19], [sflag:$0x1] =	stream.strided.gather [hbm4b:s6+s14], $0x1000, s15, s14, $0x38;
	[tilespmem:$0x12700] =	vst v63  }
0x130: {  	s6 =	spop (v2sf)  }
0x131: {  	(v2sf) =	vpush v30, $0x8;
	s6 =	sand.u32 $0xFFFFF80, s6  }
0x132: {  	s6 =	sadd.s32 s2, s6  }
0x133: {  	[tilespmem:s20], [sflag:$0x1] =	stream.strided.gather [hbm4b:s6+s14], $0x1000, s15, s14, $0x38;
	[tilespmem:$0x12700] =	vst v63  }
0x134: {  	s6 =	spop (v2sf)  }
0x135: {  	(v2sf) =	vpush v30, $0x9;
	s6 =	sand.u32 $0xFFFFF80, s6  }
0x136: {  	s6 =	sadd.s32 s2, s6  }
0x137: {  	[tilespmem:s21], [sflag:$0x1] =	stream.strided.gather [hbm4b:s6+s14], $0x1000, s15, s14, $0x38;
	[tilespmem:$0x12700] =	vst v63  }
0x138: {  	s6 =	spop (v2sf)  }
0x139: {  	(v2sf) =	vpush v30, $0xA;
	s6 =	sand.u32 $0xFFFFF80, s6  }
0x13a: {  	s6 =	sadd.s32 s2, s6  }
0x13b: {  	[tilespmem:s22], [sflag:$0x1] =	stream.strided.gather [hbm4b:s6+s14], $0x1000, s15, s14, $0x38;
	[tilespmem:$0x12700] =	vst v63  }
0x13c: {  	s6 =	spop (v2sf)  }
0x13d: {  	(v2sf) =	vpush v30, $0xB;
	s6 =	sand.u32 $0xFFFFF80, s6  }
0x13e: {  	s6 =	sadd.s32 s2, s6  }
0x13f: {  	[tilespmem:s23], [sflag:$0x1] =	stream.strided.gather [hbm4b:s6+s14], $0x1000, s15, s14, $0x38;
	[tilespmem:$0x12700] =	vst v63  }
0x140: {  	s6 =	spop (v2sf)  }
0x141: {  	(v2sf) =	vpush v30, $0xC;
	s6 =	sand.u32 $0xFFFFF80, s6  }
0x142: {  	s6 =	sadd.s32 s2, s6  }
0x143: {  	[tilespmem:s24], [sflag:$0x1] =	stream.strided.gather [hbm4b:s6+s14], $0x1000, s15, s14, $0x38;
	[tilespmem:$0x12700] =	vst v63  }
0x144: {  	s6 =	spop (v2sf)  }
0x145: {  	(v2sf) =	vpush v30, $0xD;
	s6 =	sand.u32 $0xFFFFF80, s6  }
0x146: {  	s6 =	sadd.s32 s2, s6  }
0x147: {  	[tilespmem:s25], [sflag:$0x1] =	stream.strided.gather [hbm4b:s6+s14], $0x1000, s15, s14, $0x38;
	[tilespmem:$0x12700] =	vst v63  }
0x148: {  	s6 =	spop (v2sf)  }
0x149: {  	(v2sf) =	vpush v30, $0xE;
	s6 =	sand.u32 $0xFFFFF80, s6  }
0x14a: {  	s6 =	sadd.s32 s2, s6  }
0x14b: {  	[tilespmem:s26], [sflag:$0x1] =	stream.strided.gather [hbm4b:s6+s14], $0x1000, s15, s14, $0x38;
	[tilespmem:$0x12700] =	vst v63  }
0x14c: {  	s6 =	spop (v2sf)  }
0x14d: {  	(v2sf) =	vpush v30, $0xF;
	s6 =	sand.u32 $0xFFFFF80, s6  }
0x14e: {  	s6 =	sadd.s32 s2, s6  }
0x14f: {  	[tilespmem:s28], [sflag:$0x1] =	stream.strided.gather [hbm4b:s6+s14], $0x1000, s15, s14, $0x38;
	[tilespmem:$0x12700] =	vst v63  }
0x150: {  	s6 =	spop (v2sf)  }
0x151: {  	s6 =	sand.u32 $0xFFFFF80, s6  }
0x152: {  	s6 =	sadd.s32 s2, s6  }
0x153: {  	[tilespmem:s29], [sflag:$0x1] =	stream.strided.gather [hbm4b:s6+s14], $0x1000, s15, s14, $0x38;
	[tilespmem:$0x12700] =	vst v63  }
0x154: {  	s6 =	spop (v2sf)  }
0x155: {  	s6 =	sand.u32 $0xFFFFF80, s6  }
0x156: {  	s6 =	sadd.s32 s2, s6  }
0x157: {  	[tilespmem:s30], [sflag:$0x1] =	stream.strided.gather [hbm4b:s6+s14], $0x1000, s15, s14, $0x38;
	[tilespmem:$0x12700] =	vst v63  }
0x158: {  	s6 =	spop (v2sf)  }
0x159: {  	s6 =	sand.u32 $0xFFFFF80, s6  }
0x15a: {  	s6 =	sadd.s32 s2, s6  }
0x15b: {  	[tilespmem:s31], [sflag:$0x1] =	stream.strided.gather [hbm4b:s6+s14], $0x1000, s15, s14, $0x38;
	[tilespmem:$0x12700] =	vst v63  }
0x15c: {  	s6 =	spop (v2sf)  }
0x15d: {  	s6 =	sand.u32 $0xFFFFF80, s6  }
0x15e: {  	s6 =	sadd.s32 s2, s6  }
0x15f: {  	[tilespmem:s0], [sflag:$0x1] =	stream.strided.gather [hbm4b:s6+s14], $0x1000, s15, s14, $0x38;
	[tilespmem:$0x12700] =	vst v63  }
0x160: {  	_ =	swait.ge [sflag:s4], $0x1000  }
0x161: {  	[sflag:s4] =	ssyncset.done $0x0  }
0x162: {  	[sflag:s4] =	ssyncadd.s32 $0xFFFFF000  }
0x163: {  	_ =	swait.ge [sflag:s4], $0x1000  }
0x164: {  	[sflag:s4] =	ssyncset.done $0x0  }
0x165: {  	[sflag:s4] =	ssyncadd.s32 $0xFFFFF000  }
0x166: {  	_ =	swait.ge [sflag:s4], $0x1000  }
0x167: {  	[sflag:s4] =	ssyncset.done $0x0  }
0x168: {  	[sflag:s4] =	ssyncadd.s32 $0xFFFFF000  }
0x169: {  	_ =	swait.ge [sflag:s4], $0x1000  }
0x16a: {  	[sflag:s4] =	ssyncset.done $0x0  }
0x16b: {  	[sflag:s4] =	ssyncadd.s32 $0xFFFFF000  }
0x16c: {  	_ =	swait.ge [sflag:s4], $0x1000  }
0x16d: {  	[sflag:s4] =	ssyncset.done $0x0  }
0x16e: {  	[sflag:s4] =	ssyncadd.s32 $0xFFFFF000  }
0x16f: {  	_ =	swait.ge [sflag:s4], $0x1000  }
0x170: {  	[sflag:s4] =	ssyncset.done $0x0  }
0x171: {  	[sflag:s4] =	ssyncadd.s32 $0xFFFFF000  }
0x172: {  	_ =	swait.ge [sflag:s4], $0x1000  }
0x173: {  	[sflag:s4] =	ssyncset.done $0x0  }
0x174: {  	[sflag:s4] =	ssyncadd.s32 $0xFFFFF000  }
0x175: {  	_ =	swait.ge [sflag:s4], $0x1000  }
0x176: {  	[sflag:s4] =	ssyncset.done $0x0  }
0x177: {  	[sflag:s4] =	ssyncadd.s32 $0xFFFFF000  }
0x178: {  	_ =	swait.ge [sflag:s4], $0x1000  }
0x179: {  	[sflag:s4] =	ssyncset.done $0x0  }
0x17a: {  	[sflag:s4] =	ssyncadd.s32 $0xFFFFF000  }
0x17b: {  	_ =	swait.ge [sflag:s4], $0x1000  }
0x17c: {  	[sflag:s4] =	ssyncset.done $0x0  }
0x17d: {  	[sflag:s4] =	ssyncadd.s32 $0xFFFFF000  }
0x17e: {  	_ =	swait.ge [sflag:s4], $0x1000  }
0x17f: {  	[sflag:s4] =	ssyncset.done $0x0  }
0x180: {  	[sflag:s4] =	ssyncadd.s32 $0xFFFFF000  }
0x181: {  	_ =	swait.ge [sflag:s4], $0x1000  }
0x182: {  	[sflag:s4] =	ssyncset.done $0x0  }
0x183: {  	[sflag:s4] =	ssyncadd.s32 $0xFFFFF000  }
0x184: {  	_ =	swait.ge [sflag:s4], $0x1000  }
0x185: {  	[sflag:s4] =	ssyncset.done $0x0  }
0x186: {  	[sflag:s4] =	ssyncadd.s32 $0xFFFFF000  }
0x187: {  	_ =	swait.ge [sflag:s4], $0x1000  }
0x188: {  	[sflag:s4] =	ssyncset.done $0x0  }
0x189: {  	[sflag:s4] =	ssyncadd.s32 $0xFFFFF000  }
0x18a: {  	v30 =	vand.u32 $0x7F, v30;
	_ =	swait.ge [sflag:s4], $0x1000  }
0x18b: {  	v31 =	vor.u32 v0, v30;
	[sflag:s4] =	ssyncset.done $0x0  }
0x18c: {  	[sflag:s4] =	ssyncadd.s32 $0xFFFFF000  }
0x18d: {  	_ =	swait.ge [sflag:s4], $0x1000  }
0x18e: {  	[sflag:s4] =	ssyncset.done $0x0  }
0x18f: {  	[sflag:s4] =	ssyncadd.s32 $0xFFFFF000  }
0x190: {  	v31 =	vld.idx.msk [tilespmem:v31+s16+$0x0], $0xffff  }
0x191: {  	v32 =	vor.u32 v1, v30;
	_ =	sdelay $0x3  }
0x192: {  	[tilespmem:$0x11500] =	vst v31  }
0x193: {  	v32 =	vld.idx.msk [tilespmem:v32+s16+$0x0], $0xffff  }
0x194: {  	v33 =	vor.u32 v2, v30;
	_ =	sdelay $0x3  }
0x195: {  	[tilespmem:$0x11580] =	vst v32  }
0x196: {  	v33 =	vld.idx.msk [tilespmem:v33+s16+$0x0], $0xffff  }
0x197: {  	v34 =	vor.u32 v3, v30;
	_ =	sdelay $0x3  }
0x198: {  	[tilespmem:$0x11600] =	vst v33  }
0x199: {  	v34 =	vld.idx.msk [tilespmem:v34+s16+$0x0], $0xffff  }
0x19a: {  	v35 =	vor.u32 v4, v30;
	_ =	sdelay $0x3  }
0x19b: {  	[tilespmem:$0x11680] =	vst v34  }
0x19c: {  	v35 =	vld.idx.msk [tilespmem:v35+s16+$0x0], $0xffff  }
0x19d: {  	v36 =	vor.u32 v5, v30;
	_ =	sdelay $0x3  }
0x19e: {  	[tilespmem:$0x11700] =	vst v35  }
0x19f: {  	v36 =	vld.idx.msk [tilespmem:v36+s16+$0x0], $0xffff  }
0x1a0: {  	v37 =	vor.u32 v6, v30;
	_ =	sdelay $0x3  }
0x1a1: {  	[tilespmem:$0x11780] =	vst v36  }
0x1a2: {  	v37 =	vld.idx.msk [tilespmem:v37+s16+$0x0], $0xffff  }
0x1a3: {  	v38 =	vor.u32 v7, v30;
	_ =	sdelay $0x3  }
0x1a4: {  	[tilespmem:$0x11800] =	vst v37  }
0x1a5: {  	v38 =	vld.idx.msk [tilespmem:v38+s16+$0x0], $0xffff  }
0x1a6: {  	v39 =	vor.u32 v8, v30;
	_ =	sdelay $0x3  }
0x1a7: {  	[tilespmem:$0x11880] =	vst v38  }
0x1a8: {  	v39 =	vld.idx.msk [tilespmem:v39+s16+$0x0], $0xffff  }
0x1a9: {  	v40 =	vor.u32 v9, v30;
	_ =	sdelay $0x3  }
0x1aa: {  	[tilespmem:$0x11900] =	vst v39  }
0x1ab: {  	v40 =	vld.idx.msk [tilespmem:v40+s16+$0x0], $0xffff  }
0x1ac: {  	v41 =	vor.u32 v10, v30;
	_ =	sdelay $0x3  }
0x1ad: {  	[tilespmem:$0x11980] =	vst v40  }
0x1ae: {  	v41 =	vld.idx.msk [tilespmem:v41+s16+$0x0], $0xffff  }
0x1af: {  	v42 =	vor.u32 v11, v30;
	_ =	sdelay $0x3  }
0x1b0: {  	[tilespmem:$0x11A00] =	vst v41  }
0x1b1: {  	v42 =	vld.idx.msk [tilespmem:v42+s16+$0x0], $0xffff  }
0x1b2: {  	v43 =	vor.u32 v12, v30;
	_ =	sdelay $0x3  }
0x1b3: {  	[tilespmem:$0x11A80] =	vst v42  }
0x1b4: {  	v43 =	vld.idx.msk [tilespmem:v43+s16+$0x0], $0xffff  }
0x1b5: {  	v44 =	vor.u32 v13, v30;
	_ =	sdelay $0x3  }
0x1b6: {  	[tilespmem:$0x11B00] =	vst v43  }
0x1b7: {  	v44 =	vld.idx.msk [tilespmem:v44+s16+$0x0], $0xffff  }
0x1b8: {  	v45 =	vor.u32 v14, v30;
	_ =	sdelay $0x3  }
0x1b9: {  	[tilespmem:$0x11B80] =	vst v44  }
0x1ba: {  	v45 =	vld.idx.msk [tilespmem:v45+s16+$0x0], $0xffff  }
0x1bb: {  	v46 =	vor.u32 v15, v30;
	_ =	sdelay $0x3  }
0x1bc: {  	[tilespmem:$0x11C00] =	vst v45  }
0x1bd: {  	v46 =	vld.idx.msk [tilespmem:v46+s16+$0x0], $0xffff  }
0x1be: {  	v47 =	vor.u32 v16, v30;
	_ =	sdelay $0x3  }
0x1bf: {  	[tilespmem:$0x11C80] =	vst v46  }
0x1c0: {  	v47 =	vld.idx.msk [tilespmem:v47+s16+$0x0], $0xffff  }
0x1c1: {  	v48 =	vor.u32 v17, v30;
	_ =	sdelay $0x3  }
0x1c2: {  	[tilespmem:$0x11D00] =	vst v47  }
0x1c3: {  	v48 =	vld.idx.msk [tilespmem:v48+s16+$0x0], $0xffff  }
0x1c4: {  	v49 =	vor.u32 v18, v30;
	_ =	sdelay $0x3  }
0x1c5: {  	[tilespmem:$0x11D80] =	vst v48  }
0x1c6: {  	v49 =	vld.idx.msk [tilespmem:v49+s16+$0x0], $0xffff  }
0x1c7: {  	v50 =	vor.u32 v19, v30;
	_ =	sdelay $0x3  }
0x1c8: {  	[tilespmem:$0x11E00] =	vst v49  }
0x1c9: {  	v50 =	vld.idx.msk [tilespmem:v50+s16+$0x0], $0xffff  }
0x1ca: {  	v51 =	vor.u32 v20, v30;
	_ =	sdelay $0x3  }
0x1cb: {  	[tilespmem:$0x11E80] =	vst v50  }
0x1cc: {  	v51 =	vld.idx.msk [tilespmem:v51+s16+$0x0], $0xffff  }
0x1cd: {  	v52 =	vor.u32 v21, v30;
	_ =	sdelay $0x2  }
0x1ce: {  	v53 =	vld [tilespmem:$0x10500]  }
0x1cf: {  	v55 =	vld [tilespmem:$0x10580];
	[tilespmem:$0x11F00] =	vst v51  }
0x1d0: {  	v52 =	vld.idx.msk [tilespmem:v52+s16+$0x0], $0xffff  }
0x1d1: {  	v54 =	vor.u32 v22, v30  }
0x1d2: {  	v58 =	vld [tilespmem:$0x1FE30]  }
0x1d3: {  	v57 =	vld [tilespmem:$0x1FE20]  }
0x1d4: {  	v56 =	vld [tilespmem:$0x10600]  }
0x1d5: {  	v31 =	vmul.f32 v53, v31;
	v53 =	vld [tilespmem:$0x10680];
	v32 =	vmul.f32 v55, v32;
	[tilespmem:$0x11F80] =	vst v52  }
0x1d6: {  	v54 =	vld.idx.msk [tilespmem:v54+s16+$0x0], $0xffff  }
0x1d7: {  	v55 =	vor.u32 v23, v30;
	v32 =	vmul.f32 v32, v58;
	v58 =	vld [tilespmem:$0x1FE40]  }
0x1d8: {  	v31 =	vmul.f32 v31, v57;
	_ =	sdelay $0x1  }
0x1d9: {  	v31 =	vadd.f32 $0.0e+00, v31;
	v33 =	vmul.f32 v56, v33  }
0x1da: {  	[tilespmem:$0x12000] =	vst v54  }
0x1db: {  	v31 =	vadd.f32 v32, v31;
	v32 =	vmul.f32 v33, v58;
	v58 =	vmul.f32 v53, v34;
	v53 =	vld.idx.msk [tilespmem:v55+s16+$0x0], $0xffff  }
0x1dc: {  	v55 =	vld [tilespmem:$0x1FE50];
	_ =	sdelay $0x2  }
0x1dd: {  	v57 =	vld [tilespmem:$0x10700];
	_ =	sdelay $0x1  }
0x1de: {  	v31 =	vadd.f32 v32, v31;
	v32 =	vmul.f32 v58, v55;
	v58 =	vld [tilespmem:$0x1FE60];
	_ =	sdelay $0x2  }
0x1df: {  	v56 =	vld [tilespmem:$0x10780];
	v57 =	vmul.f32 v57, v35;
	_ =	sdelay $0x1  }
0x1e0: {  	v31 =	vadd.f32 v32, v31;
	v32 =	vmul.f32 v57, v58;
	v58 =	vld [tilespmem:$0x1FE70];
	_ =	sdelay $0x2  }
0x1e1: {  	v34 =	vld [tilespmem:$0x10800];
	v35 =	vor.u32 v24, v30;
	v57 =	vmul.f32 v56, v36  }
0x1e2: {  	v55 =	vld [tilespmem:$0x10880]  }
0x1e3: {  	v31 =	vadd.f32 v32, v31;
	v32 =	vmul.f32 v57, v58;
	v57 =	vld [tilespmem:$0x1FE80];
	_ =	sdelay $0x1  }
0x1e4: {  	[tilespmem:$0x12080] =	vst v53  }
0x1e5: {  	v35 =	vld.idx.msk [tilespmem:v35+s16+$0x0], $0xffff;
	v56 =	vmul.f32 v34, v37  }
0x1e6: {  	v36 =	vld [tilespmem:$0x10900];
	v58 =	vmul.f32 v55, v38;
	v55 =	vor.u32 v25, v30  }
0x1e7: {  	v31 =	vadd.f32 v32, v31;
	v32 =	vmul.f32 v56, v57;
	v57 =	vld [tilespmem:$0x1FE90];
	_ =	sdelay $0x1  }
0x1e8: {  	v34 =	vld [tilespmem:$0x10980]  }
0x1e9: {  	[tilespmem:$0x12100] =	vst v35;
	v56 =	vld [tilespmem:$0x10A00]  }
0x1ea: {  	v37 =	vld.idx.msk [tilespmem:v55+s16+$0x0], $0xffff  }
0x1eb: {  	v31 =	vadd.f32 v32, v31;
	v32 =	vmul.f32 v58, v57;
	v58 =	vmul.f32 v36, v39;
	v39 =	vld [tilespmem:$0x1FEA0]  }
0x1ec: {  	v36 =	vld [tilespmem:$0x10A80]  }
0x1ed: {  	v40 =	vmul.f32 v34, v40;
	v34 =	vld [tilespmem:$0x10B00];
	v57 =	vor.u32 v26, v30  }
0x1ee: {  	v55 =	vld [tilespmem:$0x1FEB0]  }
0x1ef: {  	v56 =	vmul.f32 v56, v41;
	v41 =	vld [tilespmem:$0x1FEC0]  }
0x1f0: {  	v31 =	vadd.f32 v32, v31;
	v32 =	vmul.f32 v58, v39;
	v58 =	vld [tilespmem:$0x10B80]  }
0x1f1: {  	[tilespmem:$0x12180] =	vst v37;
	v42 =	vmul.f32 v36, v42;
	v36 =	vld [tilespmem:$0x10C00]  }
0x1f2: {  	v38 =	vld.idx.msk [tilespmem:v57+s16+$0x0], $0xffff  }
0x1f3: {  	v31 =	vadd.f32 v32, v31;
	v32 =	vmul.f32 v40, v55;
	v55 =	vld [tilespmem:$0x1FED0]  }
0x1f4: {  	v57 =	vld [tilespmem:$0x1FEE0]  }
0x1f5: {  	v39 =	vor.u32 v27, v30;
	v40 =	vld [tilespmem:$0x10D00]  }
0x1f6: {  	v31 =	vadd.f32 v32, v31;
	v32 =	vmul.f32 v56, v41;
	v56 =	vmul.f32 v34, v43;
	v34 =	vld [tilespmem:$0x10C80]  }
0x1f7: {  	v58 =	vmul.f32 v58, v44;
	v44 =	vld [tilespmem:$0x1FEF0]  }
0x1f8: {  	v43 =	vld [tilespmem:$0x1FF10];
	v31 =	vadd.f32 v32, v31;
	v32 =	vmul.f32 v42, v55  }
0x1f9: {  	v55 =	vld [tilespmem:$0x10D80]  }
0x1fa: {  	[tilespmem:$0x12200] =	vst v38;
	v31 =	vadd.f32 v32, v31;
	v32 =	vmul.f32 v56, v57;
	v56 =	vld [tilespmem:$0x1FF00]  }
0x1fb: {  	v39 =	vld.idx.msk [tilespmem:v39+s16+$0x0], $0xffff  }
0x1fc: {  	v31 =	vadd.f32 v32, v31;
	v32 =	vmul.f32 v58, v44;
	v58 =	vld [tilespmem:$0x10E00]  }
0x1fd: {  	v45 =	vmul.f32 v36, v45;
	v57 =	vmul.f32 v34, v46;
	v46 =	vld [tilespmem:$0x10E80]  }
0x1fe: {  	v44 =	vmul.f32 v40, v47;
	v47 =	vld [tilespmem:$0x1FF20]  }
0x1ff: {  	v48 =	vmul.f32 v55, v48;
	v55 =	vld [tilespmem:$0x10F00];
	v31 =	vadd.f32 v32, v31;
	v32 =	vmul.f32 v45, v56  }
0x200: {  	v56 =	vld [tilespmem:$0x1FF30]  }
0x201: {  	v31 =	vadd.f32 v32, v31;
	v32 =	vmul.f32 v57, v43;
	v57 =	vmul.f32 v58, v49;
	v58 =	vld [tilespmem:$0x10F80]  }
0x202: {  	v45 =	vor.u32 v28, v30;
	v49 =	vld [tilespmem:$0x1FF60]  }
0x203: {  	v31 =	vadd.f32 v32, v31;
	v32 =	vmul.f32 v44, v47;
	v44 =	vld [tilespmem:$0x1FF40]  }
0x204: {  	v36 =	vmul.f32 v55, v51;
	v51 =	vld [tilespmem:$0x1FF70]  }
0x205: {  	v47 =	vld [tilespmem:$0x1FF50];
	v31 =	vadd.f32 v32, v31;
	v32 =	vmul.f32 v48, v56  }
0x206: {  	[tilespmem:$0x12280] =	vst v39;
	v55 =	vld [tilespmem:$0x11180]  }
0x207: {  	v31 =	vadd.f32 v32, v31;
	v32 =	vld.idx.msk [tilespmem:v45+s16+$0x0], $0xffff  }
0x208: {  	v45 =	vmul.f32 v46, v50;
	v46 =	vld [tilespmem:$0x11000];
	v33 =	vmul.f32 v57, v44  }
0x209: {  	v48 =	vld [tilespmem:$0x11080]  }
0x20a: {  	v29 =	vor.u32 v29, v30;
	v56 =	vld [tilespmem:$0x1FF80];
	v31 =	vadd.f32 v33, v31;
	v33 =	vmul.f32 v45, v47  }
0x20b: {  	v34 =	vmul.f32 v58, v52;
	v58 =	vld [tilespmem:$0x11200]  }
0x20c: {  	v50 =	vld [tilespmem:$0x11100];
	v31 =	vadd.f32 v33, v31;
	v33 =	vmul.f32 v36, v49  }
0x20d: {  	v52 =	vmul.f32 v46, v54;
	v54 =	vor.u32 v63, v30;
	v63 =	vld [tilespmem:$0x1FF90]  }
0x20e: {  	v47 =	vld [tilespmem:$0x1FFA0];
	[tilespmem:$0x12300] =	vst v32;
	v31 =	vadd.f32 v33, v31;
	v33 =	vmul.f32 v34, v51  }
0x20f: {  	v29 =	vld.idx.msk [tilespmem:v29+s16+$0x0], $0xffff  }
0x210: {  	v44 =	vld [tilespmem:$0x11280];
	v57 =	vmul.f32 v48, v53;
	v31 =	vadd.f32 v33, v31;
	v33 =	vmul.f32 v52, v56  }
0x211: {  	v49 =	vld [tilespmem:$0x1FFB0]  }
0x212: {  	v48 =	vld [tilespmem:$0x11300];
	v43 =	vmul.f32 v50, v35;
	v31 =	vadd.f32 v33, v31;
	v33 =	vmul.f32 v57, v63  }
0x213: {  	v52 =	vld [tilespmem:$0x1FFC0]  }
0x214: {  	v45 =	vmul.f32 v55, v37;
	v55 =	vld [tilespmem:$0x1FFD0];
	v34 =	vmul.f32 v43, v47;
	[tilespmem:$0x12380] =	vst v29;
	v31 =	vadd.f32 v33, v31  }
0x215: {  	v30 =	vor.u32 v62, v30;
	v46 =	vld.idx.msk [tilespmem:v54+s16+$0x0], $0xffff  }
0x216: {  	v50 =	vmul.f32 v58, v38;
	v51 =	vld [tilespmem:$0x11380];
	v33 =	vmul.f32 v45, v49;
	v31 =	vadd.f32 v34, v31  }
0x217: {  	v57 =	vld [tilespmem:$0x1FFE0]  }
0x218: {  	v62 =	vld [tilespmem:$0x1FFF0];
	v53 =	vmul.f32 v44, v39;
	v31 =	vadd.f32 v33, v31;
	v33 =	vmul.f32 v50, v52  }
0x219: {  	v54 =	vld [tilespmem:$0x11400]  }
0x21a: {  	v32 =	vmul.f32 v48, v32;
	v56 =	vld [tilespmem:$0x11480];
	[tilespmem:$0x12400] =	vst v46;
	v31 =	vadd.f32 v33, v31;
	v33 =	vmul.f32 v53, v55  }
0x21b: {  	v30 =	vld.idx.msk [tilespmem:v30+s16+$0x0], $0xffff  }
0x21c: {  	v29 =	vmul.f32 v51, v29;
	v32 =	vmul.f32 v32, v57;
	v31 =	vadd.f32 v33, v31;
	_ =	sdelay $0x1  }
0x21d: {  	v29 =	vmul.f32 v29, v62;
	v58 =	vmul.f32 v54, v46;
	v31 =	vadd.f32 v32, v31;
	_ =	sdelay $0x1  }
0x21e: {  	v63 =	vmul.f32 v56, v30;
	v29 =	vadd.f32 v29, v31;
	v31 =	vmul.f32 v58, v60;
	_ =	sdelay $0x1  }
0x21f: {  	v29 =	vadd.f32 v31, v29;
	v31 =	vmul.f32 v63, v61;
	_ =	sdelay $0x1  }
0x220: {  	v29 =	vadd.f32 v31, v29;
	_ =	sdelay $0x1  }
0x221: {  	v29 =	vadd.f32 v29, v59;
	_ =	sdelay $0x1  }
0x222: {  	v29 =	vsub.f32 $0.0e+00, v29;
	_ =	sdelay $0x1  }
0x223: {  	v29 =	vmul.f32 $1.442695020e+00, v29;
	_ =	sdelay $0x1  }
0x224: {  	(erf) = vpow2.f32 v29;
	_ =	sdelay $0x8  }
0x225: {  	v29 =	vpop (erf)  }
0x226: {  	v29 =	vadd.f32 $1.000000000e+00, v29;
	_ =	sdelay $0x1  }
0x227: {  	(erf) = vrcp.f32 v29;
	_ =	sdelay $0x4  }
0x228: {  	p0 =	sne.s32 s13, $0x7C0  }
.Ltmp0:
0x229: {  	_ = 	snop;
	(pc) =	sbr.rel @p0 .LBB2_2-.Ltmp0, $3  }
0x22a: {  	_ =	sdelay $0x1  }
0x22b: {  	[tilespmem:$0x12480] =	vst v30;
	v29 =	vpop (erf)  }
0x22c: {  	s13 =	sadd.s32 $0x40, s13;
	[tilespmem:s3+$0x12500] =	vst v29  }
0x22d: {  	s12 =	sadd.s32 $0x1, s12  }
0x22e: {  	p0 =	sne.s32 s12, s10  }
.Ltmp1:
0x22f: {  	s3 =	simm.s32 $0x12500;
	(pc) =	sbr.rel @p0 .LBB2_1-.Ltmp1, $4  }
0x230: {  	[hbm4b:s9+s5] =	stream.linear.scatter [tilespmem:s3], [sflag:$0x2], $0x200, $0x38;
	[tilespmem:$0x12700] =	vst v63  }
0x231: {  	_ =	swait.ge [sflag:s11], $0x200  }
0x232: {  	[sflag:s11] =	ssyncset.done $0x0  }
0x233: {  	[sflag:s11] =	ssyncadd.s32 $0xFFFFFE00  }
0x234: {  	_ =	sfence.sel $0x180000  }
0x235: {  	[bflag:$0x0] =	sbarrier.arrive $0xFFFF  }
0x236: {  	_ =	strace $0x90000047  }
0x237: {  	s0 =	stileid.u32;
	[bflag:$0x2] =	sbarrier.arrive $0xFFFF  }
0x238: {  	p0 =	sne.s32 s0, $0x0;
	s0 =	rddreg [dreg:$0x7]  }
0x239: {  	s0 =	sadd.s32 @!p0 $0x100000, s0  }
0x23a: {  	[sflag:s0] =	ssyncadd.tile.s32 @!p0 $0x1;
	_ =	shalt  }
.Lfunc_end2:
_tile_overlayer_lowered:
.L_overlay_start_2:
0x23b: {  	(tag) =	ssettag $0x2  }
0x23c: {  	s0 =	rddreg [dreg:$0x0];
	s2 =	stileid.u32  }
0x23d: {  	s1 =	rddreg [dreg:$0x1];
	p0 =	sne.s32 s2, $0x0  }
0x23e: {  	s3 =	rddreg [dreg:$0x2];
	[bflag:$0x3] =	sbarrier.arrive $0xFFFF;
	s2 =	simm.s32 @!p0 $0x1C02  }
0x23f: {  	[timem:s3], [sflag:s2] =	dma.local @!p0 [hbm:s0], s1  }
0x240: {  	s0 =	simm.s32 @!p0 $0x2  }
0x241: {  	_ =	swait.ge @!p0 [sflag:s0], s1  }
0x242: {  	s1 =	ssub.s32 @!p0 $0x0, s1;
	[sflag:s0] =	ssyncset.done @!p0 $0x0  }
0x243: {  	[sflag:s0] =	ssyncadd.s32 @!p0 s1  }
0x244: {  	[bflag:$0x3] =	sbarrier.arrive $0xFFFF  }
0x245: {  	_ =	shalt  }

</sc_bundles>
